<compile_context>
chip_gen: v7x
topology: tpu7x:2x2x1
jax: 0.10.2.dev20260603
libtpu: 0.0.44.dev20260713+nightly
codegen_flags: <defaults>
</compile_context>

<pallas_src>
import functools

import jax
import jax.numpy as jnp
from jax import lax
from jax.experimental import pallas as pl
from jax.experimental.pallas import tpu as pltpu
from jax.experimental.pallas import tpu_sc as plsc

N = 10000
E = 320000
F = 128
C = 64
NC, NS = 2, 16
NW = NC * NS
CHUNK = 128
NCHF = 112
NCHS = 46
CF = 0
EPAD = (NCHF + NCHS) * CHUNK * NS
NPAD = 10240
RPT = NPAD // NS
BLK = 1024
OBLK = 1000


def _mesh():
    return plsc.VectorSubcoreMesh(core_axis_name="c", subcore_axis_name="s")


@functools.partial(
    pl.kernel,
    out_type=jax.ShapeDtypeStruct((NC, NPAD, F), jnp.float32),
    mesh=_mesh(),
    scratch_types=[
        pltpu.VMEM((NCHF, CHUNK), jnp.int32),
        pltpu.VMEM((NCHF, CHUNK), jnp.int32),
        pltpu.VMEM((CHUNK, F), jnp.float32),
        pltpu.VMEM_SHARED((NPAD, F), jnp.float32),
        pltpu.SemaphoreType.DMA,
    ],
)
def _agg_kernel(hp_hbm, srcf_hbm, dstf_hbm, srcs_hbm, dsts_hbm, z128_hbm,
                out_hbm, src_v, dst_v, rows_v, acc, sem):
    cid = lax.axis_index("c")
    sid = lax.axis_index("s")

    @pl.when(cid == CF)
    def _():
        pltpu.sync_copy(srcf_hbm.at[sid], src_v)
        pltpu.sync_copy(dstf_hbm.at[sid], dst_v)

    @pl.when(cid != CF)
    def _():
        pltpu.sync_copy(srcs_hbm.at[sid], src_v.at[pl.ds(0, NCHS)])
        pltpu.sync_copy(dsts_hbm.at[sid], dst_v.at[pl.ds(0, NCHS)])

    pltpu.sync_copy(z128_hbm, acc.at[pl.ds(sid * RPT, RPT)])
    plsc.subcore_barrier()

    def body(j, carry):
        pltpu.async_copy(hp_hbm.at[src_v.at[j]], rows_v, sem).wait()
        pltpu.sync_copy(rows_v, acc.at[dst_v.at[j]], add=True)
        return carry

    @pl.when(cid == CF)
    def _():
        lax.fori_loop(0, NCHF, body, 0)

    @pl.when(cid != CF)
    def _():
        lax.fori_loop(0, NCHS, body, 0)

    plsc.subcore_barrier()
    pltpu.sync_copy(acc.at[pl.ds(sid * RPT, RPT)],
                    out_hbm.at[cid, pl.ds(sid * RPT, RPT)])


def _dis(degs_ref):
    return lax.rsqrt(degs_ref[...] + 1.0)


def _mm_scale_body(x_ref, w_ref, degs_ref, o_ref):
    h = jnp.dot(x_ref[...], w_ref[...], preferred_element_type=jnp.float32)
    o_ref[...] = h * _dis(degs_ref)


def _combine_mm_body(p_ref, hp_ref, degs_ref, b_ref, w_ref, o_ref, *, act):
    dis = _dis(degs_ref)
    xn = dis * (p_ref[0] + p_ref[1] + hp_ref[...]) + b_ref[...]
    if act:
        xn = jnp.maximum(xn, 0.0)
    o_ref[...] = dis * jnp.dot(xn, w_ref[...],
                               preferred_element_type=jnp.float32)


def _head_body(p_ref, hp_ref, degs_ref, b_ref, wl_ref, bl_ref, o_ref):
    dis = _dis(degs_ref)
    x4 = dis * (p_ref[0] + p_ref[1] + hp_ref[...]) + b_ref[...]
    logits = jnp.dot(x4, wl_ref[...], preferred_element_type=jnp.float32)
    logits = logits + bl_ref[...]
    m = jnp.max(logits, axis=1, keepdims=True)
    shifted = logits - m
    o_ref[...] = shifted - jnp.log(
        jnp.sum(jnp.exp(shifted), axis=1, keepdims=True))


def _mm_scale(x, w, degs):
    grid = NPAD // BLK
    return pl.pallas_call(
        _mm_scale_body,
        grid=(grid,),
        in_specs=[
            pl.BlockSpec((BLK, F), lambda i: (i, 0)),
            pl.BlockSpec((F, F), lambda i: (0, 0)),
            pl.BlockSpec((BLK, 1), lambda i: (i, 0)),
        ],
        out_specs=pl.BlockSpec((BLK, F), lambda i: (i, 0)),
        out_shape=jax.ShapeDtypeStruct((NPAD, F), jnp.float32),
    )(x, w, degs)


def _combine_mm(p, hp, degs, b, w, act):
    grid = NPAD // BLK
    return pl.pallas_call(
        functools.partial(_combine_mm_body, act=act),
        grid=(grid,),
        in_specs=[
            pl.BlockSpec((NC, BLK, F), lambda i: (0, i, 0)),
            pl.BlockSpec((BLK, F), lambda i: (i, 0)),
            pl.BlockSpec((BLK, 1), lambda i: (i, 0)),
            pl.BlockSpec((1, F), lambda i: (0, 0)),
            pl.BlockSpec((F, F), lambda i: (0, 0)),
        ],
        out_specs=pl.BlockSpec((BLK, F), lambda i: (i, 0)),
        out_shape=jax.ShapeDtypeStruct((NPAD, F), jnp.float32),
    )(p, hp, degs, b.reshape(1, F), w)


def _head(p, hp, degs, b, wl, bl):
    grid = N // OBLK
    return pl.pallas_call(
        _head_body,
        grid=(grid,),
        in_specs=[
            pl.BlockSpec((NC, OBLK, F), lambda i: (0, i, 0)),
            pl.BlockSpec((OBLK, F), lambda i: (i, 0)),
            pl.BlockSpec((OBLK, 1), lambda i: (i, 0)),
            pl.BlockSpec((1, F), lambda i: (0, 0)),
            pl.BlockSpec((F, C), lambda i: (0, 0)),
            pl.BlockSpec((1, C), lambda i: (0, 0)),
        ],
        out_specs=pl.BlockSpec((OBLK, C), lambda i: (i, 0)),
        out_shape=jax.ShapeDtypeStruct((N, C), jnp.float32),
    )(p, hp, degs, b.reshape(1, F), wl, bl.reshape(1, C))


def kernel(x, edge_index, W1, b1, W2, b2, W3, b3, W4, b4, Wl, bl):
    ei = edge_index.astype(jnp.int32)
    pad = jnp.full((EPAD - E,), N, jnp.int32)
    nf = NS * NCHF * CHUNK
    srcflat = jnp.concatenate([ei[0], pad])
    dstflat = jnp.concatenate([ei[1], pad])
    srcf = srcflat[:nf].reshape(NS, NCHF, CHUNK)
    dstf = dstflat[:nf].reshape(NS, NCHF, CHUNK)
    srcs = srcflat[nf:].reshape(NS, NCHS, CHUNK)
    dsts = dstflat[nf:].reshape(NS, NCHS, CHUNK)
    z128 = jnp.zeros((RPT, F), jnp.float32)
    ones_t = jnp.ones((NPAD, F), jnp.float32)

    pdeg = _agg_kernel(ones_t, srcf, dstf, srcs, dsts, z128)
    degs = (pdeg[0, :, 0] + pdeg[1, :, 0]).reshape(NPAD, 1)
    h1 = _mm_scale(x, W1, degs)
    p = _agg_kernel(h1, srcf, dstf, srcs, dsts, z128)
    h2 = _combine_mm(p, h1, degs, b1, W2, act=True)
    p = _agg_kernel(h2, srcf, dstf, srcs, dsts, z128)
    h3 = _combine_mm(p, h2, degs, b2, W3, act=False)
    p = _agg_kernel(h3, srcf, dstf, srcs, dsts, z128)
    h4 = _combine_mm(p, h3, degs, b3, W4, act=True)
    p = _agg_kernel(h4, srcf, dstf, srcs, dsts, z128)
    return _head(p, h4, degs, b4, Wl, bl)

# --- scband reference (transcript-rebuilt; emitter-appended) ---
"""Pipeline reference for scband-gcn4-layer-py-g-996432412812 (READ-ONLY COPY).

The authoritative reference and input builder live on the scoring server;
editing this copy changes nothing except your own understanding.
"""

import jax, jax.numpy as jnp
import numpy as np

N_NODES = 10000
N_EDGES = 320000
NFEAT = 128
NHID = 128
NCLASS = 64


def glorot(key, shape):
    limit = float(np.sqrt(6.0 / (shape[0] + shape[1])))
    return jax.random.uniform(key, shape, jnp.float32, -limit, limit)


def gcn_conv(x, edge_index, W, b):
    # Faithful to PyG GCNConv: add self-loops, symmetric normalization,
    # message = norm * (x W)[src], aggregate sum at dst, then add bias.
    n = x.shape[0]
    src = edge_index[0]
    dst = edge_index[1]
    loop = jnp.arange(n, dtype=edge_index.dtype)
    src = jnp.concatenate([src, loop])
    dst = jnp.concatenate([dst, loop])
    deg = jnp.zeros((n,), x.dtype).at[dst].add(1.0)
    deg_inv_sqrt = jnp.where(deg > 0, 1.0 / jnp.sqrt(deg), 0.0)
    norm = deg_inv_sqrt[src] * deg_inv_sqrt[dst]
    h = x @ W
    msg = h[src] * norm[:, None]
    out = jnp.zeros((n, W.shape[1]), x.dtype).at[dst].add(msg)
    return out + b


def setup_inputs(seed: int = 0) -> dict:
    key = jax.random.key(seed)
    ks = jax.random.split(key, 16)
    x = jax.random.normal(ks[0], (N_NODES, NFEAT), jnp.float32)
    edge_index = jax.random.randint(ks[1], (2, N_EDGES), 0, N_NODES)
    W1 = glorot(ks[2], (NFEAT, NHID)); b1 = jnp.zeros((NHID,), jnp.float32)
    W2 = glorot(ks[3], (NHID, NHID)); b2 = jnp.zeros((NHID,), jnp.float32)
    W3 = glorot(ks[4], (NHID, NHID)); b3 = jnp.zeros((NHID,), jnp.float32)
    W4 = glorot(ks[5], (NHID, NHID)); b4 = jnp.zeros((NHID,), jnp.float32)
    Wl = glorot(ks[6], (NHID, NCLASS)); bl = jnp.zeros((NCLASS,), jnp.float32)
    return {"x": x, "edge_index": edge_index,
            "W1": W1, "b1": b1, "W2": W2, "b2": b2,
            "W3": W3, "b3": b3, "W4": W4, "b4": b4,
            "Wl": Wl, "bl": bl}


def reference(x, edge_index, W1, b1, W2, b2, W3, b3, W4, b4, Wl, bl):
    x1 = jax.nn.relu(gcn_conv(x, edge_index, W1, b1))
    x2 = gcn_conv(x1, edge_index, W2, b2)
    x3 = jax.nn.relu(gcn_conv(x2, edge_index, W3, b3))
    x4 = gcn_conv(x3, edge_index, W4, b4)
    out = x4 @ Wl + bl
    # dropout is identity in eval mode (training=False)
    return jax.nn.log_softmax(out, axis=1)

if __name__ == "__main__":
    import jax
    _d = setup_inputs()
    print(jax.jit(kernel)(*tuple(_d.values())))

</pallas_src>

<mosaic_0001>
#map = affine_map<(d0, d1) -> (0, 0)>
#map1 = affine_map<(d0, d1) -> (0, 0, 0)>
module attributes {stable_mosaic.version = 14 : i64} {
  func.func @_agg_kernel(%arg0: i32, %arg1: i32, %arg2: memref<10240x128xf32, #tpu.memory_space<hbm>>, %arg3: memref<16x112x128xi32, #tpu.memory_space<hbm>>, %arg4: memref<16x112x128xi32, #tpu.memory_space<hbm>>, %arg5: memref<16x46x128xi32, #tpu.memory_space<hbm>>, %arg6: memref<16x46x128xi32, #tpu.memory_space<hbm>>, %arg7: memref<640x128xf32, #tpu.memory_space<hbm>>, %arg8: memref<2x10240x128xf32, #tpu.memory_space<hbm>>, %arg9: memref<112x128xi32, #tpu.memory_space<vmem>>, %arg10: memref<112x128xi32, #tpu.memory_space<vmem>>, %arg11: memref<128x128xf32, #tpu.memory_space<vmem>>, %arg12: memref<10240x128xf32, #tpu.memory_space<vmem_shared>>, %arg13: memref<!tpu.dma_semaphore, #tpu.memory_space<semaphore_mem>>) attributes {dimension_semantics = [#tpu.dimension_semantics<core_parallel>, #tpu.dimension_semantics<subcore_parallel>], iteration_bounds = array<i64: 2, 16>, scalar_prefetch = 0 : i64, scratch_operands = 5 : i64, tpu.core_type = #tpu.core_type<sc_vector_subcore>, window_params = [{transform_indices = #map}, {transform_indices = #map1}, {transform_indices = #map1}, {transform_indices = #map1}, {transform_indices = #map1}, {transform_indices = #map}, {transform_indices = #map1}]} {
    %eq3A = arith.constant 0 : i32
    %eq3A_0 = arith.cmpi eq, %arg0, %eq3A : i32
    %convert_element_type3A = arith.extui %eq3A_0 : i1 to i32
    %cond3A = arith.constant 0 : i32
    %cond3A_1 = arith.cmpi ne, %convert_element_type3A, %cond3A : i32
    scf.if %cond3A_1 {
      "tpu.region"() ({
        %run_scoped3A = tpu.sem_alloc : memref<!tpu.dma_semaphore, #tpu.memory_space<semaphore_mem>>
        %dma_start3A = arith.constant 0 : i32
        %dma_start3A_22 = arith.constant 0 : i32
        %dma_start3A_23 = tpu.memref_slice %arg3[%arg1, %dma_start3A, %dma_start3A_22] : memref<16x112x128xi32, #tpu.memory_space<hbm>> -> memref<1x112x128xi32, #tpu.memory_space<hbm>>
        %dma_start3A_24 = tpu.memref_squeeze %dma_start3A_23 : memref<1x112x128xi32, #tpu.memory_space<hbm>> -> memref<112x128xi32, #tpu.memory_space<hbm>>
        %dma_start3A_25 = arith.constant 0 : i32
        %dma_start3A_26 = arith.constant 0 : i32
        %dma_start3A_27 = tpu.memref_slice %arg3[%arg1, %dma_start3A_25, %dma_start3A_26] : memref<16x112x128xi32, #tpu.memory_space<hbm>> -> memref<1x112x128xi32, #tpu.memory_space<hbm>>
        %dma_start3A_28 = tpu.memref_squeeze %dma_start3A_27 : memref<1x112x128xi32, #tpu.memory_space<hbm>> -> memref<112x128xi32, #tpu.memory_space<hbm>>
        tpu.enqueue_dma source(%dma_start3A_28 : memref<112x128xi32, #tpu.memory_space<hbm>>) target(%arg9 : memref<112x128xi32, #tpu.memory_space<vmem>>) target_semaphore(%run_scoped3A : memref<!tpu.dma_semaphore, #tpu.memory_space<semaphore_mem>>)
        %dma_wait3A = arith.constant 0 : i32
        %dma_wait3A_29 = arith.constant 0 : i32
        %dma_wait3A_30 = tpu.memref_slice %arg3[%arg1, %dma_wait3A, %dma_wait3A_29] : memref<16x112x128xi32, #tpu.memory_space<hbm>> -> memref<1x112x128xi32, #tpu.memory_space<hbm>>
        %dma_wait3A_31 = tpu.memref_squeeze %dma_wait3A_30 : memref<1x112x128xi32, #tpu.memory_space<hbm>> -> memref<112x128xi32, #tpu.memory_space<hbm>>
        %dma_wait3A_32 = arith.constant 0 : i32
        %dma_wait3A_33 = arith.constant 0 : i32
        %dma_wait3A_34 = tpu.memref_slice %arg3[%arg1, %dma_wait3A_32, %dma_wait3A_33] : memref<16x112x128xi32, #tpu.memory_space<hbm>> -> memref<1x112x128xi32, #tpu.memory_space<hbm>>
        %dma_wait3A_35 = tpu.memref_squeeze %dma_wait3A_34 : memref<1x112x128xi32, #tpu.memory_space<hbm>> -> memref<112x128xi32, #tpu.memory_space<hbm>>
        tpu.wait_dma2 semaphore(%run_scoped3A : memref<!tpu.dma_semaphore, #tpu.memory_space<semaphore_mem>>) src(%dma_wait3A_35 : memref<112x128xi32, #tpu.memory_space<hbm>>) dst(%arg9 : memref<112x128xi32, #tpu.memory_space<vmem>>)
        tpu.yield
      }) : () -> ()
      "tpu.region"() ({
        %run_scoped3A = tpu.sem_alloc : memref<!tpu.dma_semaphore, #tpu.memory_space<semaphore_mem>>
        %dma_start3A = arith.constant 0 : i32
        %dma_start3A_22 = arith.constant 0 : i32
        %dma_start3A_23 = tpu.memref_slice %arg4[%arg1, %dma_start3A, %dma_start3A_22] : memref<16x112x128xi32, #tpu.memory_space<hbm>> -> memref<1x112x128xi32, #tpu.memory_space<hbm>>
        %dma_start3A_24 = tpu.memref_squeeze %dma_start3A_23 : memref<1x112x128xi32, #tpu.memory_space<hbm>> -> memref<112x128xi32, #tpu.memory_space<hbm>>
        %dma_start3A_25 = arith.constant 0 : i32
        %dma_start3A_26 = arith.constant 0 : i32
        %dma_start3A_27 = tpu.memref_slice %arg4[%arg1, %dma_start3A_25, %dma_start3A_26] : memref<16x112x128xi32, #tpu.memory_space<hbm>> -> memref<1x112x128xi32, #tpu.memory_space<hbm>>
        %dma_start3A_28 = tpu.memref_squeeze %dma_start3A_27 : memref<1x112x128xi32, #tpu.memory_space<hbm>> -> memref<112x128xi32, #tpu.memory_space<hbm>>
        tpu.enqueue_dma source(%dma_start3A_28 : memref<112x128xi32, #tpu.memory_space<hbm>>) target(%arg10 : memref<112x128xi32, #tpu.memory_space<vmem>>) target_semaphore(%run_scoped3A : memref<!tpu.dma_semaphore, #tpu.memory_space<semaphore_mem>>)
        %dma_wait3A = arith.constant 0 : i32
        %dma_wait3A_29 = arith.constant 0 : i32
        %dma_wait3A_30 = tpu.memref_slice %arg4[%arg1, %dma_wait3A, %dma_wait3A_29] : memref<16x112x128xi32, #tpu.memory_space<hbm>> -> memref<1x112x128xi32, #tpu.memory_space<hbm>>
        %dma_wait3A_31 = tpu.memref_squeeze %dma_wait3A_30 : memref<1x112x128xi32, #tpu.memory_space<hbm>> -> memref<112x128xi32, #tpu.memory_space<hbm>>
        %dma_wait3A_32 = arith.constant 0 : i32
        %dma_wait3A_33 = arith.constant 0 : i32
        %dma_wait3A_34 = tpu.memref_slice %arg4[%arg1, %dma_wait3A_32, %dma_wait3A_33] : memref<16x112x128xi32, #tpu.memory_space<hbm>> -> memref<1x112x128xi32, #tpu.memory_space<hbm>>
        %dma_wait3A_35 = tpu.memref_squeeze %dma_wait3A_34 : memref<1x112x128xi32, #tpu.memory_space<hbm>> -> memref<112x128xi32, #tpu.memory_space<hbm>>
        tpu.wait_dma2 semaphore(%run_scoped3A : memref<!tpu.dma_semaphore, #tpu.memory_space<semaphore_mem>>) src(%dma_wait3A_35 : memref<112x128xi32, #tpu.memory_space<hbm>>) dst(%arg10 : memref<112x128xi32, #tpu.memory_space<vmem>>)
        tpu.yield
      }) : () -> ()
    } else {
    }
    %ne3A = arith.constant 0 : i32
    %ne3A_2 = arith.cmpi ne, %arg0, %ne3A : i32
    %convert_element_type3A_3 = arith.extui %ne3A_2 : i1 to i32
    %cond3A_4 = arith.constant 0 : i32
    %cond3A_5 = arith.cmpi ne, %convert_element_type3A_3, %cond3A_4 : i32
    scf.if %cond3A_5 {
      "tpu.region"() ({
        %run_scoped3A = tpu.sem_alloc : memref<!tpu.dma_semaphore, #tpu.memory_space<semaphore_mem>>
        %dma_start3A = arith.constant 0 : i32
        %dma_start3A_22 = arith.constant 0 : i32
        %dma_start3A_23 = tpu.memref_slice %arg9[%dma_start3A, %dma_start3A_22] : memref<112x128xi32, #tpu.memory_space<vmem>> -> memref<46x128xi32, #tpu.memory_space<vmem>>
        %dma_start3A_24 = arith.constant 0 : i32
        %dma_start3A_25 = arith.constant 0 : i32
        %dma_start3A_26 = tpu.memref_slice %arg5[%arg1, %dma_start3A_24, %dma_start3A_25] : memref<16x46x128xi32, #tpu.memory_space<hbm>> -> memref<1x46x128xi32, #tpu.memory_space<hbm>>
        %dma_start3A_27 = tpu.memref_squeeze %dma_start3A_26 : memref<1x46x128xi32, #tpu.memory_space<hbm>> -> memref<46x128xi32, #tpu.memory_space<hbm>>
        %dma_start3A_28 = arith.constant 0 : i32
        %dma_start3A_29 = arith.constant 0 : i32
        %dma_start3A_30 = tpu.memref_slice %arg9[%dma_start3A_28, %dma_start3A_29] : memref<112x128xi32, #tpu.memory_space<vmem>> -> memref<46x128xi32, #tpu.memory_space<vmem>>
        %dma_start3A_31 = arith.constant 0 : i32
        %dma_start3A_32 = arith.constant 0 : i32
        %dma_start3A_33 = tpu.memref_slice %arg5[%arg1, %dma_start3A_31, %dma_start3A_32] : memref<16x46x128xi32, #tpu.memory_space<hbm>> -> memref<1x46x128xi32, #tpu.memory_space<hbm>>
        %dma_start3A_34 = tpu.memref_squeeze %dma_start3A_33 : memref<1x46x128xi32, #tpu.memory_space<hbm>> -> memref<46x128xi32, #tpu.memory_space<hbm>>
        tpu.enqueue_dma source(%dma_start3A_34 : memref<46x128xi32, #tpu.memory_space<hbm>>) target(%dma_start3A_30 : memref<46x128xi32, #tpu.memory_space<vmem>>) target_semaphore(%run_scoped3A : memref<!tpu.dma_semaphore, #tpu.memory_space<semaphore_mem>>)
        %dma_wait3A = arith.constant 0 : i32
        %dma_wait3A_35 = arith.constant 0 : i32
        %dma_wait3A_36 = tpu.memref_slice %arg9[%dma_wait3A, %dma_wait3A_35] : memref<112x128xi32, #tpu.memory_space<vmem>> -> memref<46x128xi32, #tpu.memory_space<vmem>>
        %dma_wait3A_37 = arith.constant 0 : i32
        %dma_wait3A_38 = arith.constant 0 : i32
        %dma_wait3A_39 = tpu.memref_slice %arg5[%arg1, %dma_wait3A_37, %dma_wait3A_38] : memref<16x46x128xi32, #tpu.memory_space<hbm>> -> memref<1x46x128xi32, #tpu.memory_space<hbm>>
        %dma_wait3A_40 = tpu.memref_squeeze %dma_wait3A_39 : memref<1x46x128xi32, #tpu.memory_space<hbm>> -> memref<46x128xi32, #tpu.memory_space<hbm>>
        %dma_wait3A_41 = arith.constant 0 : i32
        %dma_wait3A_42 = arith.constant 0 : i32
        %dma_wait3A_43 = tpu.memref_slice %arg9[%dma_wait3A_41, %dma_wait3A_42] : memref<112x128xi32, #tpu.memory_space<vmem>> -> memref<46x128xi32, #tpu.memory_space<vmem>>
        %dma_wait3A_44 = arith.constant 0 : i32
        %dma_wait3A_45 = arith.constant 0 : i32
        %dma_wait3A_46 = tpu.memref_slice %arg5[%arg1, %dma_wait3A_44, %dma_wait3A_45] : memref<16x46x128xi32, #tpu.memory_space<hbm>> -> memref<1x46x128xi32, #tpu.memory_space<hbm>>
        %dma_wait3A_47 = tpu.memref_squeeze %dma_wait3A_46 : memref<1x46x128xi32, #tpu.memory_space<hbm>> -> memref<46x128xi32, #tpu.memory_space<hbm>>
        tpu.wait_dma2 semaphore(%run_scoped3A : memref<!tpu.dma_semaphore, #tpu.memory_space<semaphore_mem>>) src(%dma_wait3A_47 : memref<46x128xi32, #tpu.memory_space<hbm>>) dst(%dma_wait3A_43 : memref<46x128xi32, #tpu.memory_space<vmem>>)
        tpu.yield
      }) : () -> ()
      "tpu.region"() ({
        %run_scoped3A = tpu.sem_alloc : memref<!tpu.dma_semaphore, #tpu.memory_space<semaphore_mem>>
        %dma_start3A = arith.constant 0 : i32
        %dma_start3A_22 = arith.constant 0 : i32
        %dma_start3A_23 = tpu.memref_slice %arg10[%dma_start3A, %dma_start3A_22] : memref<112x128xi32, #tpu.memory_space<vmem>> -> memref<46x128xi32, #tpu.memory_space<vmem>>
        %dma_start3A_24 = arith.constant 0 : i32
        %dma_start3A_25 = arith.constant 0 : i32
        %dma_start3A_26 = tpu.memref_slice %arg6[%arg1, %dma_start3A_24, %dma_start3A_25] : memref<16x46x128xi32, #tpu.memory_space<hbm>> -> memref<1x46x128xi32, #tpu.memory_space<hbm>>
        %dma_start3A_27 = tpu.memref_squeeze %dma_start3A_26 : memref<1x46x128xi32, #tpu.memory_space<hbm>> -> memref<46x128xi32, #tpu.memory_space<hbm>>
        %dma_start3A_28 = arith.constant 0 : i32
        %dma_start3A_29 = arith.constant 0 : i32
        %dma_start3A_30 = tpu.memref_slice %arg10[%dma_start3A_28, %dma_start3A_29] : memref<112x128xi32, #tpu.memory_space<vmem>> -> memref<46x128xi32, #tpu.memory_space<vmem>>
        %dma_start3A_31 = arith.constant 0 : i32
        %dma_start3A_32 = arith.constant 0 : i32
        %dma_start3A_33 = tpu.memref_slice %arg6[%arg1, %dma_start3A_31, %dma_start3A_32] : memref<16x46x128xi32, #tpu.memory_space<hbm>> -> memref<1x46x128xi32, #tpu.memory_space<hbm>>
        %dma_start3A_34 = tpu.memref_squeeze %dma_start3A_33 : memref<1x46x128xi32, #tpu.memory_space<hbm>> -> memref<46x128xi32, #tpu.memory_space<hbm>>
        tpu.enqueue_dma source(%dma_start3A_34 : memref<46x128xi32, #tpu.memory_space<hbm>>) target(%dma_start3A_30 : memref<46x128xi32, #tpu.memory_space<vmem>>) target_semaphore(%run_scoped3A : memref<!tpu.dma_semaphore, #tpu.memory_space<semaphore_mem>>)
        %dma_wait3A = arith.constant 0 : i32
        %dma_wait3A_35 = arith.constant 0 : i32
        %dma_wait3A_36 = tpu.memref_slice %arg10[%dma_wait3A, %dma_wait3A_35] : memref<112x128xi32, #tpu.memory_space<vmem>> -> memref<46x128xi32, #tpu.memory_space<vmem>>
        %dma_wait3A_37 = arith.constant 0 : i32
        %dma_wait3A_38 = arith.constant 0 : i32
        %dma_wait3A_39 = tpu.memref_slice %arg6[%arg1, %dma_wait3A_37, %dma_wait3A_38] : memref<16x46x128xi32, #tpu.memory_space<hbm>> -> memref<1x46x128xi32, #tpu.memory_space<hbm>>
        %dma_wait3A_40 = tpu.memref_squeeze %dma_wait3A_39 : memref<1x46x128xi32, #tpu.memory_space<hbm>> -> memref<46x128xi32, #tpu.memory_space<hbm>>
        %dma_wait3A_41 = arith.constant 0 : i32
        %dma_wait3A_42 = arith.constant 0 : i32
        %dma_wait3A_43 = tpu.memref_slice %arg10[%dma_wait3A_41, %dma_wait3A_42] : memref<112x128xi32, #tpu.memory_space<vmem>> -> memref<46x128xi32, #tpu.memory_space<vmem>>
        %dma_wait3A_44 = arith.constant 0 : i32
        %dma_wait3A_45 = arith.constant 0 : i32
        %dma_wait3A_46 = tpu.memref_slice %arg6[%arg1, %dma_wait3A_44, %dma_wait3A_45] : memref<16x46x128xi32, #tpu.memory_space<hbm>> -> memref<1x46x128xi32, #tpu.memory_space<hbm>>
        %dma_wait3A_47 = tpu.memref_squeeze %dma_wait3A_46 : memref<1x46x128xi32, #tpu.memory_space<hbm>> -> memref<46x128xi32, #tpu.memory_space<hbm>>
        tpu.wait_dma2 semaphore(%run_scoped3A : memref<!tpu.dma_semaphore, #tpu.memory_space<semaphore_mem>>) src(%dma_wait3A_47 : memref<46x128xi32, #tpu.memory_space<hbm>>) dst(%dma_wait3A_43 : memref<46x128xi32, #tpu.memory_space<vmem>>)
        tpu.yield
      }) : () -> ()
    } else {
    }
    %mul3A = arith.constant 640 : i32
    %mul3A_6 = arith.muli %arg1, %mul3A : i32
    "tpu.region"() ({
      %run_scoped3A = tpu.sem_alloc : memref<!tpu.dma_semaphore, #tpu.memory_space<semaphore_mem>>
      %dma_start3A = arith.constant 0 : i32
      %dma_start3A_22 = tpu.memref_slice %arg12[%mul3A_6, %dma_start3A] : memref<10240x128xf32, #tpu.memory_space<vmem_shared>> -> memref<640x128xf32, #tpu.memory_space<vmem_shared>>
      tpu.enqueue_dma source(%arg7 : memref<640x128xf32, #tpu.memory_space<hbm>>) target(%dma_start3A_22 : memref<640x128xf32, #tpu.memory_space<vmem_shared>>) target_semaphore(%run_scoped3A : memref<!tpu.dma_semaphore, #tpu.memory_space<semaphore_mem>>)
      %dma_wait3A = arith.constant 0 : i32
      %dma_wait3A_23 = tpu.memref_slice %arg12[%mul3A_6, %dma_wait3A] : memref<10240x128xf32, #tpu.memory_space<vmem_shared>> -> memref<640x128xf32, #tpu.memory_space<vmem_shared>>
      tpu.wait_dma2 semaphore(%run_scoped3A : memref<!tpu.dma_semaphore, #tpu.memory_space<semaphore_mem>>) src(%arg7 : memref<640x128xf32, #tpu.memory_space<hbm>>) dst(%dma_wait3A_23 : memref<640x128xf32, #tpu.memory_space<vmem_shared>>)
      tpu.yield
    }) : () -> ()
    %barrier3A = arith.constant 0 : index
    tpu.barrier barrier_id(%barrier3A)
    %eq3A_7 = arith.constant 0 : i32
    %eq3A_8 = arith.cmpi eq, %arg0, %eq3A_7 : i32
    %convert_element_type3A_9 = arith.extui %eq3A_8 : i1 to i32
    %cond3A_10 = arith.constant 0 : i32
    %cond3A_11 = arith.cmpi ne, %convert_element_type3A_9, %cond3A_10 : i32
    scf.if %cond3A_11 {
      %scan3A = arith.constant 0 : i32
      %scan3A_22 = arith.constant 0 : i32
      %scan3A_23 = arith.constant 112 : i32
      %scan3A_24 = arith.addi %scan3A_22, %scan3A_23 : i32
      %scan3A_25 = arith.constant 1 : i32
      scf.for %scan3A_27 = %scan3A_22 to %scan3A_24 step %scan3A_25  : i32 {
        %dma_start3A = arith.constant 0 : i32
        %dma_start3A_28 = tpu.memref_slice %arg9[%scan3A_27, %dma_start3A] : memref<112x128xi32, #tpu.memory_space<vmem>> -> memref<1x128xi32, #tpu.memory_space<vmem>>
        %dma_start3A_29 = tpu.memref_squeeze %dma_start3A_28 : memref<1x128xi32, #tpu.memory_space<vmem>> -> memref<128xi32, #tpu.memory_space<vmem>>
        %dma_start3A_30 = arith.constant 0 : i32
        %dma_start3A_31 = arith.constant 0 : i32
        %dma_start3A_32 = tpu.memref_slice %arg2[%dma_start3A_30, %dma_start3A_31] : memref<10240x128xf32, #tpu.memory_space<hbm>> -> memref<10240x128xf32, #tpu.memory_space<hbm>>
        tpu.enqueue_indirect_dma source(%dma_start3A_32 : memref<10240x128xf32, #tpu.memory_space<hbm>>) target(%arg11 : memref<128x128xf32, #tpu.memory_space<vmem>>) offsets(%dma_start3A_29 : memref<128xi32, #tpu.memory_space<vmem>>) semaphore(%arg13 : memref<!tpu.dma_semaphore, #tpu.memory_space<semaphore_mem>>)
        %dma_wait3A = arith.constant 0 : i32
        %dma_wait3A_33 = tpu.memref_slice %arg9[%scan3A_27, %dma_wait3A] : memref<112x128xi32, #tpu.memory_space<vmem>> -> memref<1x128xi32, #tpu.memory_space<vmem>>
        %dma_wait3A_34 = tpu.memref_squeeze %dma_wait3A_33 : memref<1x128xi32, #tpu.memory_space<vmem>> -> memref<128xi32, #tpu.memory_space<vmem>>
        %dma_wait3A_35 = arith.constant 0 : i32
        %dma_wait3A_36 = arith.constant 0 : i32
        %dma_wait3A_37 = tpu.memref_slice %arg2[%dma_wait3A_35, %dma_wait3A_36] : memref<10240x128xf32, #tpu.memory_space<hbm>> -> memref<10240x128xf32, #tpu.memory_space<hbm>>
        tpu.wait_indirect_dma semaphore(%arg13 : memref<!tpu.dma_semaphore, #tpu.memory_space<semaphore_mem>>) src(%dma_wait3A_37 : memref<10240x128xf32, #tpu.memory_space<hbm>>) dst(%arg11 : memref<128x128xf32, #tpu.memory_space<vmem>>)
        "tpu.region"() ({
          %run_scoped3A = tpu.sem_alloc : memref<!tpu.dma_semaphore, #tpu.memory_space<semaphore_mem>>
          %dma_start3A_38 = arith.constant 0 : i32
          %dma_start3A_39 = tpu.memref_slice %arg10[%scan3A_27, %dma_start3A_38] : memref<112x128xi32, #tpu.memory_space<vmem>> -> memref<1x128xi32, #tpu.memory_space<vmem>>
          %dma_start3A_40 = tpu.memref_squeeze %dma_start3A_39 : memref<1x128xi32, #tpu.memory_space<vmem>> -> memref<128xi32, #tpu.memory_space<vmem>>
          %dma_start3A_41 = arith.constant 0 : i32
          %dma_start3A_42 = arith.constant 0 : i32
          %dma_start3A_43 = tpu.memref_slice %arg12[%dma_start3A_41, %dma_start3A_42] : memref<10240x128xf32, #tpu.memory_space<vmem_shared>> -> memref<10240x128xf32, #tpu.memory_space<vmem_shared>>
          tpu.enqueue_indirect_dma source(%arg11 : memref<128x128xf32, #tpu.memory_space<vmem>>) target(%dma_start3A_43 : memref<10240x128xf32, #tpu.memory_space<vmem_shared>>) offsets(%dma_start3A_40 : memref<128xi32, #tpu.memory_space<vmem>>) semaphore(%run_scoped3A : memref<!tpu.dma_semaphore, #tpu.memory_space<semaphore_mem>>) {add = true}
          %dma_wait3A_44 = arith.constant 0 : i32
          %dma_wait3A_45 = tpu.memref_slice %arg10[%scan3A_27, %dma_wait3A_44] : memref<112x128xi32, #tpu.memory_space<vmem>> -> memref<1x128xi32, #tpu.memory_space<vmem>>
          %dma_wait3A_46 = tpu.memref_squeeze %dma_wait3A_45 : memref<1x128xi32, #tpu.memory_space<vmem>> -> memref<128xi32, #tpu.memory_space<vmem>>
          %dma_wait3A_47 = arith.constant 0 : i32
          %dma_wait3A_48 = arith.constant 0 : i32
          %dma_wait3A_49 = tpu.memref_slice %arg12[%dma_wait3A_47, %dma_wait3A_48] : memref<10240x128xf32, #tpu.memory_space<vmem_shared>> -> memref<10240x128xf32, #tpu.memory_space<vmem_shared>>
          tpu.wait_indirect_dma semaphore(%run_scoped3A : memref<!tpu.dma_semaphore, #tpu.memory_space<semaphore_mem>>) src(%arg11 : memref<128x128xf32, #tpu.memory_space<vmem>>) dst(%dma_wait3A_49 : memref<10240x128xf32, #tpu.memory_space<vmem_shared>>)
          tpu.yield
        }) : () -> ()
      }
      %scan3A_26 = arith.constant 112 : i32
    } else {
    }
    %ne3A_12 = arith.constant 0 : i32
    %ne3A_13 = arith.cmpi ne, %arg0, %ne3A_12 : i32
    %convert_element_type3A_14 = arith.extui %ne3A_13 : i1 to i32
    %cond3A_15 = arith.constant 0 : i32
    %cond3A_16 = arith.cmpi ne, %convert_element_type3A_14, %cond3A_15 : i32
    scf.if %cond3A_16 {
      %scan3A = arith.constant 0 : i32
      %scan3A_22 = arith.constant 0 : i32
      %scan3A_23 = arith.constant 46 : i32
      %scan3A_24 = arith.addi %scan3A_22, %scan3A_23 : i32
      %scan3A_25 = arith.constant 1 : i32
      scf.for %scan3A_27 = %scan3A_22 to %scan3A_24 step %scan3A_25  : i32 {
        %dma_start3A = arith.constant 0 : i32
        %dma_start3A_28 = tpu.memref_slice %arg9[%scan3A_27, %dma_start3A] : memref<112x128xi32, #tpu.memory_space<vmem>> -> memref<1x128xi32, #tpu.memory_space<vmem>>
        %dma_start3A_29 = tpu.memref_squeeze %dma_start3A_28 : memref<1x128xi32, #tpu.memory_space<vmem>> -> memref<128xi32, #tpu.memory_space<vmem>>
        %dma_start3A_30 = arith.constant 0 : i32
        %dma_start3A_31 = arith.constant 0 : i32
        %dma_start3A_32 = tpu.memref_slice %arg2[%dma_start3A_30, %dma_start3A_31] : memref<10240x128xf32, #tpu.memory_space<hbm>> -> memref<10240x128xf32, #tpu.memory_space<hbm>>
        tpu.enqueue_indirect_dma source(%dma_start3A_32 : memref<10240x128xf32, #tpu.memory_space<hbm>>) target(%arg11 : memref<128x128xf32, #tpu.memory_space<vmem>>) offsets(%dma_start3A_29 : memref<128xi32, #tpu.memory_space<vmem>>) semaphore(%arg13 : memref<!tpu.dma_semaphore, #tpu.memory_space<semaphore_mem>>)
        %dma_wait3A = arith.constant 0 : i32
        %dma_wait3A_33 = tpu.memref_slice %arg9[%scan3A_27, %dma_wait3A] : memref<112x128xi32, #tpu.memory_space<vmem>> -> memref<1x128xi32, #tpu.memory_space<vmem>>
        %dma_wait3A_34 = tpu.memref_squeeze %dma_wait3A_33 : memref<1x128xi32, #tpu.memory_space<vmem>> -> memref<128xi32, #tpu.memory_space<vmem>>
        %dma_wait3A_35 = arith.constant 0 : i32
        %dma_wait3A_36 = arith.constant 0 : i32
        %dma_wait3A_37 = tpu.memref_slice %arg2[%dma_wait3A_35, %dma_wait3A_36] : memref<10240x128xf32, #tpu.memory_space<hbm>> -> memref<10240x128xf32, #tpu.memory_space<hbm>>
        tpu.wait_indirect_dma semaphore(%arg13 : memref<!tpu.dma_semaphore, #tpu.memory_space<semaphore_mem>>) src(%dma_wait3A_37 : memref<10240x128xf32, #tpu.memory_space<hbm>>) dst(%arg11 : memref<128x128xf32, #tpu.memory_space<vmem>>)
        "tpu.region"() ({
          %run_scoped3A = tpu.sem_alloc : memref<!tpu.dma_semaphore, #tpu.memory_space<semaphore_mem>>
          %dma_start3A_38 = arith.constant 0 : i32
          %dma_start3A_39 = tpu.memref_slice %arg10[%scan3A_27, %dma_start3A_38] : memref<112x128xi32, #tpu.memory_space<vmem>> -> memref<1x128xi32, #tpu.memory_space<vmem>>
          %dma_start3A_40 = tpu.memref_squeeze %dma_start3A_39 : memref<1x128xi32, #tpu.memory_space<vmem>> -> memref<128xi32, #tpu.memory_space<vmem>>
          %dma_start3A_41 = arith.constant 0 : i32
          %dma_start3A_42 = arith.constant 0 : i32
          %dma_start3A_43 = tpu.memref_slice %arg12[%dma_start3A_41, %dma_start3A_42] : memref<10240x128xf32, #tpu.memory_space<vmem_shared>> -> memref<10240x128xf32, #tpu.memory_space<vmem_shared>>
          tpu.enqueue_indirect_dma source(%arg11 : memref<128x128xf32, #tpu.memory_space<vmem>>) target(%dma_start3A_43 : memref<10240x128xf32, #tpu.memory_space<vmem_shared>>) offsets(%dma_start3A_40 : memref<128xi32, #tpu.memory_space<vmem>>) semaphore(%run_scoped3A : memref<!tpu.dma_semaphore, #tpu.memory_space<semaphore_mem>>) {add = true}
          %dma_wait3A_44 = arith.constant 0 : i32
          %dma_wait3A_45 = tpu.memref_slice %arg10[%scan3A_27, %dma_wait3A_44] : memref<112x128xi32, #tpu.memory_space<vmem>> -> memref<1x128xi32, #tpu.memory_space<vmem>>
          %dma_wait3A_46 = tpu.memref_squeeze %dma_wait3A_45 : memref<1x128xi32, #tpu.memory_space<vmem>> -> memref<128xi32, #tpu.memory_space<vmem>>
          %dma_wait3A_47 = arith.constant 0 : i32
          %dma_wait3A_48 = arith.constant 0 : i32
          %dma_wait3A_49 = tpu.memref_slice %arg12[%dma_wait3A_47, %dma_wait3A_48] : memref<10240x128xf32, #tpu.memory_space<vmem_shared>> -> memref<10240x128xf32, #tpu.memory_space<vmem_shared>>
          tpu.wait_indirect_dma semaphore(%run_scoped3A : memref<!tpu.dma_semaphore, #tpu.memory_space<semaphore_mem>>) src(%arg11 : memref<128x128xf32, #tpu.memory_space<vmem>>) dst(%dma_wait3A_49 : memref<10240x128xf32, #tpu.memory_space<vmem_shared>>)
          tpu.yield
        }) : () -> ()
      }
      %scan3A_26 = arith.constant 46 : i32
    } else {
    }
    %barrier3A_17 = arith.constant 0 : index
    tpu.barrier barrier_id(%barrier3A_17)
    %mul3A_18 = arith.constant 640 : i32
    %mul3A_19 = arith.muli %arg1, %mul3A_18 : i32
    %mul3A_20 = arith.constant 640 : i32
    %mul3A_21 = arith.muli %arg1, %mul3A_20 : i32
    "tpu.region"() ({
      %run_scoped3A = tpu.sem_alloc : memref<!tpu.dma_semaphore, #tpu.memory_space<semaphore_mem>>
      %dma_start3A = arith.constant 0 : i32
      %dma_start3A_22 = tpu.memref_slice %arg8[%arg0, %mul3A_21, %dma_start3A] : memref<2x10240x128xf32, #tpu.memory_space<hbm>> -> memref<1x640x128xf32, #tpu.memory_space<hbm>>
      %dma_start3A_23 = tpu.memref_squeeze %dma_start3A_22 : memref<1x640x128xf32, #tpu.memory_space<hbm>> -> memref<640x128xf32, #tpu.memory_space<hbm>>
      %dma_start3A_24 = arith.constant 0 : i32
      %dma_start3A_25 = tpu.memref_slice %arg12[%mul3A_19, %dma_start3A_24] : memref<10240x128xf32, #tpu.memory_space<vmem_shared>> -> memref<640x128xf32, #tpu.memory_space<vmem_shared>>
      tpu.enqueue_dma source(%dma_start3A_25 : memref<640x128xf32, #tpu.memory_space<vmem_shared>>) target(%dma_start3A_23 : memref<640x128xf32, #tpu.memory_space<hbm>>) target_semaphore(%run_scoped3A : memref<!tpu.dma_semaphore, #tpu.memory_space<semaphore_mem>>)
      %dma_wait3A = arith.constant 0 : i32
      %dma_wait3A_26 = tpu.memref_slice %arg8[%arg0, %mul3A_21, %dma_wait3A] : memref<2x10240x128xf32, #tpu.memory_space<hbm>> -> memref<1x640x128xf32, #tpu.memory_space<hbm>>
      %dma_wait3A_27 = tpu.memref_squeeze %dma_wait3A_26 : memref<1x640x128xf32, #tpu.memory_space<hbm>> -> memref<640x128xf32, #tpu.memory_space<hbm>>
      %dma_wait3A_28 = arith.constant 0 : i32
      %dma_wait3A_29 = tpu.memref_slice %arg12[%mul3A_19, %dma_wait3A_28] : memref<10240x128xf32, #tpu.memory_space<vmem_shared>> -> memref<640x128xf32, #tpu.memory_space<vmem_shared>>
      tpu.wait_dma2 semaphore(%run_scoped3A : memref<!tpu.dma_semaphore, #tpu.memory_space<semaphore_mem>>) src(%dma_wait3A_29 : memref<640x128xf32, #tpu.memory_space<vmem_shared>>) dst(%dma_wait3A_27 : memref<640x128xf32, #tpu.memory_space<hbm>>)
      tpu.yield
    }) : () -> ()
    return
  }
}

#map = affine_map<(d0, d1) -> (0, 0)>
#map1 = affine_map<(d0, d1) -> (0, 0, 0)>
module attributes {stable_mosaic.version = 14 : i64} {
  func.func @_agg_kernel(%arg0: i32, %arg1: i32, %arg2: memref<10240x128xf32, #tpu.memory_space<hbm>>, %arg3: memref<16x112x128xi32, #tpu.memory_space<hbm>>, %arg4: memref<16x112x128xi32, #tpu.memory_space<hbm>>, %arg5: memref<16x46x128xi32, #tpu.memory_space<hbm>>, %arg6: memref<16x46x128xi32, #tpu.memory_space<hbm>>, %arg7: memref<640x128xf32, #tpu.memory_space<hbm>>, %arg8: memref<2x10240x128xf32, #tpu.memory_space<hbm>>, %arg9: memref<112x128xi32, #tpu.memory_space<vmem>>, %arg10: memref<112x128xi32, #tpu.memory_space<vmem>>, %arg11: memref<128x128xf32, #tpu.memory_space<vmem>>, %arg12: memref<10240x128xf32, #tpu.memory_space<vmem_shared>>, %arg13: memref<!tpu.dma_semaphore, #tpu.memory_space<semaphore_mem>>) attributes {dimension_semantics = [#tpu.dimension_semantics<core_parallel>, #tpu.dimension_semantics<subcore_parallel>], iteration_bounds = array<i64: 2, 16>, scalar_prefetch = 0 : i64, scratch_operands = 5 : i64, tpu.core_type = #tpu.core_type<sc_vector_subcore>, window_params = [{transform_indices = #map}, {transform_indices = #map1}, {transform_indices = #map1}, {transform_indices = #map1}, {transform_indices = #map1}, {transform_indices = #map}, {transform_indices = #map1}]} {
    %eq3A = arith.constant 0 : i32
    %eq3A_0 = arith.cmpi eq, %arg0, %eq3A : i32
    %convert_element_type3A = arith.extui %eq3A_0 : i1 to i32
    %cond3A = arith.constant 0 : i32
    %cond3A_1 = arith.cmpi ne, %convert_element_type3A, %cond3A : i32
    scf.if %cond3A_1 {
      "tpu.region"() ({
        %run_scoped3A = tpu.sem_alloc : memref<!tpu.dma_semaphore, #tpu.memory_space<semaphore_mem>>
        %dma_start3A = arith.constant 0 : i32
        %dma_start3A_22 = arith.constant 0 : i32
        %dma_start3A_23 = tpu.memref_slice %arg3[%arg1, %dma_start3A, %dma_start3A_22] : memref<16x112x128xi32, #tpu.memory_space<hbm>> -> memref<1x112x128xi32, #tpu.memory_space<hbm>>
        %dma_start3A_24 = tpu.memref_squeeze %dma_start3A_23 : memref<1x112x128xi32, #tpu.memory_space<hbm>> -> memref<112x128xi32, #tpu.memory_space<hbm>>
        %dma_start3A_25 = arith.constant 0 : i32
        %dma_start3A_26 = arith.constant 0 : i32
        %dma_start3A_27 = tpu.memref_slice %arg3[%arg1, %dma_start3A_25, %dma_start3A_26] : memref<16x112x128xi32, #tpu.memory_space<hbm>> -> memref<1x112x128xi32, #tpu.memory_space<hbm>>
        %dma_start3A_28 = tpu.memref_squeeze %dma_start3A_27 : memref<1x112x128xi32, #tpu.memory_space<hbm>> -> memref<112x128xi32, #tpu.memory_space<hbm>>
        tpu.enqueue_dma source(%dma_start3A_28 : memref<112x128xi32, #tpu.memory_space<hbm>>) target(%arg9 : memref<112x128xi32, #tpu.memory_space<vmem>>) target_semaphore(%run_scoped3A : memref<!tpu.dma_semaphore, #tpu.memory_space<semaphore_mem>>)
        %dma_wait3A = arith.constant 0 : i32
        %dma_wait3A_29 = arith.constant 0 : i32
        %dma_wait3A_30 = tpu.memref_slice %arg3[%arg1, %dma_wait3A, %dma_wait3A_29] : memref<16x112x128xi32, #tpu.memory_space<hbm>> -> memref<1x112x128xi32, #tpu.memory_space<hbm>>
        %dma_wait3A_31 = tpu.memref_squeeze %dma_wait3A_30 : memref<1x112x128xi32, #tpu.memory_space<hbm>> -> memref<112x128xi32, #tpu.memory_space<hbm>>
        %dma_wait3A_32 = arith.constant 0 : i32
        %dma_wait3A_33 = arith.constant 0 : i32
        %dma_wait3A_34 = tpu.memref_slice %arg3[%arg1, %dma_wait3A_32, %dma_wait3A_33] : memref<16x112x128xi32, #tpu.memory_space<hbm>> -> memref<1x112x128xi32, #tpu.memory_space<hbm>>
        %dma_wait3A_35 = tpu.memref_squeeze %dma_wait3A_34 : memref<1x112x128xi32, #tpu.memory_space<hbm>> -> memref<112x128xi32, #tpu.memory_space<hbm>>
        tpu.wait_dma2 semaphore(%run_scoped3A : memref<!tpu.dma_semaphore, #tpu.memory_space<semaphore_mem>>) src(%dma_wait3A_35 : memref<112x128xi32, #tpu.memory_space<hbm>>) dst(%arg9 : memref<112x128xi32, #tpu.memory_space<vmem>>)
        tpu.yield
      }) : () -> ()
      "tpu.region"() ({
        %run_scoped3A = tpu.sem_alloc : memref<!tpu.dma_semaphore, #tpu.memory_space<semaphore_mem>>
        %dma_start3A = arith.constant 0 : i32
        %dma_start3A_22 = arith.constant 0 : i32
        %dma_start3A_23 = tpu.memref_slice %arg4[%arg1, %dma_start3A, %dma_start3A_22] : memref<16x112x128xi32, #tpu.memory_space<hbm>> -> memref<1x112x128xi32, #tpu.memory_space<hbm>>
        %dma_start3A_24 = tpu.memref_squeeze %dma_start3A_23 : memref<1x112x128xi32, #tpu.memory_space<hbm>> -> memref<112x128xi32, #tpu.memory_space<hbm>>
        %dma_start3A_25 = arith.constant 0 : i32
        %dma_start3A_26 = arith.constant 0 : i32
        %dma_start3A_27 = tpu.memref_slice %arg4[%arg1, %dma_start3A_25, %dma_start3A_26] : memref<16x112x128xi32, #tpu.memory_space<hbm>> -> memref<1x112x128xi32, #tpu.memory_space<hbm>>
        %dma_start3A_28 = tpu.memref_squeeze %dma_start3A_27 : memref<1x112x128xi32, #tpu.memory_space<hbm>> -> memref<112x128xi32, #tpu.memory_space<hbm>>
        tpu.enqueue_dma source(%dma_start3A_28 : memref<112x128xi32, #tpu.memory_space<hbm>>) target(%arg10 : memref<112x128xi32, #tpu.memory_space<vmem>>) target_semaphore(%run_scoped3A : memref<!tpu.dma_semaphore, #tpu.memory_space<semaphore_mem>>)
        %dma_wait3A = arith.constant 0 : i32
        %dma_wait3A_29 = arith.constant 0 : i32
        %dma_wait3A_30 = tpu.memref_slice %arg4[%arg1, %dma_wait3A, %dma_wait3A_29] : memref<16x112x128xi32, #tpu.memory_space<hbm>> -> memref<1x112x128xi32, #tpu.memory_space<hbm>>
        %dma_wait3A_31 = tpu.memref_squeeze %dma_wait3A_30 : memref<1x112x128xi32, #tpu.memory_space<hbm>> -> memref<112x128xi32, #tpu.memory_space<hbm>>
        %dma_wait3A_32 = arith.constant 0 : i32
        %dma_wait3A_33 = arith.constant 0 : i32
        %dma_wait3A_34 = tpu.memref_slice %arg4[%arg1, %dma_wait3A_32, %dma_wait3A_33] : memref<16x112x128xi32, #tpu.memory_space<hbm>> -> memref<1x112x128xi32, #tpu.memory_space<hbm>>
        %dma_wait3A_35 = tpu.memref_squeeze %dma_wait3A_34 : memref<1x112x128xi32, #tpu.memory_space<hbm>> -> memref<112x128xi32, #tpu.memory_space<hbm>>
        tpu.wait_dma2 semaphore(%run_scoped3A : memref<!tpu.dma_semaphore, #tpu.memory_space<semaphore_mem>>) src(%dma_wait3A_35 : memref<112x128xi32, #tpu.memory_space<hbm>>) dst(%arg10 : memref<112x128xi32, #tpu.memory_space<vmem>>)
        tpu.yield
      }) : () -> ()
    } else {
    }
    %ne3A = arith.constant 0 : i32
    %ne3A_2 = arith.cmpi ne, %arg0, %ne3A : i32
    %convert_element_type3A_3 = arith.extui %ne3A_2 : i1 to i32
    %cond3A_4 = arith.constant 0 : i32
    %cond3A_5 = arith.cmpi ne, %convert_element_type3A_3, %cond3A_4 : i32
    scf.if %cond3A_5 {
      "tpu.region"() ({
        %run_scoped3A = tpu.sem_alloc : memref<!tpu.dma_semaphore, #tpu.memory_space<semaphore_mem>>
        %dma_start3A = arith.constant 0 : i32
        %dma_start3A_22 = arith.constant 0 : i32
        %dma_start3A_23 = tpu.memref_slice %arg9[%dma_start3A, %dma_start3A_22] : memref<112x128xi32, #tpu.memory_space<vmem>> -> memref<46x128xi32, #tpu.memory_space<vmem>>
        %dma_start3A_24 = arith.constant 0 : i32
        %dma_start3A_25 = arith.constant 0 : i32
        %dma_start3A_26 = tpu.memref_slice %arg5[%arg1, %dma_start3A_24, %dma_start3A_25] : memref<16x46x128xi32, #tpu.memory_space<hbm>> -> memref<1x46x128xi32, #tpu.memory_space<hbm>>
        %dma_start3A_27 = tpu.memref_squeeze %dma_start3A_26 : memref<1x46x128xi32, #tpu.memory_space<hbm>> -> memref<46x128xi32, #tpu.memory_space<hbm>>
        %dma_start3A_28 = arith.constant 0 : i32
        %dma_start3A_29 = arith.constant 0 : i32
        %dma_start3A_30 = tpu.memref_slice %arg9[%dma_start3A_28, %dma_start3A_29] : memref<112x128xi32, #tpu.memory_space<vmem>> -> memref<46x128xi32, #tpu.memory_space<vmem>>
        %dma_start3A_31 = arith.constant 0 : i32
        %dma_start3A_32 = arith.constant 0 : i32
        %dma_start3A_33 = tpu.memref_slice %arg5[%arg1, %dma_start3A_31, %dma_start3A_32] : memref<16x46x128xi32, #tpu.memory_space<hbm>> -> memref<1x46x128xi32, #tpu.memory_space<hbm>>
        %dma_start3A_34 = tpu.memref_squeeze %dma_start3A_33 : memref<1x46x128xi32, #tpu.memory_space<hbm>> -> memref<46x128xi32, #tpu.memory_space<hbm>>
        tpu.enqueue_dma source(%dma_start3A_34 : memref<46x128xi32, #tpu.memory_space<hbm>>) target(%dma_start3A_30 : memref<46x128xi32, #tpu.memory_space<vmem>>) target_semaphore(%run_scoped3A : memref<!tpu.dma_semaphore, #tpu.memory_space<semaphore_mem>>)
        %dma_wait3A = arith.constant 0 : i32
        %dma_wait3A_35 = arith.constant 0 : i32
        %dma_wait3A_36 = tpu.memref_slice %arg9[%dma_wait3A, %dma_wait3A_35] : memref<112x128xi32, #tpu.memory_space<vmem>> -> memref<46x128xi32, #tpu.memory_space<vmem>>
        %dma_wait3A_37 = arith.constant 0 : i32
        %dma_wait3A_38 = arith.constant 0 : i32
        %dma_wait3A_39 = tpu.memref_slice %arg5[%arg1, %dma_wait3A_37, %dma_wait3A_38] : memref<16x46x128xi32, #tpu.memory_space<hbm>> -> memref<1x46x128xi32, #tpu.memory_space<hbm>>
        %dma_wait3A_40 = tpu.memref_squeeze %dma_wait3A_39 : memref<1x46x128xi32, #tpu.memory_space<hbm>> -> memref<46x128xi32, #tpu.memory_space<hbm>>
        %dma_wait3A_41 = arith.constant 0 : i32
        %dma_wait3A_42 = arith.constant 0 : i32
        %dma_wait3A_43 = tpu.memref_slice %arg9[%dma_wait3A_41, %dma_wait3A_42] : memref<112x128xi32, #tpu.memory_space<vmem>> -> memref<46x128xi32, #tpu.memory_space<vmem>>
        %dma_wait3A_44 = arith.constant 0 : i32
        %dma_wait3A_45 = arith.constant 0 : i32
        %dma_wait3A_46 = tpu.memref_slice %arg5[%arg1, %dma_wait3A_44, %dma_wait3A_45] : memref<16x46x128xi32, #tpu.memory_space<hbm>> -> memref<1x46x128xi32, #tpu.memory_space<hbm>>
        %dma_wait3A_47 = tpu.memref_squeeze %dma_wait3A_46 : memref<1x46x128xi32, #tpu.memory_space<hbm>> -> memref<46x128xi32, #tpu.memory_space<hbm>>
        tpu.wait_dma2 semaphore(%run_scoped3A : memref<!tpu.dma_semaphore, #tpu.memory_space<semaphore_mem>>) src(%dma_wait3A_47 : memref<46x128xi32, #tpu.memory_space<hbm>>) dst(%dma_wait3A_43 : memref<46x128xi32, #tpu.memory_space<vmem>>)
        tpu.yield
      }) : () -> ()
      "tpu.region"() ({
        %run_scoped3A = tpu.sem_alloc : memref<!tpu.dma_semaphore, #tpu.memory_space<semaphore_mem>>
        %dma_start3A = arith.constant 0 : i32
        %dma_start3A_22 = arith.constant 0 : i32
        %dma_start3A_23 = tpu.memref_slice %arg10[%dma_start3A, %dma_start3A_22] : memref<112x128xi32, #tpu.memory_space<vmem>> -> memref<46x128xi32, #tpu.memory_space<vmem>>
        %dma_start3A_24 = arith.constant 0 : i32
        %dma_start3A_25 = arith.constant 0 : i32
        %dma_start3A_26 = tpu.memref_slice %arg6[%arg1, %dma_start3A_24, %dma_start3A_25] : memref<16x46x128xi32, #tpu.memory_space<hbm>> -> memref<1x46x128xi32, #tpu.memory_space<hbm>>
        %dma_start3A_27 = tpu.memref_squeeze %dma_start3A_26 : memref<1x46x128xi32, #tpu.memory_space<hbm>> -> memref<46x128xi32, #tpu.memory_space<hbm>>
        %dma_start3A_28 = arith.constant 0 : i32
        %dma_start3A_29 = arith.constant 0 : i32
        %dma_start3A_30 = tpu.memref_slice %arg10[%dma_start3A_28, %dma_start3A_29] : memref<112x128xi32, #tpu.memory_space<vmem>> -> memref<46x128xi32, #tpu.memory_space<vmem>>
        %dma_start3A_31 = arith.constant 0 : i32
        %dma_start3A_32 = arith.constant 0 : i32
        %dma_start3A_33 = tpu.memref_slice %arg6[%arg1, %dma_start3A_31, %dma_start3A_32] : memref<16x46x128xi32, #tpu.memory_space<hbm>> -> memref<1x46x128xi32, #tpu.memory_space<hbm>>
        %dma_start3A_34 = tpu.memref_squeeze %dma_start3A_33 : memref<1x46x128xi32, #tpu.memory_space<hbm>> -> memref<46x128xi32, #tpu.memory_space<hbm>>
        tpu.enqueue_dma source(%dma_start3A_34 : memref<46x128xi32, #tpu.memory_space<hbm>>) target(%dma_start3A_30 : memref<46x128xi32, #tpu.memory_space<vmem>>) target_semaphore(%run_scoped3A : memref<!tpu.dma_semaphore, #tpu.memory_space<semaphore_mem>>)
        %dma_wait3A = arith.constant 0 : i32
        %dma_wait3A_35 = arith.constant 0 : i32
        %dma_wait3A_36 = tpu.memref_slice %arg10[%dma_wait3A, %dma_wait3A_35] : memref<112x128xi32, #tpu.memory_space<vmem>> -> memref<46x128xi32, #tpu.memory_space<vmem>>
        %dma_wait3A_37 = arith.constant 0 : i32
        %dma_wait3A_38 = arith.constant 0 : i32
        %dma_wait3A_39 = tpu.memref_slice %arg6[%arg1, %dma_wait3A_37, %dma_wait3A_38] : memref<16x46x128xi32, #tpu.memory_space<hbm>> -> memref<1x46x128xi32, #tpu.memory_space<hbm>>
        %dma_wait3A_40 = tpu.memref_squeeze %dma_wait3A_39 : memref<1x46x128xi32, #tpu.memory_space<hbm>> -> memref<46x128xi32, #tpu.memory_space<hbm>>
        %dma_wait3A_41 = arith.constant 0 : i32
        %dma_wait3A_42 = arith.constant 0 : i32
        %dma_wait3A_43 = tpu.memref_slice %arg10[%dma_wait3A_41, %dma_wait3A_42] : memref<112x128xi32, #tpu.memory_space<vmem>> -> memref<46x128xi32, #tpu.memory_space<vmem>>
        %dma_wait3A_44 = arith.constant 0 : i32
        %dma_wait3A_45 = arith.constant 0 : i32
        %dma_wait3A_46 = tpu.memref_slice %arg6[%arg1, %dma_wait3A_44, %dma_wait3A_45] : memref<16x46x128xi32, #tpu.memory_space<hbm>> -> memref<1x46x128xi32, #tpu.memory_space<hbm>>
        %dma_wait3A_47 = tpu.memref_squeeze %dma_wait3A_46 : memref<1x46x128xi32, #tpu.memory_space<hbm>> -> memref<46x128xi32, #tpu.memory_space<hbm>>
        tpu.wait_dma2 semaphore(%run_scoped3A : memref<!tpu.dma_semaphore, #tpu.memory_space<semaphore_mem>>) src(%dma_wait3A_47 : memref<46x128xi32, #tpu.memory_space<hbm>>) dst(%dma_wait3A_43 : memref<46x128xi32, #tpu.memory_space<vmem>>)
        tpu.yield
      }) : () -> ()
    } else {
    }
    %mul3A = arith.constant 640 : i32
    %mul3A_6 = arith.muli %arg1, %mul3A : i32
    "tpu.region"() ({
      %run_scoped3A = tpu.sem_alloc : memref<!tpu.dma_semaphore, #tpu.memory_space<semaphore_mem>>
      %dma_start3A = arith.constant 0 : i32
      %dma_start3A_22 = tpu.memref_slice %arg12[%mul3A_6, %dma_start3A] : memref<10240x128xf32, #tpu.memory_space<vmem_shared>> -> memref<640x128xf32, #tpu.memory_space<vmem_shared>>
      tpu.enqueue_dma source(%arg7 : memref<640x128xf32, #tpu.memory_space<hbm>>) target(%dma_start3A_22 : memref<640x128xf32, #tpu.memory_space<vmem_shared>>) target_semaphore(%run_scoped3A : memref<!tpu.dma_semaphore, #tpu.memory_space<semaphore_mem>>)
      %dma_wait3A = arith.constant 0 : i32
      %dma_wait3A_23 = tpu.memref_slice %arg12[%mul3A_6, %dma_wait3A] : memref<10240x128xf32, #tpu.memory_space<vmem_shared>> -> memref<640x128xf32, #tpu.memory_space<vmem_shared>>
      tpu.wait_dma2 semaphore(%run_scoped3A : memref<!tpu.dma_semaphore, #tpu.memory_space<semaphore_mem>>) src(%arg7 : memref<640x128xf32, #tpu.memory_space<hbm>>) dst(%dma_wait3A_23 : memref<640x128xf32, #tpu.memory_space<vmem_shared>>)
      tpu.yield
    }) : () -> ()
    %barrier3A = arith.constant 0 : index
    tpu.barrier barrier_id(%barrier3A)
    %eq3A_7 = arith.constant 0 : i32
    %eq3A_8 = arith.cmpi eq, %arg0, %eq3A_7 : i32
    %convert_element_type3A_9 = arith.extui %eq3A_8 : i1 to i32
    %cond3A_10 = arith.constant 0 : i32
    %cond3A_11 = arith.cmpi ne, %convert_element_type3A_9, %cond3A_10 : i32
    scf.if %cond3A_11 {
      %scan3A = arith.constant 0 : i32
      %scan3A_22 = arith.constant 0 : i32
      %scan3A_23 = arith.constant 112 : i32
      %scan3A_24 = arith.addi %scan3A_22, %scan3A_23 : i32
      %scan3A_25 = arith.constant 1 : i32
      scf.for %scan3A_27 = %scan3A_22 to %scan3A_24 step %scan3A_25  : i32 {
        %dma_start3A = arith.constant 0 : i32
        %dma_start3A_28 = tpu.memref_slice %arg9[%scan3A_27, %dma_start3A] : memref<112x128xi32, #tpu.memory_space<vmem>> -> memref<1x128xi32, #tpu.memory_space<vmem>>
        %dma_start3A_29 = tpu.memref_squeeze %dma_start3A_28 : memref<1x128xi32, #tpu.memory_space<vmem>> -> memref<128xi32, #tpu.memory_space<vmem>>
        %dma_start3A_30 = arith.constant 0 : i32
        %dma_start3A_31 = arith.constant 0 : i32
        %dma_start3A_32 = tpu.memref_slice %arg2[%dma_start3A_30, %dma_start3A_31] : memref<10240x128xf32, #tpu.memory_space<hbm>> -> memref<10240x128xf32, #tpu.memory_space<hbm>>
        tpu.enqueue_indirect_dma source(%dma_start3A_32 : memref<10240x128xf32, #tpu.memory_space<hbm>>) target(%arg11 : memref<128x128xf32, #tpu.memory_space<vmem>>) offsets(%dma_start3A_29 : memref<128xi32, #tpu.memory_space<vmem>>) semaphore(%arg13 : memref<!tpu.dma_semaphore, #tpu.memory_space<semaphore_mem>>)
        %dma_wait3A = arith.constant 0 : i32
        %dma_wait3A_33 = tpu.memref_slice %arg9[%scan3A_27, %dma_wait3A] : memref<112x128xi32, #tpu.memory_space<vmem>> -> memref<1x128xi32, #tpu.memory_space<vmem>>
        %dma_wait3A_34 = tpu.memref_squeeze %dma_wait3A_33 : memref<1x128xi32, #tpu.memory_space<vmem>> -> memref<128xi32, #tpu.memory_space<vmem>>
        %dma_wait3A_35 = arith.constant 0 : i32
        %dma_wait3A_36 = arith.constant 0 : i32
        %dma_wait3A_37 = tpu.memref_slice %arg2[%dma_wait3A_35, %dma_wait3A_36] : memref<10240x128xf32, #tpu.memory_space<hbm>> -> memref<10240x128xf32, #tpu.memory_space<hbm>>
        tpu.wait_indirect_dma semaphore(%arg13 : memref<!tpu.dma_semaphore, #tpu.memory_space<semaphore_mem>>) src(%dma_wait3A_37 : memref<10240x128xf32, #tpu.memory_space<hbm>>) dst(%arg11 : memref<128x128xf32, #tpu.memory_space<vmem>>)
        "tpu.region"() ({
          %run_scoped3A = tpu.sem_alloc : memref<!tpu.dma_semaphore, #tpu.memory_space<semaphore_mem>>
          %dma_start3A_38 = arith.constant 0 : i32
          %dma_start3A_39 = tpu.memref_slice %arg10[%scan3A_27, %dma_start3A_38] : memref<112x128xi32, #tpu.memory_space<vmem>> -> memref<1x128xi32, #tpu.memory_space<vmem>>
          %dma_start3A_40 = tpu.memref_squeeze %dma_start3A_39 : memref<1x128xi32, #tpu.memory_space<vmem>> -> memref<128xi32, #tpu.memory_space<vmem>>
          %dma_start3A_41 = arith.constant 0 : i32
          %dma_start3A_42 = arith.constant 0 : i32
          %dma_start3A_43 = tpu.memref_slice %arg12[%dma_start3A_41, %dma_start3A_42] : memref<10240x128xf32, #tpu.memory_space<vmem_shared>> -> memref<10240x128xf32, #tpu.memory_space<vmem_shared>>
          tpu.enqueue_indirect_dma source(%arg11 : memref<128x128xf32, #tpu.memory_space<vmem>>) target(%dma_start3A_43 : memref<10240x128xf32, #tpu.memory_space<vmem_shared>>) offsets(%dma_start3A_40 : memref<128xi32, #tpu.memory_space<vmem>>) semaphore(%run_scoped3A : memref<!tpu.dma_semaphore, #tpu.memory_space<semaphore_mem>>) {add = true}
          %dma_wait3A_44 = arith.constant 0 : i32
          %dma_wait3A_45 = tpu.memref_slice %arg10[%scan3A_27, %dma_wait3A_44] : memref<112x128xi32, #tpu.memory_space<vmem>> -> memref<1x128xi32, #tpu.memory_space<vmem>>
          %dma_wait3A_46 = tpu.memref_squeeze %dma_wait3A_45 : memref<1x128xi32, #tpu.memory_space<vmem>> -> memref<128xi32, #tpu.memory_space<vmem>>
          %dma_wait3A_47 = arith.constant 0 : i32
          %dma_wait3A_48 = arith.constant 0 : i32
          %dma_wait3A_49 = tpu.memref_slice %arg12[%dma_wait3A_47, %dma_wait3A_48] : memref<10240x128xf32, #tpu.memory_space<vmem_shared>> -> memref<10240x128xf32, #tpu.memory_space<vmem_shared>>
          tpu.wait_indirect_dma semaphore(%run_scoped3A : memref<!tpu.dma_semaphore, #tpu.memory_space<semaphore_mem>>) src(%arg11 : memref<128x128xf32, #tpu.memory_space<vmem>>) dst(%dma_wait3A_49 : memref<10240x128xf32, #tpu.memory_space<vmem_shared>>)
          tpu.yield
        }) : () -> ()
      }
      %scan3A_26 = arith.constant 112 : i32
    } else {
    }
    %ne3A_12 = arith.constant 0 : i32
    %ne3A_13 = arith.cmpi ne, %arg0, %ne3A_12 : i32
    %convert_element_type3A_14 = arith.extui %ne3A_13 : i1 to i32
    %cond3A_15 = arith.constant 0 : i32
    %cond3A_16 = arith.cmpi ne, %convert_element_type3A_14, %cond3A_15 : i32
    scf.if %cond3A_16 {
      %scan3A = arith.constant 0 : i32
      %scan3A_22 = arith.constant 0 : i32
      %scan3A_23 = arith.constant 46 : i32
      %scan3A_24 = arith.addi %scan3A_22, %scan3A_23 : i32
      %scan3A_25 = arith.constant 1 : i32
      scf.for %scan3A_27 = %scan3A_22 to %scan3A_24 step %scan3A_25  : i32 {
        %dma_start3A = arith.constant 0 : i32
        %dma_start3A_28 = tpu.memref_slice %arg9[%scan3A_27, %dma_start3A] : memref<112x128xi32, #tpu.memory_space<vmem>> -> memref<1x128xi32, #tpu.memory_space<vmem>>
        %dma_start3A_29 = tpu.memref_squeeze %dma_start3A_28 : memref<1x128xi32, #tpu.memory_space<vmem>> -> memref<128xi32, #tpu.memory_space<vmem>>
        %dma_start3A_30 = arith.constant 0 : i32
        %dma_start3A_31 = arith.constant 0 : i32
        %dma_start3A_32 = tpu.memref_slice %arg2[%dma_start3A_30, %dma_start3A_31] : memref<10240x128xf32, #tpu.memory_space<hbm>> -> memref<10240x128xf32, #tpu.memory_space<hbm>>
        tpu.enqueue_indirect_dma source(%dma_start3A_32 : memref<10240x128xf32, #tpu.memory_space<hbm>>) target(%arg11 : memref<128x128xf32, #tpu.memory_space<vmem>>) offsets(%dma_start3A_29 : memref<128xi32, #tpu.memory_space<vmem>>) semaphore(%arg13 : memref<!tpu.dma_semaphore, #tpu.memory_space<semaphore_mem>>)
        %dma_wait3A = arith.constant 0 : i32
        %dma_wait3A_33 = tpu.memref_slice %arg9[%scan3A_27, %dma_wait3A] : memref<112x128xi32, #tpu.memory_space<vmem>> -> memref<1x128xi32, #tpu.memory_space<vmem>>
        %dma_wait3A_34 = tpu.memref_squeeze %dma_wait3A_33 : memref<1x128xi32, #tpu.memory_space<vmem>> -> memref<128xi32, #tpu.memory_space<vmem>>
        %dma_wait3A_35 = arith.constant 0 : i32
        %dma_wait3A_36 = arith.constant 0 : i32
        %dma_wait3A_37 = tpu.memref_slice %arg2[%dma_wait3A_35, %dma_wait3A_36] : memref<10240x128xf32, #tpu.memory_space<hbm>> -> memref<10240x128xf32, #tpu.memory_space<hbm>>
        tpu.wait_indirect_dma semaphore(%arg13 : memref<!tpu.dma_semaphore, #tpu.memory_space<semaphore_mem>>) src(%dma_wait3A_37 : memref<10240x128xf32, #tpu.memory_space<hbm>>) dst(%arg11 : memref<128x128xf32, #tpu.memory_space<vmem>>)
        "tpu.region"() ({
          %run_scoped3A = tpu.sem_alloc : memref<!tpu.dma_semaphore, #tpu.memory_space<semaphore_mem>>
          %dma_start3A_38 = arith.constant 0 : i32
          %dma_start3A_39 = tpu.memref_slice %arg10[%scan3A_27, %dma_start3A_38] : memref<112x128xi32, #tpu.memory_space<vmem>> -> memref<1x128xi32, #tpu.memory_space<vmem>>
          %dma_start3A_40 = tpu.memref_squeeze %dma_start3A_39 : memref<1x128xi32, #tpu.memory_space<vmem>> -> memref<128xi32, #tpu.memory_space<vmem>>
          %dma_start3A_41 = arith.constant 0 : i32
          %dma_start3A_42 = arith.constant 0 : i32
          %dma_start3A_43 = tpu.memref_slice %arg12[%dma_start3A_41, %dma_start3A_42] : memref<10240x128xf32, #tpu.memory_space<vmem_shared>> -> memref<10240x128xf32, #tpu.memory_space<vmem_shared>>
          tpu.enqueue_indirect_dma source(%arg11 : memref<128x128xf32, #tpu.memory_space<vmem>>) target(%dma_start3A_43 : memref<10240x128xf32, #tpu.memory_space<vmem_shared>>) offsets(%dma_start3A_40 : memref<128xi32, #tpu.memory_space<vmem>>) semaphore(%run_scoped3A : memref<!tpu.dma_semaphore, #tpu.memory_space<semaphore_mem>>) {add = true}
          %dma_wait3A_44 = arith.constant 0 : i32
          %dma_wait3A_45 = tpu.memref_slice %arg10[%scan3A_27, %dma_wait3A_44] : memref<112x128xi32, #tpu.memory_space<vmem>> -> memref<1x128xi32, #tpu.memory_space<vmem>>
          %dma_wait3A_46 = tpu.memref_squeeze %dma_wait3A_45 : memref<1x128xi32, #tpu.memory_space<vmem>> -> memref<128xi32, #tpu.memory_space<vmem>>
          %dma_wait3A_47 = arith.constant 0 : i32
          %dma_wait3A_48 = arith.constant 0 : i32
          %dma_wait3A_49 = tpu.memref_slice %arg12[%dma_wait3A_47, %dma_wait3A_48] : memref<10240x128xf32, #tpu.memory_space<vmem_shared>> -> memref<10240x128xf32, #tpu.memory_space<vmem_shared>>
          tpu.wait_indirect_dma semaphore(%run_scoped3A : memref<!tpu.dma_semaphore, #tpu.memory_space<semaphore_mem>>) src(%arg11 : memref<128x128xf32, #tpu.memory_space<vmem>>) dst(%dma_wait3A_49 : memref<10240x128xf32, #tpu.memory_space<vmem_shared>>)
          tpu.yield
        }) : () -> ()
      }
      %scan3A_26 = arith.constant 46 : i32
    } else {
    }
    %barrier3A_17 = arith.constant 0 : index
    tpu.barrier barrier_id(%barrier3A_17)
    %mul3A_18 = arith.constant 640 : i32
    %mul3A_19 = arith.muli %arg1, %mul3A_18 : i32
    %mul3A_20 = arith.constant 640 : i32
    %mul3A_21 = arith.muli %arg1, %mul3A_20 : i32
    "tpu.region"() ({
      %run_scoped3A = tpu.sem_alloc : memref<!tpu.dma_semaphore, #tpu.memory_space<semaphore_mem>>
      %dma_start3A = arith.constant 0 : i32
      %dma_start3A_22 = tpu.memref_slice %arg8[%arg0, %mul3A_21, %dma_start3A] : memref<2x10240x128xf32, #tpu.memory_space<hbm>> -> memref<1x640x128xf32, #tpu.memory_space<hbm>>
      %dma_start3A_23 = tpu.memref_squeeze %dma_start3A_22 : memref<1x640x128xf32, #tpu.memory_space<hbm>> -> memref<640x128xf32, #tpu.memory_space<hbm>>
      %dma_start3A_24 = arith.constant 0 : i32
      %dma_start3A_25 = tpu.memref_slice %arg12[%mul3A_19, %dma_start3A_24] : memref<10240x128xf32, #tpu.memory_space<vmem_shared>> -> memref<640x128xf32, #tpu.memory_space<vmem_shared>>
      tpu.enqueue_dma source(%dma_start3A_25 : memref<640x128xf32, #tpu.memory_space<vmem_shared>>) target(%dma_start3A_23 : memref<640x128xf32, #tpu.memory_space<hbm>>) target_semaphore(%run_scoped3A : memref<!tpu.dma_semaphore, #tpu.memory_space<semaphore_mem>>)
      %dma_wait3A = arith.constant 0 : i32
      %dma_wait3A_26 = tpu.memref_slice %arg8[%arg0, %mul3A_21, %dma_wait3A] : memref<2x10240x128xf32, #tpu.memory_space<hbm>> -> memref<1x640x128xf32, #tpu.memory_space<hbm>>
      %dma_wait3A_27 = tpu.memref_squeeze %dma_wait3A_26 : memref<1x640x128xf32, #tpu.memory_space<hbm>> -> memref<640x128xf32, #tpu.memory_space<hbm>>
      %dma_wait3A_28 = arith.constant 0 : i32
      %dma_wait3A_29 = tpu.memref_slice %arg12[%mul3A_19, %dma_wait3A_28] : memref<10240x128xf32, #tpu.memory_space<vmem_shared>> -> memref<640x128xf32, #tpu.memory_space<vmem_shared>>
      tpu.wait_dma2 semaphore(%run_scoped3A : memref<!tpu.dma_semaphore, #tpu.memory_space<semaphore_mem>>) src(%dma_wait3A_29 : memref<640x128xf32, #tpu.memory_space<vmem_shared>>) dst(%dma_wait3A_27 : memref<640x128xf32, #tpu.memory_space<hbm>>)
      tpu.yield
    }) : () -> ()
    return
  }
}

#map = affine_map<(d0, d1) -> (0, 0)>
#map1 = affine_map<(d0, d1) -> (0, 0, 0)>
module attributes {stable_mosaic.version = 14 : i64} {
  func.func @_agg_kernel(%arg0: i32, %arg1: i32, %arg2: memref<10240x128xf32, #tpu.memory_space<hbm>>, %arg3: memref<16x112x128xi32, #tpu.memory_space<hbm>>, %arg4: memref<16x112x128xi32, #tpu.memory_space<hbm>>, %arg5: memref<16x46x128xi32, #tpu.memory_space<hbm>>, %arg6: memref<16x46x128xi32, #tpu.memory_space<hbm>>, %arg7: memref<640x128xf32, #tpu.memory_space<hbm>>, %arg8: memref<2x10240x128xf32, #tpu.memory_space<hbm>>, %arg9: memref<112x128xi32, #tpu.memory_space<vmem>>, %arg10: memref<112x128xi32, #tpu.memory_space<vmem>>, %arg11: memref<128x128xf32, #tpu.memory_space<vmem>>, %arg12: memref<10240x128xf32, #tpu.memory_space<vmem_shared>>, %arg13: memref<!tpu.dma_semaphore, #tpu.memory_space<semaphore_mem>>) attributes {dimension_semantics = [#tpu.dimension_semantics<core_parallel>, #tpu.dimension_semantics<subcore_parallel>], iteration_bounds = array<i64: 2, 16>, scalar_prefetch = 0 : i64, scratch_operands = 5 : i64, tpu.core_type = #tpu.core_type<sc_vector_subcore>, window_params = [{transform_indices = #map}, {transform_indices = #map1}, {transform_indices = #map1}, {transform_indices = #map1}, {transform_indices = #map1}, {transform_indices = #map}, {transform_indices = #map1}]} {
    %eq3A = arith.constant 0 : i32
    %eq3A_0 = arith.cmpi eq, %arg0, %eq3A : i32
    %convert_element_type3A = arith.extui %eq3A_0 : i1 to i32
    %cond3A = arith.constant 0 : i32
    %cond3A_1 = arith.cmpi ne, %convert_element_type3A, %cond3A : i32
    scf.if %cond3A_1 {
      "tpu.region"() ({
        %run_scoped3A = tpu.sem_alloc : memref<!tpu.dma_semaphore, #tpu.memory_space<semaphore_mem>>
        %dma_start3A = arith.constant 0 : i32
        %dma_start3A_22 = arith.constant 0 : i32
        %dma_start3A_23 = tpu.memref_slice %arg3[%arg1, %dma_start3A, %dma_start3A_22] : memref<16x112x128xi32, #tpu.memory_space<hbm>> -> memref<1x112x128xi32, #tpu.memory_space<hbm>>
        %dma_start3A_24 = tpu.memref_squeeze %dma_start3A_23 : memref<1x112x128xi32, #tpu.memory_space<hbm>> -> memref<112x128xi32, #tpu.memory_space<hbm>>
        %dma_start3A_25 = arith.constant 0 : i32
        %dma_start3A_26 = arith.constant 0 : i32
        %dma_start3A_27 = tpu.memref_slice %arg3[%arg1, %dma_start3A_25, %dma_start3A_26] : memref<16x112x128xi32, #tpu.memory_space<hbm>> -> memref<1x112x128xi32, #tpu.memory_space<hbm>>
        %dma_start3A_28 = tpu.memref_squeeze %dma_start3A_27 : memref<1x112x128xi32, #tpu.memory_space<hbm>> -> memref<112x128xi32, #tpu.memory_space<hbm>>
        tpu.enqueue_dma source(%dma_start3A_28 : memref<112x128xi32, #tpu.memory_space<hbm>>) target(%arg9 : memref<112x128xi32, #tpu.memory_space<vmem>>) target_semaphore(%run_scoped3A : memref<!tpu.dma_semaphore, #tpu.memory_space<semaphore_mem>>)
        %dma_wait3A = arith.constant 0 : i32
        %dma_wait3A_29 = arith.constant 0 : i32
        %dma_wait3A_30 = tpu.memref_slice %arg3[%arg1, %dma_wait3A, %dma_wait3A_29] : memref<16x112x128xi32, #tpu.memory_space<hbm>> -> memref<1x112x128xi32, #tpu.memory_space<hbm>>
        %dma_wait3A_31 = tpu.memref_squeeze %dma_wait3A_30 : memref<1x112x128xi32, #tpu.memory_space<hbm>> -> memref<112x128xi32, #tpu.memory_space<hbm>>
        %dma_wait3A_32 = arith.constant 0 : i32
        %dma_wait3A_33 = arith.constant 0 : i32
        %dma_wait3A_34 = tpu.memref_slice %arg3[%arg1, %dma_wait3A_32, %dma_wait3A_33] : memref<16x112x128xi32, #tpu.memory_space<hbm>> -> memref<1x112x128xi32, #tpu.memory_space<hbm>>
        %dma_wait3A_35 = tpu.memref_squeeze %dma_wait3A_34 : memref<1x112x128xi32, #tpu.memory_space<hbm>> -> memref<112x128xi32, #tpu.memory_space<hbm>>
        tpu.wait_dma2 semaphore(%run_scoped3A : memref<!tpu.dma_semaphore, #tpu.memory_space<semaphore_mem>>) src(%dma_wait3A_35 : memref<112x128xi32, #tpu.memory_space<hbm>>) dst(%arg9 : memref<112x128xi32, #tpu.memory_space<vmem>>)
        tpu.yield
      }) : () -> ()
      "tpu.region"() ({
        %run_scoped3A = tpu.sem_alloc : memref<!tpu.dma_semaphore, #tpu.memory_space<semaphore_mem>>
        %dma_start3A = arith.constant 0 : i32
        %dma_start3A_22 = arith.constant 0 : i32
        %dma_start3A_23 = tpu.memref_slice %arg4[%arg1, %dma_start3A, %dma_start3A_22] : memref<16x112x128xi32, #tpu.memory_space<hbm>> -> memref<1x112x128xi32, #tpu.memory_space<hbm>>
        %dma_start3A_24 = tpu.memref_squeeze %dma_start3A_23 : memref<1x112x128xi32, #tpu.memory_space<hbm>> -> memref<112x128xi32, #tpu.memory_space<hbm>>
        %dma_start3A_25 = arith.constant 0 : i32
        %dma_start3A_26 = arith.constant 0 : i32
        %dma_start3A_27 = tpu.memref_slice %arg4[%arg1, %dma_start3A_25, %dma_start3A_26] : memref<16x112x128xi32, #tpu.memory_space<hbm>> -> memref<1x112x128xi32, #tpu.memory_space<hbm>>
        %dma_start3A_28 = tpu.memref_squeeze %dma_start3A_27 : memref<1x112x128xi32, #tpu.memory_space<hbm>> -> memref<112x128xi32, #tpu.memory_space<hbm>>
        tpu.enqueue_dma source(%dma_start3A_28 : memref<112x128xi32, #tpu.memory_space<hbm>>) target(%arg10 : memref<112x128xi32, #tpu.memory_space<vmem>>) target_semaphore(%run_scoped3A : memref<!tpu.dma_semaphore, #tpu.memory_space<semaphore_mem>>)
        %dma_wait3A = arith.constant 0 : i32
        %dma_wait3A_29 = arith.constant 0 : i32
        %dma_wait3A_30 = tpu.memref_slice %arg4[%arg1, %dma_wait3A, %dma_wait3A_29] : memref<16x112x128xi32, #tpu.memory_space<hbm>> -> memref<1x112x128xi32, #tpu.memory_space<hbm>>
        %dma_wait3A_31 = tpu.memref_squeeze %dma_wait3A_30 : memref<1x112x128xi32, #tpu.memory_space<hbm>> -> memref<112x128xi32, #tpu.memory_space<hbm>>
        %dma_wait3A_32 = arith.constant 0 : i32
        %dma_wait3A_33 = arith.constant 0 : i32
        %dma_wait3A_34 = tpu.memref_slice %arg4[%arg1, %dma_wait3A_32, %dma_wait3A_33] : memref<16x112x128xi32, #tpu.memory_space<hbm>> -> memref<1x112x128xi32, #tpu.memory_space<hbm>>
        %dma_wait3A_35 = tpu.memref_squeeze %dma_wait3A_34 : memref<1x112x128xi32, #tpu.memory_space<hbm>> -> memref<112x128xi32, #tpu.memory_space<hbm>>
        tpu.wait_dma2 semaphore(%run_scoped3A : memref<!tpu.dma_semaphore, #tpu.memory_space<semaphore_mem>>) src(%dma_wait3A_35 : memref<112x128xi32, #tpu.memory_space<hbm>>) dst(%arg10 : memref<112x128xi32, #tpu.memory_space<vmem>>)
        tpu.yield
      }) : () -> ()
    } else {
    }
    %ne3A = arith.constant 0 : i32
    %ne3A_2 = arith.cmpi ne, %arg0, %ne3A : i32
    %convert_element_type3A_3 = arith.extui %ne3A_2 : i1 to i32
    %cond3A_4 = arith.constant 0 : i32
    %cond3A_5 = arith.cmpi ne, %convert_element_type3A_3, %cond3A_4 : i32
    scf.if %cond3A_5 {
      "tpu.region"() ({
        %run_scoped3A = tpu.sem_alloc : memref<!tpu.dma_semaphore, #tpu.memory_space<semaphore_mem>>
        %dma_start3A = arith.constant 0 : i32
        %dma_start3A_22 = arith.constant 0 : i32
        %dma_start3A_23 = tpu.memref_slice %arg9[%dma_start3A, %dma_start3A_22] : memref<112x128xi32, #tpu.memory_space<vmem>> -> memref<46x128xi32, #tpu.memory_space<vmem>>
        %dma_start3A_24 = arith.constant 0 : i32
        %dma_start3A_25 = arith.constant 0 : i32
        %dma_start3A_26 = tpu.memref_slice %arg5[%arg1, %dma_start3A_24, %dma_start3A_25] : memref<16x46x128xi32, #tpu.memory_space<hbm>> -> memref<1x46x128xi32, #tpu.memory_space<hbm>>
        %dma_start3A_27 = tpu.memref_squeeze %dma_start3A_26 : memref<1x46x128xi32, #tpu.memory_space<hbm>> -> memref<46x128xi32, #tpu.memory_space<hbm>>
        %dma_start3A_28 = arith.constant 0 : i32
        %dma_start3A_29 = arith.constant 0 : i32
        %dma_start3A_30 = tpu.memref_slice %arg9[%dma_start3A_28, %dma_start3A_29] : memref<112x128xi32, #tpu.memory_space<vmem>> -> memref<46x128xi32, #tpu.memory_space<vmem>>
        %dma_start3A_31 = arith.constant 0 : i32
        %dma_start3A_32 = arith.constant 0 : i32
        %dma_start3A_33 = tpu.memref_slice %arg5[%arg1, %dma_start3A_31, %dma_start3A_32] : memref<16x46x128xi32, #tpu.memory_space<hbm>> -> memref<1x46x128xi32, #tpu.memory_space<hbm>>
        %dma_start3A_34 = tpu.memref_squeeze %dma_start3A_33 : memref<1x46x128xi32, #tpu.memory_space<hbm>> -> memref<46x128xi32, #tpu.memory_space<hbm>>
        tpu.enqueue_dma source(%dma_start3A_34 : memref<46x128xi32, #tpu.memory_space<hbm>>) target(%dma_start3A_30 : memref<46x128xi32, #tpu.memory_space<vmem>>) target_semaphore(%run_scoped3A : memref<!tpu.dma_semaphore, #tpu.memory_space<semaphore_mem>>)
        %dma_wait3A = arith.constant 0 : i32
        %dma_wait3A_35 = arith.constant 0 : i32
        %dma_wait3A_36 = tpu.memref_slice %arg9[%dma_wait3A, %dma_wait3A_35] : memref<112x128xi32, #tpu.memory_space<vmem>> -> memref<46x128xi32, #tpu.memory_space<vmem>>
        %dma_wait3A_37 = arith.constant 0 : i32
        %dma_wait3A_38 = arith.constant 0 : i32
        %dma_wait3A_39 = tpu.memref_slice %arg5[%arg1, %dma_wait3A_37, %dma_wait3A_38] : memref<16x46x128xi32, #tpu.memory_space<hbm>> -> memref<1x46x128xi32, #tpu.memory_space<hbm>>
        %dma_wait3A_40 = tpu.memref_squeeze %dma_wait3A_39 : memref<1x46x128xi32, #tpu.memory_space<hbm>> -> memref<46x128xi32, #tpu.memory_space<hbm>>
        %dma_wait3A_41 = arith.constant 0 : i32
        %dma_wait3A_42 = arith.constant 0 : i32
        %dma_wait3A_43 = tpu.memref_slice %arg9[%dma_wait3A_41, %dma_wait3A_42] : memref<112x128xi32, #tpu.memory_space<vmem>> -> memref<46x128xi32, #tpu.memory_space<vmem>>
        %dma_wait3A_44 = arith.constant 0 : i32
        %dma_wait3A_45 = arith.constant 0 : i32
        %dma_wait3A_46 = tpu.memref_slice %arg5[%arg1, %dma_wait3A_44, %dma_wait3A_45] : memref<16x46x128xi32, #tpu.memory_space<hbm>> -> memref<1x46x128xi32, #tpu.memory_space<hbm>>
        %dma_wait3A_47 = tpu.memref_squeeze %dma_wait3A_46 : memref<1x46x128xi32, #tpu.memory_space<hbm>> -> memref<46x128xi32, #tpu.memory_space<hbm>>
        tpu.wait_dma2 semaphore(%run_scoped3A : memref<!tpu.dma_semaphore, #tpu.memory_space<semaphore_mem>>) src(%dma_wait3A_47 : memref<46x128xi32, #tpu.memory_space<hbm>>) dst(%dma_wait3A_43 : memref<46x128xi32, #tpu.memory_space<vmem>>)
        tpu.yield
      }) : () -> ()
      "tpu.region"() ({
        %run_scoped3A = tpu.sem_alloc : memref<!tpu.dma_semaphore, #tpu.memory_space<semaphore_mem>>
        %dma_start3A = arith.constant 0 : i32
        %dma_start3A_22 = arith.constant 0 : i32
        %dma_start3A_23 = tpu.memref_slice %arg10[%dma_start3A, %dma_start3A_22] : memref<112x128xi32, #tpu.memory_space<vmem>> -> memref<46x128xi32, #tpu.memory_space<vmem>>
        %dma_start3A_24 = arith.constant 0 : i32
        %dma_start3A_25 = arith.constant 0 : i32
        %dma_start3A_26 = tpu.memref_slice %arg6[%arg1, %dma_start3A_24, %dma_start3A_25] : memref<16x46x128xi32, #tpu.memory_space<hbm>> -> memref<1x46x128xi32, #tpu.memory_space<hbm>>
        %dma_start3A_27 = tpu.memref_squeeze %dma_start3A_26 : memref<1x46x128xi32, #tpu.memory_space<hbm>> -> memref<46x128xi32, #tpu.memory_space<hbm>>
        %dma_start3A_28 = arith.constant 0 : i32
        %dma_start3A_29 = arith.constant 0 : i32
        %dma_start3A_30 = tpu.memref_slice %arg10[%dma_start3A_28, %dma_start3A_29] : memref<112x128xi32, #tpu.memory_space<vmem>> -> memref<46x128xi32, #tpu.memory_space<vmem>>
        %dma_start3A_31 = arith.constant 0 : i32
        %dma_start3A_32 = arith.constant 0 : i32
        %dma_start3A_33 = tpu.memref_slice %arg6[%arg1, %dma_start3A_31, %dma_start3A_32] : memref<16x46x128xi32, #tpu.memory_space<hbm>> -> memref<1x46x128xi32, #tpu.memory_space<hbm>>
        %dma_start3A_34 = tpu.memref_squeeze %dma_start3A_33 : memref<1x46x128xi32, #tpu.memory_space<hbm>> -> memref<46x128xi32, #tpu.memory_space<hbm>>
        tpu.enqueue_dma source(%dma_start3A_34 : memref<46x128xi32, #tpu.memory_space<hbm>>) target(%dma_start3A_30 : memref<46x128xi32, #tpu.memory_space<vmem>>) target_semaphore(%run_scoped3A : memref<!tpu.dma_semaphore, #tpu.memory_space<semaphore_mem>>)
        %dma_wait3A = arith.constant 0 : i32
        %dma_wait3A_35 = arith.constant 0 : i32
        %dma_wait3A_36 = tpu.memref_slice %arg10[%dma_wait3A, %dma_wait3A_35] : memref<112x128xi32, #tpu.memory_space<vmem>> -> memref<46x128xi32, #tpu.memory_space<vmem>>
        %dma_wait3A_37 = arith.constant 0 : i32
        %dma_wait3A_38 = arith.constant 0 : i32
        %dma_wait3A_39 = tpu.memref_slice %arg6[%arg1, %dma_wait3A_37, %dma_wait3A_38] : memref<16x46x128xi32, #tpu.memory_space<hbm>> -> memref<1x46x128xi32, #tpu.memory_space<hbm>>
        %dma_wait3A_40 = tpu.memref_squeeze %dma_wait3A_39 : memref<1x46x128xi32, #tpu.memory_space<hbm>> -> memref<46x128xi32, #tpu.memory_space<hbm>>
        %dma_wait3A_41 = arith.constant 0 : i32
        %dma_wait3A_42 = arith.constant 0 : i32
        %dma_wait3A_43 = tpu.memref_slice %arg10[%dma_wait3A_41, %dma_wait3A_42] : memref<112x128xi32, #tpu.memory_space<vmem>> -> memref<46x128xi32, #tpu.memory_space<vmem>>
        %dma_wait3A_44 = arith.constant 0 : i32
        %dma_wait3A_45 = arith.constant 0 : i32
        %dma_wait3A_46 = tpu.memref_slice %arg6[%arg1, %dma_wait3A_44, %dma_wait3A_45] : memref<16x46x128xi32, #tpu.memory_space<hbm>> -> memref<1x46x128xi32, #tpu.memory_space<hbm>>
        %dma_wait3A_47 = tpu.memref_squeeze %dma_wait3A_46 : memref<1x46x128xi32, #tpu.memory_space<hbm>> -> memref<46x128xi32, #tpu.memory_space<hbm>>
        tpu.wait_dma2 semaphore(%run_scoped3A : memref<!tpu.dma_semaphore, #tpu.memory_space<semaphore_mem>>) src(%dma_wait3A_47 : memref<46x128xi32, #tpu.memory_space<hbm>>) dst(%dma_wait3A_43 : memref<46x128xi32, #tpu.memory_space<vmem>>)
        tpu.yield
      }) : () -> ()
    } else {
    }
    %mul3A = arith.constant 640 : i32
    %mul3A_6 = arith.muli %arg1, %mul3A : i32
    "tpu.region"() ({
      %run_scoped3A = tpu.sem_alloc : memref<!tpu.dma_semaphore, #tpu.memory_space<semaphore_mem>>
      %dma_start3A = arith.constant 0 : i32
      %dma_start3A_22 = tpu.memref_slice %arg12[%mul3A_6, %dma_start3A] : memref<10240x128xf32, #tpu.memory_space<vmem_shared>> -> memref<640x128xf32, #tpu.memory_space<vmem_shared>>
      tpu.enqueue_dma source(%arg7 : memref<640x128xf32, #tpu.memory_space<hbm>>) target(%dma_start3A_22 : memref<640x128xf32, #tpu.memory_space<vmem_shared>>) target_semaphore(%run_scoped3A : memref<!tpu.dma_semaphore, #tpu.memory_space<semaphore_mem>>)
      %dma_wait3A = arith.constant 0 : i32
      %dma_wait3A_23 = tpu.memref_slice %arg12[%mul3A_6, %dma_wait3A] : memref<10240x128xf32, #tpu.memory_space<vmem_shared>> -> memref<640x128xf32, #tpu.memory_space<vmem_shared>>
      tpu.wait_dma2 semaphore(%run_scoped3A : memref<!tpu.dma_semaphore, #tpu.memory_space<semaphore_mem>>) src(%arg7 : memref<640x128xf32, #tpu.memory_space<hbm>>) dst(%dma_wait3A_23 : memref<640x128xf32, #tpu.memory_space<vmem_shared>>)
      tpu.yield
    }) : () -> ()
    %barrier3A = arith.constant 0 : index
    tpu.barrier barrier_id(%barrier3A)
    %eq3A_7 = arith.constant 0 : i32
    %eq3A_8 = arith.cmpi eq, %arg0, %eq3A_7 : i32
    %convert_element_type3A_9 = arith.extui %eq3A_8 : i1 to i32
    %cond3A_10 = arith.constant 0 : i32
    %cond3A_11 = arith.cmpi ne, %convert_element_type3A_9, %cond3A_10 : i32
    scf.if %cond3A_11 {
      %scan3A = arith.constant 0 : i32
      %scan3A_22 = arith.constant 0 : i32
      %scan3A_23 = arith.constant 112 : i32
      %scan3A_24 = arith.addi %scan3A_22, %scan3A_23 : i32
      %scan3A_25 = arith.constant 1 : i32
      scf.for %scan3A_27 = %scan3A_22 to %scan3A_24 step %scan3A_25  : i32 {
        %dma_start3A = arith.constant 0 : i32
        %dma_start3A_28 = tpu.memref_slice %arg9[%scan3A_27, %dma_start3A] : memref<112x128xi32, #tpu.memory_space<vmem>> -> memref<1x128xi32, #tpu.memory_space<vmem>>
        %dma_start3A_29 = tpu.memref_squeeze %dma_start3A_28 : memref<1x128xi32, #tpu.memory_space<vmem>> -> memref<128xi32, #tpu.memory_space<vmem>>
        %dma_start3A_30 = arith.constant 0 : i32
        %dma_start3A_31 = arith.constant 0 : i32
        %dma_start3A_32 = tpu.memref_slice %arg2[%dma_start3A_30, %dma_start3A_31] : memref<10240x128xf32, #tpu.memory_space<hbm>> -> memref<10240x128xf32, #tpu.memory_space<hbm>>
        tpu.enqueue_indirect_dma source(%dma_start3A_32 : memref<10240x128xf32, #tpu.memory_space<hbm>>) target(%arg11 : memref<128x128xf32, #tpu.memory_space<vmem>>) offsets(%dma_start3A_29 : memref<128xi32, #tpu.memory_space<vmem>>) semaphore(%arg13 : memref<!tpu.dma_semaphore, #tpu.memory_space<semaphore_mem>>)
        %dma_wait3A = arith.constant 0 : i32
        %dma_wait3A_33 = tpu.memref_slice %arg9[%scan3A_27, %dma_wait3A] : memref<112x128xi32, #tpu.memory_space<vmem>> -> memref<1x128xi32, #tpu.memory_space<vmem>>
        %dma_wait3A_34 = tpu.memref_squeeze %dma_wait3A_33 : memref<1x128xi32, #tpu.memory_space<vmem>> -> memref<128xi32, #tpu.memory_space<vmem>>
        %dma_wait3A_35 = arith.constant 0 : i32
        %dma_wait3A_36 = arith.constant 0 : i32
        %dma_wait3A_37 = tpu.memref_slice %arg2[%dma_wait3A_35, %dma_wait3A_36] : memref<10240x128xf32, #tpu.memory_space<hbm>> -> memref<10240x128xf32, #tpu.memory_space<hbm>>
        tpu.wait_indirect_dma semaphore(%arg13 : memref<!tpu.dma_semaphore, #tpu.memory_space<semaphore_mem>>) src(%dma_wait3A_37 : memref<10240x128xf32, #tpu.memory_space<hbm>>) dst(%arg11 : memref<128x128xf32, #tpu.memory_space<vmem>>)
        "tpu.region"() ({
          %run_scoped3A = tpu.sem_alloc : memref<!tpu.dma_semaphore, #tpu.memory_space<semaphore_mem>>
          %dma_start3A_38 = arith.constant 0 : i32
          %dma_start3A_39 = tpu.memref_slice %arg10[%scan3A_27, %dma_start3A_38] : memref<112x128xi32, #tpu.memory_space<vmem>> -> memref<1x128xi32, #tpu.memory_space<vmem>>
          %dma_start3A_40 = tpu.memref_squeeze %dma_start3A_39 : memref<1x128xi32, #tpu.memory_space<vmem>> -> memref<128xi32, #tpu.memory_space<vmem>>
          %dma_start3A_41 = arith.constant 0 : i32
          %dma_start3A_42 = arith.constant 0 : i32
          %dma_start3A_43 = tpu.memref_slice %arg12[%dma_start3A_41, %dma_start3A_42] : memref<10240x128xf32, #tpu.memory_space<vmem_shared>> -> memref<10240x128xf32, #tpu.memory_space<vmem_shared>>
          tpu.enqueue_indirect_dma source(%arg11 : memref<128x128xf32, #tpu.memory_space<vmem>>) target(%dma_start3A_43 : memref<10240x128xf32, #tpu.memory_space<vmem_shared>>) offsets(%dma_start3A_40 : memref<128xi32, #tpu.memory_space<vmem>>) semaphore(%run_scoped3A : memref<!tpu.dma_semaphore, #tpu.memory_space<semaphore_mem>>) {add = true}
          %dma_wait3A_44 = arith.constant 0 : i32
          %dma_wait3A_45 = tpu.memref_slice %arg10[%scan3A_27, %dma_wait3A_44] : memref<112x128xi32, #tpu.memory_space<vmem>> -> memref<1x128xi32, #tpu.memory_space<vmem>>
          %dma_wait3A_46 = tpu.memref_squeeze %dma_wait3A_45 : memref<1x128xi32, #tpu.memory_space<vmem>> -> memref<128xi32, #tpu.memory_space<vmem>>
          %dma_wait3A_47 = arith.constant 0 : i32
          %dma_wait3A_48 = arith.constant 0 : i32
          %dma_wait3A_49 = tpu.memref_slice %arg12[%dma_wait3A_47, %dma_wait3A_48] : memref<10240x128xf32, #tpu.memory_space<vmem_shared>> -> memref<10240x128xf32, #tpu.memory_space<vmem_shared>>
          tpu.wait_indirect_dma semaphore(%run_scoped3A : memref<!tpu.dma_semaphore, #tpu.memory_space<semaphore_mem>>) src(%arg11 : memref<128x128xf32, #tpu.memory_space<vmem>>) dst(%dma_wait3A_49 : memref<10240x128xf32, #tpu.memory_space<vmem_shared>>)
          tpu.yield
        }) : () -> ()
      }
      %scan3A_26 = arith.constant 112 : i32
    } else {
    }
    %ne3A_12 = arith.constant 0 : i32
    %ne3A_13 = arith.cmpi ne, %arg0, %ne3A_12 : i32
    %convert_element_type3A_14 = arith.extui %ne3A_13 : i1 to i32
    %cond3A_15 = arith.constant 0 : i32
    %cond3A_16 = arith.cmpi ne, %convert_element_type3A_14, %cond3A_15 : i32
    scf.if %cond3A_16 {
      %scan3A = arith.constant 0 : i32
      %scan3A_22 = arith.constant 0 : i32
      %scan3A_23 = arith.constant 46 : i32
      %scan3A_24 = arith.addi %scan3A_22, %scan3A_23 : i32
      %scan3A_25 = arith.constant 1 : i32
      scf.for %scan3A_27 = %scan3A_22 to %scan3A_24 step %scan3A_25  : i32 {
        %dma_start3A = arith.constant 0 : i32
        %dma_start3A_28 = tpu.memref_slice %arg9[%scan3A_27, %dma_start3A] : memref<112x128xi32, #tpu.memory_space<vmem>> -> memref<1x128xi32, #tpu.memory_space<vmem>>
        %dma_start3A_29 = tpu.memref_squeeze %dma_start3A_28 : memref<1x128xi32, #tpu.memory_space<vmem>> -> memref<128xi32, #tpu.memory_space<vmem>>
        %dma_start3A_30 = arith.constant 0 : i32
        %dma_start3A_31 = arith.constant 0 : i32
        %dma_start3A_32 = tpu.memref_slice %arg2[%dma_start3A_30, %dma_start3A_31] : memref<10240x128xf32, #tpu.memory_space<hbm>> -> memref<10240x128xf32, #tpu.memory_space<hbm>>
        tpu.enqueue_indirect_dma source(%dma_start3A_32 : memref<10240x128xf32, #tpu.memory_space<hbm>>) target(%arg11 : memref<128x128xf32, #tpu.memory_space<vmem>>) offsets(%dma_start3A_29 : memref<128xi32, #tpu.memory_space<vmem>>) semaphore(%arg13 : memref<!tpu.dma_semaphore, #tpu.memory_space<semaphore_mem>>)
        %dma_wait3A = arith.constant 0 : i32
        %dma_wait3A_33 = tpu.memref_slice %arg9[%scan3A_27, %dma_wait3A] : memref<112x128xi32, #tpu.memory_space<vmem>> -> memref<1x128xi32, #tpu.memory_space<vmem>>
        %dma_wait3A_34 = tpu.memref_squeeze %dma_wait3A_33 : memref<1x128xi32, #tpu.memory_space<vmem>> -> memref<128xi32, #tpu.memory_space<vmem>>
        %dma_wait3A_35 = arith.constant 0 : i32
        %dma_wait3A_36 = arith.constant 0 : i32
        %dma_wait3A_37 = tpu.memref_slice %arg2[%dma_wait3A_35, %dma_wait3A_36] : memref<10240x128xf32, #tpu.memory_space<hbm>> -> memref<10240x128xf32, #tpu.memory_space<hbm>>
        tpu.wait_indirect_dma semaphore(%arg13 : memref<!tpu.dma_semaphore, #tpu.memory_space<semaphore_mem>>) src(%dma_wait3A_37 : memref<10240x128xf32, #tpu.memory_space<hbm>>) dst(%arg11 : memref<128x128xf32, #tpu.memory_space<vmem>>)
        "tpu.region"() ({
          %run_scoped3A = tpu.sem_alloc : memref<!tpu.dma_semaphore, #tpu.memory_space<semaphore_mem>>
          %dma_start3A_38 = arith.constant 0 : i32
          %dma_start3A_39 = tpu.memref_slice %arg10[%scan3A_27, %dma_start3A_38] : memref<112x128xi32, #tpu.memory_space<vmem>> -> memref<1x128xi32, #tpu.memory_space<vmem>>
          %dma_start3A_40 = tpu.memref_squeeze %dma_start3A_39 : memref<1x128xi32, #tpu.memory_space<vmem>> -> memref<128xi32, #tpu.memory_space<vmem>>
          %dma_start3A_41 = arith.constant 0 : i32
          %dma_start3A_42 = arith.constant 0 : i32
          %dma_start3A_43 = tpu.memref_slice %arg12[%dma_start3A_41, %dma_start3A_42] : memref<10240x128xf32, #tpu.memory_space<vmem_shared>> -> memref<10240x128xf32, #tpu.memory_space<vmem_shared>>
          tpu.enqueue_indirect_dma source(%arg11 : memref<128x128xf32, #tpu.memory_space<vmem>>) target(%dma_start3A_43 : memref<10240x128xf32, #tpu.memory_space<vmem_shared>>) offsets(%dma_start3A_40 : memref<128xi32, #tpu.memory_space<vmem>>) semaphore(%run_scoped3A : memref<!tpu.dma_semaphore, #tpu.memory_space<semaphore_mem>>) {add = true}
          %dma_wait3A_44 = arith.constant 0 : i32
          %dma_wait3A_45 = tpu.memref_slice %arg10[%scan3A_27, %dma_wait3A_44] : memref<112x128xi32, #tpu.memory_space<vmem>> -> memref<1x128xi32, #tpu.memory_space<vmem>>
          %dma_wait3A_46 = tpu.memref_squeeze %dma_wait3A_45 : memref<1x128xi32, #tpu.memory_space<vmem>> -> memref<128xi32, #tpu.memory_space<vmem>>
          %dma_wait3A_47 = arith.constant 0 : i32
          %dma_wait3A_48 = arith.constant 0 : i32
          %dma_wait3A_49 = tpu.memref_slice %arg12[%dma_wait3A_47, %dma_wait3A_48] : memref<10240x128xf32, #tpu.memory_space<vmem_shared>> -> memref<10240x128xf32, #tpu.memory_space<vmem_shared>>
          tpu.wait_indirect_dma semaphore(%run_scoped3A : memref<!tpu.dma_semaphore, #tpu.memory_space<semaphore_mem>>) src(%arg11 : memref<128x128xf32, #tpu.memory_space<vmem>>) dst(%dma_wait3A_49 : memref<10240x128xf32, #tpu.memory_space<vmem_shared>>)
          tpu.yield
        }) : () -> ()
      }
      %scan3A_26 = arith.constant 46 : i32
    } else {
    }
    %barrier3A_17 = arith.constant 0 : index
    tpu.barrier barrier_id(%barrier3A_17)
    %mul3A_18 = arith.constant 640 : i32
    %mul3A_19 = arith.muli %arg1, %mul3A_18 : i32
    %mul3A_20 = arith.constant 640 : i32
    %mul3A_21 = arith.muli %arg1, %mul3A_20 : i32
    "tpu.region"() ({
      %run_scoped3A = tpu.sem_alloc : memref<!tpu.dma_semaphore, #tpu.memory_space<semaphore_mem>>
      %dma_start3A = arith.constant 0 : i32
      %dma_start3A_22 = tpu.memref_slice %arg8[%arg0, %mul3A_21, %dma_start3A] : memref<2x10240x128xf32, #tpu.memory_space<hbm>> -> memref<1x640x128xf32, #tpu.memory_space<hbm>>
      %dma_start3A_23 = tpu.memref_squeeze %dma_start3A_22 : memref<1x640x128xf32, #tpu.memory_space<hbm>> -> memref<640x128xf32, #tpu.memory_space<hbm>>
      %dma_start3A_24 = arith.constant 0 : i32
      %dma_start3A_25 = tpu.memref_slice %arg12[%mul3A_19, %dma_start3A_24] : memref<10240x128xf32, #tpu.memory_space<vmem_shared>> -> memref<640x128xf32, #tpu.memory_space<vmem_shared>>
      tpu.enqueue_dma source(%dma_start3A_25 : memref<640x128xf32, #tpu.memory_space<vmem_shared>>) target(%dma_start3A_23 : memref<640x128xf32, #tpu.memory_space<hbm>>) target_semaphore(%run_scoped3A : memref<!tpu.dma_semaphore, #tpu.memory_space<semaphore_mem>>)
      %dma_wait3A = arith.constant 0 : i32
      %dma_wait3A_26 = tpu.memref_slice %arg8[%arg0, %mul3A_21, %dma_wait3A] : memref<2x10240x128xf32, #tpu.memory_space<hbm>> -> memref<1x640x128xf32, #tpu.memory_space<hbm>>
      %dma_wait3A_27 = tpu.memref_squeeze %dma_wait3A_26 : memref<1x640x128xf32, #tpu.memory_space<hbm>> -> memref<640x128xf32, #tpu.memory_space<hbm>>
      %dma_wait3A_28 = arith.constant 0 : i32
      %dma_wait3A_29 = tpu.memref_slice %arg12[%mul3A_19, %dma_wait3A_28] : memref<10240x128xf32, #tpu.memory_space<vmem_shared>> -> memref<640x128xf32, #tpu.memory_space<vmem_shared>>
      tpu.wait_dma2 semaphore(%run_scoped3A : memref<!tpu.dma_semaphore, #tpu.memory_space<semaphore_mem>>) src(%dma_wait3A_29 : memref<640x128xf32, #tpu.memory_space<vmem_shared>>) dst(%dma_wait3A_27 : memref<640x128xf32, #tpu.memory_space<hbm>>)
      tpu.yield
    }) : () -> ()
    return
  }
}

#map = affine_map<(d0, d1) -> (0, 0)>
#map1 = affine_map<(d0, d1) -> (0, 0, 0)>
module attributes {stable_mosaic.version = 14 : i64} {
  func.func @_agg_kernel(%arg0: i32, %arg1: i32, %arg2: memref<10240x128xf32, #tpu.memory_space<hbm>>, %arg3: memref<16x112x128xi32, #tpu.memory_space<hbm>>, %arg4: memref<16x112x128xi32, #tpu.memory_space<hbm>>, %arg5: memref<16x46x128xi32, #tpu.memory_space<hbm>>, %arg6: memref<16x46x128xi32, #tpu.memory_space<hbm>>, %arg7: memref<640x128xf32, #tpu.memory_space<hbm>>, %arg8: memref<2x10240x128xf32, #tpu.memory_space<hbm>>, %arg9: memref<112x128xi32, #tpu.memory_space<vmem>>, %arg10: memref<112x128xi32, #tpu.memory_space<vmem>>, %arg11: memref<128x128xf32, #tpu.memory_space<vmem>>, %arg12: memref<10240x128xf32, #tpu.memory_space<vmem_shared>>, %arg13: memref<!tpu.dma_semaphore, #tpu.memory_space<semaphore_mem>>) attributes {dimension_semantics = [#tpu.dimension_semantics<core_parallel>, #tpu.dimension_semantics<subcore_parallel>], iteration_bounds = array<i64: 2, 16>, scalar_prefetch = 0 : i64, scratch_operands = 5 : i64, tpu.core_type = #tpu.core_type<sc_vector_subcore>, window_params = [{transform_indices = #map}, {transform_indices = #map1}, {transform_indices = #map1}, {transform_indices = #map1}, {transform_indices = #map1}, {transform_indices = #map}, {transform_indices = #map1}]} {
    %eq3A = arith.constant 0 : i32
    %eq3A_0 = arith.cmpi eq, %arg0, %eq3A : i32
    %convert_element_type3A = arith.extui %eq3A_0 : i1 to i32
    %cond3A = arith.constant 0 : i32
    %cond3A_1 = arith.cmpi ne, %convert_element_type3A, %cond3A : i32
    scf.if %cond3A_1 {
      "tpu.region"() ({
        %run_scoped3A = tpu.sem_alloc : memref<!tpu.dma_semaphore, #tpu.memory_space<semaphore_mem>>
        %dma_start3A = arith.constant 0 : i32
        %dma_start3A_22 = arith.constant 0 : i32
        %dma_start3A_23 = tpu.memref_slice %arg3[%arg1, %dma_start3A, %dma_start3A_22] : memref<16x112x128xi32, #tpu.memory_space<hbm>> -> memref<1x112x128xi32, #tpu.memory_space<hbm>>
        %dma_start3A_24 = tpu.memref_squeeze %dma_start3A_23 : memref<1x112x128xi32, #tpu.memory_space<hbm>> -> memref<112x128xi32, #tpu.memory_space<hbm>>
        %dma_start3A_25 = arith.constant 0 : i32
        %dma_start3A_26 = arith.constant 0 : i32
        %dma_start3A_27 = tpu.memref_slice %arg3[%arg1, %dma_start3A_25, %dma_start3A_26] : memref<16x112x128xi32, #tpu.memory_space<hbm>> -> memref<1x112x128xi32, #tpu.memory_space<hbm>>
        %dma_start3A_28 = tpu.memref_squeeze %dma_start3A_27 : memref<1x112x128xi32, #tpu.memory_space<hbm>> -> memref<112x128xi32, #tpu.memory_space<hbm>>
        tpu.enqueue_dma source(%dma_start3A_28 : memref<112x128xi32, #tpu.memory_space<hbm>>) target(%arg9 : memref<112x128xi32, #tpu.memory_space<vmem>>) target_semaphore(%run_scoped3A : memref<!tpu.dma_semaphore, #tpu.memory_space<semaphore_mem>>)
        %dma_wait3A = arith.constant 0 : i32
        %dma_wait3A_29 = arith.constant 0 : i32
        %dma_wait3A_30 = tpu.memref_slice %arg3[%arg1, %dma_wait3A, %dma_wait3A_29] : memref<16x112x128xi32, #tpu.memory_space<hbm>> -> memref<1x112x128xi32, #tpu.memory_space<hbm>>
        %dma_wait3A_31 = tpu.memref_squeeze %dma_wait3A_30 : memref<1x112x128xi32, #tpu.memory_space<hbm>> -> memref<112x128xi32, #tpu.memory_space<hbm>>
        %dma_wait3A_32 = arith.constant 0 : i32
        %dma_wait3A_33 = arith.constant 0 : i32
        %dma_wait3A_34 = tpu.memref_slice %arg3[%arg1, %dma_wait3A_32, %dma_wait3A_33] : memref<16x112x128xi32, #tpu.memory_space<hbm>> -> memref<1x112x128xi32, #tpu.memory_space<hbm>>
        %dma_wait3A_35 = tpu.memref_squeeze %dma_wait3A_34 : memref<1x112x128xi32, #tpu.memory_space<hbm>> -> memref<112x128xi32, #tpu.memory_space<hbm>>
        tpu.wait_dma2 semaphore(%run_scoped3A : memref<!tpu.dma_semaphore, #tpu.memory_space<semaphore_mem>>) src(%dma_wait3A_35 : memref<112x128xi32, #tpu.memory_space<hbm>>) dst(%arg9 : memref<112x128xi32, #tpu.memory_space<vmem>>)
        tpu.yield
      }) : () -> ()
      "tpu.region"() ({
        %run_scoped3A = tpu.sem_alloc : memref<!tpu.dma_semaphore, #tpu.memory_space<semaphore_mem>>
        %dma_start3A = arith.constant 0 : i32
        %dma_start3A_22 = arith.constant 0 : i32
        %dma_start3A_23 = tpu.memref_slice %arg4[%arg1, %dma_start3A, %dma_start3A_22] : memref<16x112x128xi32, #tpu.memory_space<hbm>> -> memref<1x112x128xi32, #tpu.memory_space<hbm>>
        %dma_start3A_24 = tpu.memref_squeeze %dma_start3A_23 : memref<1x112x128xi32, #tpu.memory_space<hbm>> -> memref<112x128xi32, #tpu.memory_space<hbm>>
        %dma_start3A_25 = arith.constant 0 : i32
        %dma_start3A_26 = arith.constant 0 : i32
        %dma_start3A_27 = tpu.memref_slice %arg4[%arg1, %dma_start3A_25, %dma_start3A_26] : memref<16x112x128xi32, #tpu.memory_space<hbm>> -> memref<1x112x128xi32, #tpu.memory_space<hbm>>
        %dma_start3A_28 = tpu.memref_squeeze %dma_start3A_27 : memref<1x112x128xi32, #tpu.memory_space<hbm>> -> memref<112x128xi32, #tpu.memory_space<hbm>>
        tpu.enqueue_dma source(%dma_start3A_28 : memref<112x128xi32, #tpu.memory_space<hbm>>) target(%arg10 : memref<112x128xi32, #tpu.memory_space<vmem>>) target_semaphore(%run_scoped3A : memref<!tpu.dma_semaphore, #tpu.memory_space<semaphore_mem>>)
        %dma_wait3A = arith.constant 0 : i32
        %dma_wait3A_29 = arith.constant 0 : i32
        %dma_wait3A_30 = tpu.memref_slice %arg4[%arg1, %dma_wait3A, %dma_wait3A_29] : memref<16x112x128xi32, #tpu.memory_space<hbm>> -> memref<1x112x128xi32, #tpu.memory_space<hbm>>
        %dma_wait3A_31 = tpu.memref_squeeze %dma_wait3A_30 : memref<1x112x128xi32, #tpu.memory_space<hbm>> -> memref<112x128xi32, #tpu.memory_space<hbm>>
        %dma_wait3A_32 = arith.constant 0 : i32
        %dma_wait3A_33 = arith.constant 0 : i32
        %dma_wait3A_34 = tpu.memref_slice %arg4[%arg1, %dma_wait3A_32, %dma_wait3A_33] : memref<16x112x128xi32, #tpu.memory_space<hbm>> -> memref<1x112x128xi32, #tpu.memory_space<hbm>>
        %dma_wait3A_35 = tpu.memref_squeeze %dma_wait3A_34 : memref<1x112x128xi32, #tpu.memory_space<hbm>> -> memref<112x128xi32, #tpu.memory_space<hbm>>
        tpu.wait_dma2 semaphore(%run_scoped3A : memref<!tpu.dma_semaphore, #tpu.memory_space<semaphore_mem>>) src(%dma_wait3A_35 : memref<112x128xi32, #tpu.memory_space<hbm>>) dst(%arg10 : memref<112x128xi32, #tpu.memory_space<vmem>>)
        tpu.yield
      }) : () -> ()
    } else {
    }
    %ne3A = arith.constant 0 : i32
    %ne3A_2 = arith.cmpi ne, %arg0, %ne3A : i32
    %convert_element_type3A_3 = arith.extui %ne3A_2 : i1 to i32
    %cond3A_4 = arith.constant 0 : i32
    %cond3A_5 = arith.cmpi ne, %convert_element_type3A_3, %cond3A_4 : i32
    scf.if %cond3A_5 {
      "tpu.region"() ({
        %run_scoped3A = tpu.sem_alloc : memref<!tpu.dma_semaphore, #tpu.memory_space<semaphore_mem>>
        %dma_start3A = arith.constant 0 : i32
        %dma_start3A_22 = arith.constant 0 : i32
        %dma_start3A_23 = tpu.memref_slice %arg9[%dma_start3A, %dma_start3A_22] : memref<112x128xi32, #tpu.memory_space<vmem>> -> memref<46x128xi32, #tpu.memory_space<vmem>>
        %dma_start3A_24 = arith.constant 0 : i32
        %dma_start3A_25 = arith.constant 0 : i32
        %dma_start3A_26 = tpu.memref_slice %arg5[%arg1, %dma_start3A_24, %dma_start3A_25] : memref<16x46x128xi32, #tpu.memory_space<hbm>> -> memref<1x46x128xi32, #tpu.memory_space<hbm>>
        %dma_start3A_27 = tpu.memref_squeeze %dma_start3A_26 : memref<1x46x128xi32, #tpu.memory_space<hbm>> -> memref<46x128xi32, #tpu.memory_space<hbm>>
        %dma_start3A_28 = arith.constant 0 : i32
        %dma_start3A_29 = arith.constant 0 : i32
        %dma_start3A_30 = tpu.memref_slice %arg9[%dma_start3A_28, %dma_start3A_29] : memref<112x128xi32, #tpu.memory_space<vmem>> -> memref<46x128xi32, #tpu.memory_space<vmem>>
        %dma_start3A_31 = arith.constant 0 : i32
        %dma_start3A_32 = arith.constant 0 : i32
        %dma_start3A_33 = tpu.memref_slice %arg5[%arg1, %dma_start3A_31, %dma_start3A_32] : memref<16x46x128xi32, #tpu.memory_space<hbm>> -> memref<1x46x128xi32, #tpu.memory_space<hbm>>
        %dma_start3A_34 = tpu.memref_squeeze %dma_start3A_33 : memref<1x46x128xi32, #tpu.memory_space<hbm>> -> memref<46x128xi32, #tpu.memory_space<hbm>>
        tpu.enqueue_dma source(%dma_start3A_34 : memref<46x128xi32, #tpu.memory_space<hbm>>) target(%dma_start3A_30 : memref<46x128xi32, #tpu.memory_space<vmem>>) target_semaphore(%run_scoped3A : memref<!tpu.dma_semaphore, #tpu.memory_space<semaphore_mem>>)
        %dma_wait3A = arith.constant 0 : i32
        %dma_wait3A_35 = arith.constant 0 : i32
        %dma_wait3A_36 = tpu.memref_slice %arg9[%dma_wait3A, %dma_wait3A_35] : memref<112x128xi32, #tpu.memory_space<vmem>> -> memref<46x128xi32, #tpu.memory_space<vmem>>
        %dma_wait3A_37 = arith.constant 0 : i32
        %dma_wait3A_38 = arith.constant 0 : i32
        %dma_wait3A_39 = tpu.memref_slice %arg5[%arg1, %dma_wait3A_37, %dma_wait3A_38] : memref<16x46x128xi32, #tpu.memory_space<hbm>> -> memref<1x46x128xi32, #tpu.memory_space<hbm>>
        %dma_wait3A_40 = tpu.memref_squeeze %dma_wait3A_39 : memref<1x46x128xi32, #tpu.memory_space<hbm>> -> memref<46x128xi32, #tpu.memory_space<hbm>>
        %dma_wait3A_41 = arith.constant 0 : i32
        %dma_wait3A_42 = arith.constant 0 : i32
        %dma_wait3A_43 = tpu.memref_slice %arg9[%dma_wait3A_41, %dma_wait3A_42] : memref<112x128xi32, #tpu.memory_space<vmem>> -> memref<46x128xi32, #tpu.memory_space<vmem>>
        %dma_wait3A_44 = arith.constant 0 : i32
        %dma_wait3A_45 = arith.constant 0 : i32
        %dma_wait3A_46 = tpu.memref_slice %arg5[%arg1, %dma_wait3A_44, %dma_wait3A_45] : memref<16x46x128xi32, #tpu.memory_space<hbm>> -> memref<1x46x128xi32, #tpu.memory_space<hbm>>
        %dma_wait3A_47 = tpu.memref_squeeze %dma_wait3A_46 : memref<1x46x128xi32, #tpu.memory_space<hbm>> -> memref<46x128xi32, #tpu.memory_space<hbm>>
        tpu.wait_dma2 semaphore(%run_scoped3A : memref<!tpu.dma_semaphore, #tpu.memory_space<semaphore_mem>>) src(%dma_wait3A_47 : memref<46x128xi32, #tpu.memory_space<hbm>>) dst(%dma_wait3A_43 : memref<46x128xi32, #tpu.memory_space<vmem>>)
        tpu.yield
      }) : () -> ()
      "tpu.region"() ({
        %run_scoped3A = tpu.sem_alloc : memref<!tpu.dma_semaphore, #tpu.memory_space<semaphore_mem>>
        %dma_start3A = arith.constant 0 : i32
        %dma_start3A_22 = arith.constant 0 : i32
        %dma_start3A_23 = tpu.memref_slice %arg10[%dma_start3A, %dma_start3A_22] : memref<112x128xi32, #tpu.memory_space<vmem>> -> memref<46x128xi32, #tpu.memory_space<vmem>>
        %dma_start3A_24 = arith.constant 0 : i32
        %dma_start3A_25 = arith.constant 0 : i32
        %dma_start3A_26 = tpu.memref_slice %arg6[%arg1, %dma_start3A_24, %dma_start3A_25] : memref<16x46x128xi32, #tpu.memory_space<hbm>> -> memref<1x46x128xi32, #tpu.memory_space<hbm>>
        %dma_start3A_27 = tpu.memref_squeeze %dma_start3A_26 : memref<1x46x128xi32, #tpu.memory_space<hbm>> -> memref<46x128xi32, #tpu.memory_space<hbm>>
        %dma_start3A_28 = arith.constant 0 : i32
        %dma_start3A_29 = arith.constant 0 : i32
        %dma_start3A_30 = tpu.memref_slice %arg10[%dma_start3A_28, %dma_start3A_29] : memref<112x128xi32, #tpu.memory_space<vmem>> -> memref<46x128xi32, #tpu.memory_space<vmem>>
        %dma_start3A_31 = arith.constant 0 : i32
        %dma_start3A_32 = arith.constant 0 : i32
        %dma_start3A_33 = tpu.memref_slice %arg6[%arg1, %dma_start3A_31, %dma_start3A_32] : memref<16x46x128xi32, #tpu.memory_space<hbm>> -> memref<1x46x128xi32, #tpu.memory_space<hbm>>
        %dma_start3A_34 = tpu.memref_squeeze %dma_start3A_33 : memref<1x46x128xi32, #tpu.memory_space<hbm>> -> memref<46x128xi32, #tpu.memory_space<hbm>>
        tpu.enqueue_dma source(%dma_start3A_34 : memref<46x128xi32, #tpu.memory_space<hbm>>) target(%dma_start3A_30 : memref<46x128xi32, #tpu.memory_space<vmem>>) target_semaphore(%run_scoped3A : memref<!tpu.dma_semaphore, #tpu.memory_space<semaphore_mem>>)
        %dma_wait3A = arith.constant 0 : i32
        %dma_wait3A_35 = arith.constant 0 : i32
        %dma_wait3A_36 = tpu.memref_slice %arg10[%dma_wait3A, %dma_wait3A_35] : memref<112x128xi32, #tpu.memory_space<vmem>> -> memref<46x128xi32, #tpu.memory_space<vmem>>
        %dma_wait3A_37 = arith.constant 0 : i32
        %dma_wait3A_38 = arith.constant 0 : i32
        %dma_wait3A_39 = tpu.memref_slice %arg6[%arg1, %dma_wait3A_37, %dma_wait3A_38] : memref<16x46x128xi32, #tpu.memory_space<hbm>> -> memref<1x46x128xi32, #tpu.memory_space<hbm>>
        %dma_wait3A_40 = tpu.memref_squeeze %dma_wait3A_39 : memref<1x46x128xi32, #tpu.memory_space<hbm>> -> memref<46x128xi32, #tpu.memory_space<hbm>>
        %dma_wait3A_41 = arith.constant 0 : i32
        %dma_wait3A_42 = arith.constant 0 : i32
        %dma_wait3A_43 = tpu.memref_slice %arg10[%dma_wait3A_41, %dma_wait3A_42] : memref<112x128xi32, #tpu.memory_space<vmem>> -> memref<46x128xi32, #tpu.memory_space<vmem>>
        %dma_wait3A_44 = arith.constant 0 : i32
        %dma_wait3A_45 = arith.constant 0 : i32
        %dma_wait3A_46 = tpu.memref_slice %arg6[%arg1, %dma_wait3A_44, %dma_wait3A_45] : memref<16x46x128xi32, #tpu.memory_space<hbm>> -> memref<1x46x128xi32, #tpu.memory_space<hbm>>
        %dma_wait3A_47 = tpu.memref_squeeze %dma_wait3A_46 : memref<1x46x128xi32, #tpu.memory_space<hbm>> -> memref<46x128xi32, #tpu.memory_space<hbm>>
        tpu.wait_dma2 semaphore(%run_scoped3A : memref<!tpu.dma_semaphore, #tpu.memory_space<semaphore_mem>>) src(%dma_wait3A_47 : memref<46x128xi32, #tpu.memory_space<hbm>>) dst(%dma_wait3A_43 : memref<46x128xi32, #tpu.memory_space<vmem>>)
        tpu.yield
      }) : () -> ()
    } else {
    }
    %mul3A = arith.constant 640 : i32
    %mul3A_6 = arith.muli %arg1, %mul3A : i32
    "tpu.region"() ({
      %run_scoped3A = tpu.sem_alloc : memref<!tpu.dma_semaphore, #tpu.memory_space<semaphore_mem>>
      %dma_start3A = arith.constant 0 : i32
      %dma_start3A_22 = tpu.memref_slice %arg12[%mul3A_6, %dma_start3A] : memref<10240x128xf32, #tpu.memory_space<vmem_shared>> -> memref<640x128xf32, #tpu.memory_space<vmem_shared>>
      tpu.enqueue_dma source(%arg7 : memref<640x128xf32, #tpu.memory_space<hbm>>) target(%dma_start3A_22 : memref<640x128xf32, #tpu.memory_space<vmem_shared>>) target_semaphore(%run_scoped3A : memref<!tpu.dma_semaphore, #tpu.memory_space<semaphore_mem>>)
      %dma_wait3A = arith.constant 0 : i32
      %dma_wait3A_23 = tpu.memref_slice %arg12[%mul3A_6, %dma_wait3A] : memref<10240x128xf32, #tpu.memory_space<vmem_shared>> -> memref<640x128xf32, #tpu.memory_space<vmem_shared>>
      tpu.wait_dma2 semaphore(%run_scoped3A : memref<!tpu.dma_semaphore, #tpu.memory_space<semaphore_mem>>) src(%arg7 : memref<640x128xf32, #tpu.memory_space<hbm>>) dst(%dma_wait3A_23 : memref<640x128xf32, #tpu.memory_space<vmem_shared>>)
      tpu.yield
    }) : () -> ()
    %barrier3A = arith.constant 0 : index
    tpu.barrier barrier_id(%barrier3A)
    %eq3A_7 = arith.constant 0 : i32
    %eq3A_8 = arith.cmpi eq, %arg0, %eq3A_7 : i32
    %convert_element_type3A_9 = arith.extui %eq3A_8 : i1 to i32
    %cond3A_10 = arith.constant 0 : i32
    %cond3A_11 = arith.cmpi ne, %convert_element_type3A_9, %cond3A_10 : i32
    scf.if %cond3A_11 {
      %scan3A = arith.constant 0 : i32
      %scan3A_22 = arith.constant 0 : i32
      %scan3A_23 = arith.constant 112 : i32
      %scan3A_24 = arith.addi %scan3A_22, %scan3A_23 : i32
      %scan3A_25 = arith.constant 1 : i32
      scf.for %scan3A_27 = %scan3A_22 to %scan3A_24 step %scan3A_25  : i32 {
        %dma_start3A = arith.constant 0 : i32
        %dma_start3A_28 = tpu.memref_slice %arg9[%scan3A_27, %dma_start3A] : memref<112x128xi32, #tpu.memory_space<vmem>> -> memref<1x128xi32, #tpu.memory_space<vmem>>
        %dma_start3A_29 = tpu.memref_squeeze %dma_start3A_28 : memref<1x128xi32, #tpu.memory_space<vmem>> -> memref<128xi32, #tpu.memory_space<vmem>>
        %dma_start3A_30 = arith.constant 0 : i32
        %dma_start3A_31 = arith.constant 0 : i32
        %dma_start3A_32 = tpu.memref_slice %arg2[%dma_start3A_30, %dma_start3A_31] : memref<10240x128xf32, #tpu.memory_space<hbm>> -> memref<10240x128xf32, #tpu.memory_space<hbm>>
        tpu.enqueue_indirect_dma source(%dma_start3A_32 : memref<10240x128xf32, #tpu.memory_space<hbm>>) target(%arg11 : memref<128x128xf32, #tpu.memory_space<vmem>>) offsets(%dma_start3A_29 : memref<128xi32, #tpu.memory_space<vmem>>) semaphore(%arg13 : memref<!tpu.dma_semaphore, #tpu.memory_space<semaphore_mem>>)
        %dma_wait3A = arith.constant 0 : i32
        %dma_wait3A_33 = tpu.memref_slice %arg9[%scan3A_27, %dma_wait3A] : memref<112x128xi32, #tpu.memory_space<vmem>> -> memref<1x128xi32, #tpu.memory_space<vmem>>
        %dma_wait3A_34 = tpu.memref_squeeze %dma_wait3A_33 : memref<1x128xi32, #tpu.memory_space<vmem>> -> memref<128xi32, #tpu.memory_space<vmem>>
        %dma_wait3A_35 = arith.constant 0 : i32
        %dma_wait3A_36 = arith.constant 0 : i32
        %dma_wait3A_37 = tpu.memref_slice %arg2[%dma_wait3A_35, %dma_wait3A_36] : memref<10240x128xf32, #tpu.memory_space<hbm>> -> memref<10240x128xf32, #tpu.memory_space<hbm>>
        tpu.wait_indirect_dma semaphore(%arg13 : memref<!tpu.dma_semaphore, #tpu.memory_space<semaphore_mem>>) src(%dma_wait3A_37 : memref<10240x128xf32, #tpu.memory_space<hbm>>) dst(%arg11 : memref<128x128xf32, #tpu.memory_space<vmem>>)
        "tpu.region"() ({
          %run_scoped3A = tpu.sem_alloc : memref<!tpu.dma_semaphore, #tpu.memory_space<semaphore_mem>>
          %dma_start3A_38 = arith.constant 0 : i32
          %dma_start3A_39 = tpu.memref_slice %arg10[%scan3A_27, %dma_start3A_38] : memref<112x128xi32, #tpu.memory_space<vmem>> -> memref<1x128xi32, #tpu.memory_space<vmem>>
          %dma_start3A_40 = tpu.memref_squeeze %dma_start3A_39 : memref<1x128xi32, #tpu.memory_space<vmem>> -> memref<128xi32, #tpu.memory_space<vmem>>
          %dma_start3A_41 = arith.constant 0 : i32
          %dma_start3A_42 = arith.constant 0 : i32
          %dma_start3A_43 = tpu.memref_slice %arg12[%dma_start3A_41, %dma_start3A_42] : memref<10240x128xf32, #tpu.memory_space<vmem_shared>> -> memref<10240x128xf32, #tpu.memory_space<vmem_shared>>
          tpu.enqueue_indirect_dma source(%arg11 : memref<128x128xf32, #tpu.memory_space<vmem>>) target(%dma_start3A_43 : memref<10240x128xf32, #tpu.memory_space<vmem_shared>>) offsets(%dma_start3A_40 : memref<128xi32, #tpu.memory_space<vmem>>) semaphore(%run_scoped3A : memref<!tpu.dma_semaphore, #tpu.memory_space<semaphore_mem>>) {add = true}
          %dma_wait3A_44 = arith.constant 0 : i32
          %dma_wait3A_45 = tpu.memref_slice %arg10[%scan3A_27, %dma_wait3A_44] : memref<112x128xi32, #tpu.memory_space<vmem>> -> memref<1x128xi32, #tpu.memory_space<vmem>>
          %dma_wait3A_46 = tpu.memref_squeeze %dma_wait3A_45 : memref<1x128xi32, #tpu.memory_space<vmem>> -> memref<128xi32, #tpu.memory_space<vmem>>
          %dma_wait3A_47 = arith.constant 0 : i32
          %dma_wait3A_48 = arith.constant 0 : i32
          %dma_wait3A_49 = tpu.memref_slice %arg12[%dma_wait3A_47, %dma_wait3A_48] : memref<10240x128xf32, #tpu.memory_space<vmem_shared>> -> memref<10240x128xf32, #tpu.memory_space<vmem_shared>>
          tpu.wait_indirect_dma semaphore(%run_scoped3A : memref<!tpu.dma_semaphore, #tpu.memory_space<semaphore_mem>>) src(%arg11 : memref<128x128xf32, #tpu.memory_space<vmem>>) dst(%dma_wait3A_49 : memref<10240x128xf32, #tpu.memory_space<vmem_shared>>)
          tpu.yield
        }) : () -> ()
      }
      %scan3A_26 = arith.constant 112 : i32
    } else {
    }
    %ne3A_12 = arith.constant 0 : i32
    %ne3A_13 = arith.cmpi ne, %arg0, %ne3A_12 : i32
    %convert_element_type3A_14 = arith.extui %ne3A_13 : i1 to i32
    %cond3A_15 = arith.constant 0 : i32
    %cond3A_16 = arith.cmpi ne, %convert_element_type3A_14, %cond3A_15 : i32
    scf.if %cond3A_16 {
      %scan3A = arith.constant 0 : i32
      %scan3A_22 = arith.constant 0 : i32
      %scan3A_23 = arith.constant 46 : i32
      %scan3A_24 = arith.addi %scan3A_22, %scan3A_23 : i32
      %scan3A_25 = arith.constant 1 : i32
      scf.for %scan3A_27 = %scan3A_22 to %scan3A_24 step %scan3A_25  : i32 {
        %dma_start3A = arith.constant 0 : i32
        %dma_start3A_28 = tpu.memref_slice %arg9[%scan3A_27, %dma_start3A] : memref<112x128xi32, #tpu.memory_space<vmem>> -> memref<1x128xi32, #tpu.memory_space<vmem>>
        %dma_start3A_29 = tpu.memref_squeeze %dma_start3A_28 : memref<1x128xi32, #tpu.memory_space<vmem>> -> memref<128xi32, #tpu.memory_space<vmem>>
        %dma_start3A_30 = arith.constant 0 : i32
        %dma_start3A_31 = arith.constant 0 : i32
        %dma_start3A_32 = tpu.memref_slice %arg2[%dma_start3A_30, %dma_start3A_31] : memref<10240x128xf32, #tpu.memory_space<hbm>> -> memref<10240x128xf32, #tpu.memory_space<hbm>>
        tpu.enqueue_indirect_dma source(%dma_start3A_32 : memref<10240x128xf32, #tpu.memory_space<hbm>>) target(%arg11 : memref<128x128xf32, #tpu.memory_space<vmem>>) offsets(%dma_start3A_29 : memref<128xi32, #tpu.memory_space<vmem>>) semaphore(%arg13 : memref<!tpu.dma_semaphore, #tpu.memory_space<semaphore_mem>>)
        %dma_wait3A = arith.constant 0 : i32
        %dma_wait3A_33 = tpu.memref_slice %arg9[%scan3A_27, %dma_wait3A] : memref<112x128xi32, #tpu.memory_space<vmem>> -> memref<1x128xi32, #tpu.memory_space<vmem>>
        %dma_wait3A_34 = tpu.memref_squeeze %dma_wait3A_33 : memref<1x128xi32, #tpu.memory_space<vmem>> -> memref<128xi32, #tpu.memory_space<vmem>>
        %dma_wait3A_35 = arith.constant 0 : i32
        %dma_wait3A_36 = arith.constant 0 : i32
        %dma_wait3A_37 = tpu.memref_slice %arg2[%dma_wait3A_35, %dma_wait3A_36] : memref<10240x128xf32, #tpu.memory_space<hbm>> -> memref<10240x128xf32, #tpu.memory_space<hbm>>
        tpu.wait_indirect_dma semaphore(%arg13 : memref<!tpu.dma_semaphore, #tpu.memory_space<semaphore_mem>>) src(%dma_wait3A_37 : memref<10240x128xf32, #tpu.memory_space<hbm>>) dst(%arg11 : memref<128x128xf32, #tpu.memory_space<vmem>>)
        "tpu.region"() ({
          %run_scoped3A = tpu.sem_alloc : memref<!tpu.dma_semaphore, #tpu.memory_space<semaphore_mem>>
          %dma_start3A_38 = arith.constant 0 : i32
          %dma_start3A_39 = tpu.memref_slice %arg10[%scan3A_27, %dma_start3A_38] : memref<112x128xi32, #tpu.memory_space<vmem>> -> memref<1x128xi32, #tpu.memory_space<vmem>>
          %dma_start3A_40 = tpu.memref_squeeze %dma_start3A_39 : memref<1x128xi32, #tpu.memory_space<vmem>> -> memref<128xi32, #tpu.memory_space<vmem>>
          %dma_start3A_41 = arith.constant 0 : i32
          %dma_start3A_42 = arith.constant 0 : i32
          %dma_start3A_43 = tpu.memref_slice %arg12[%dma_start3A_41, %dma_start3A_42] : memref<10240x128xf32, #tpu.memory_space<vmem_shared>> -> memref<10240x128xf32, #tpu.memory_space<vmem_shared>>
          tpu.enqueue_indirect_dma source(%arg11 : memref<128x128xf32, #tpu.memory_space<vmem>>) target(%dma_start3A_43 : memref<10240x128xf32, #tpu.memory_space<vmem_shared>>) offsets(%dma_start3A_40 : memref<128xi32, #tpu.memory_space<vmem>>) semaphore(%run_scoped3A : memref<!tpu.dma_semaphore, #tpu.memory_space<semaphore_mem>>) {add = true}
          %dma_wait3A_44 = arith.constant 0 : i32
          %dma_wait3A_45 = tpu.memref_slice %arg10[%scan3A_27, %dma_wait3A_44] : memref<112x128xi32, #tpu.memory_space<vmem>> -> memref<1x128xi32, #tpu.memory_space<vmem>>
          %dma_wait3A_46 = tpu.memref_squeeze %dma_wait3A_45 : memref<1x128xi32, #tpu.memory_space<vmem>> -> memref<128xi32, #tpu.memory_space<vmem>>
          %dma_wait3A_47 = arith.constant 0 : i32
          %dma_wait3A_48 = arith.constant 0 : i32
          %dma_wait3A_49 = tpu.memref_slice %arg12[%dma_wait3A_47, %dma_wait3A_48] : memref<10240x128xf32, #tpu.memory_space<vmem_shared>> -> memref<10240x128xf32, #tpu.memory_space<vmem_shared>>
          tpu.wait_indirect_dma semaphore(%run_scoped3A : memref<!tpu.dma_semaphore, #tpu.memory_space<semaphore_mem>>) src(%arg11 : memref<128x128xf32, #tpu.memory_space<vmem>>) dst(%dma_wait3A_49 : memref<10240x128xf32, #tpu.memory_space<vmem_shared>>)
          tpu.yield
        }) : () -> ()
      }
      %scan3A_26 = arith.constant 46 : i32
    } else {
    }
    %barrier3A_17 = arith.constant 0 : index
    tpu.barrier barrier_id(%barrier3A_17)
    %mul3A_18 = arith.constant 640 : i32
    %mul3A_19 = arith.muli %arg1, %mul3A_18 : i32
    %mul3A_20 = arith.constant 640 : i32
    %mul3A_21 = arith.muli %arg1, %mul3A_20 : i32
    "tpu.region"() ({
      %run_scoped3A = tpu.sem_alloc : memref<!tpu.dma_semaphore, #tpu.memory_space<semaphore_mem>>
      %dma_start3A = arith.constant 0 : i32
      %dma_start3A_22 = tpu.memref_slice %arg8[%arg0, %mul3A_21, %dma_start3A] : memref<2x10240x128xf32, #tpu.memory_space<hbm>> -> memref<1x640x128xf32, #tpu.memory_space<hbm>>
      %dma_start3A_23 = tpu.memref_squeeze %dma_start3A_22 : memref<1x640x128xf32, #tpu.memory_space<hbm>> -> memref<640x128xf32, #tpu.memory_space<hbm>>
      %dma_start3A_24 = arith.constant 0 : i32
      %dma_start3A_25 = tpu.memref_slice %arg12[%mul3A_19, %dma_start3A_24] : memref<10240x128xf32, #tpu.memory_space<vmem_shared>> -> memref<640x128xf32, #tpu.memory_space<vmem_shared>>
      tpu.enqueue_dma source(%dma_start3A_25 : memref<640x128xf32, #tpu.memory_space<vmem_shared>>) target(%dma_start3A_23 : memref<640x128xf32, #tpu.memory_space<hbm>>) target_semaphore(%run_scoped3A : memref<!tpu.dma_semaphore, #tpu.memory_space<semaphore_mem>>)
      %dma_wait3A = arith.constant 0 : i32
      %dma_wait3A_26 = tpu.memref_slice %arg8[%arg0, %mul3A_21, %dma_wait3A] : memref<2x10240x128xf32, #tpu.memory_space<hbm>> -> memref<1x640x128xf32, #tpu.memory_space<hbm>>
      %dma_wait3A_27 = tpu.memref_squeeze %dma_wait3A_26 : memref<1x640x128xf32, #tpu.memory_space<hbm>> -> memref<640x128xf32, #tpu.memory_space<hbm>>
      %dma_wait3A_28 = arith.constant 0 : i32
      %dma_wait3A_29 = tpu.memref_slice %arg12[%mul3A_19, %dma_wait3A_28] : memref<10240x128xf32, #tpu.memory_space<vmem_shared>> -> memref<640x128xf32, #tpu.memory_space<vmem_shared>>
      tpu.wait_dma2 semaphore(%run_scoped3A : memref<!tpu.dma_semaphore, #tpu.memory_space<semaphore_mem>>) src(%dma_wait3A_29 : memref<640x128xf32, #tpu.memory_space<vmem_shared>>) dst(%dma_wait3A_27 : memref<640x128xf32, #tpu.memory_space<hbm>>)
      tpu.yield
    }) : () -> ()
    return
  }
}

#map = affine_map<(d0, d1) -> (0, 0)>
#map1 = affine_map<(d0, d1) -> (0, 0, 0)>
module attributes {stable_mosaic.version = 14 : i64} {
  func.func @_agg_kernel(%arg0: i32, %arg1: i32, %arg2: memref<10240x128xf32, #tpu.memory_space<hbm>>, %arg3: memref<16x112x128xi32, #tpu.memory_space<hbm>>, %arg4: memref<16x112x128xi32, #tpu.memory_space<hbm>>, %arg5: memref<16x46x128xi32, #tpu.memory_space<hbm>>, %arg6: memref<16x46x128xi32, #tpu.memory_space<hbm>>, %arg7: memref<640x128xf32, #tpu.memory_space<hbm>>, %arg8: memref<2x10240x128xf32, #tpu.memory_space<hbm>>, %arg9: memref<112x128xi32, #tpu.memory_space<vmem>>, %arg10: memref<112x128xi32, #tpu.memory_space<vmem>>, %arg11: memref<128x128xf32, #tpu.memory_space<vmem>>, %arg12: memref<10240x128xf32, #tpu.memory_space<vmem_shared>>, %arg13: memref<!tpu.dma_semaphore, #tpu.memory_space<semaphore_mem>>) attributes {dimension_semantics = [#tpu.dimension_semantics<core_parallel>, #tpu.dimension_semantics<subcore_parallel>], iteration_bounds = array<i64: 2, 16>, scalar_prefetch = 0 : i64, scratch_operands = 5 : i64, tpu.core_type = #tpu.core_type<sc_vector_subcore>, window_params = [{transform_indices = #map}, {transform_indices = #map1}, {transform_indices = #map1}, {transform_indices = #map1}, {transform_indices = #map1}, {transform_indices = #map}, {transform_indices = #map1}]} {
    %eq3A = arith.constant 0 : i32
    %eq3A_0 = arith.cmpi eq, %arg0, %eq3A : i32
    %convert_element_type3A = arith.extui %eq3A_0 : i1 to i32
    %cond3A = arith.constant 0 : i32
    %cond3A_1 = arith.cmpi ne, %convert_element_type3A, %cond3A : i32
    scf.if %cond3A_1 {
      "tpu.region"() ({
        %run_scoped3A = tpu.sem_alloc : memref<!tpu.dma_semaphore, #tpu.memory_space<semaphore_mem>>
        %dma_start3A = arith.constant 0 : i32
        %dma_start3A_22 = arith.constant 0 : i32
        %dma_start3A_23 = tpu.memref_slice %arg3[%arg1, %dma_start3A, %dma_start3A_22] : memref<16x112x128xi32, #tpu.memory_space<hbm>> -> memref<1x112x128xi32, #tpu.memory_space<hbm>>
        %dma_start3A_24 = tpu.memref_squeeze %dma_start3A_23 : memref<1x112x128xi32, #tpu.memory_space<hbm>> -> memref<112x128xi32, #tpu.memory_space<hbm>>
        %dma_start3A_25 = arith.constant 0 : i32
        %dma_start3A_26 = arith.constant 0 : i32
        %dma_start3A_27 = tpu.memref_slice %arg3[%arg1, %dma_start3A_25, %dma_start3A_26] : memref<16x112x128xi32, #tpu.memory_space<hbm>> -> memref<1x112x128xi32, #tpu.memory_space<hbm>>
        %dma_start3A_28 = tpu.memref_squeeze %dma_start3A_27 : memref<1x112x128xi32, #tpu.memory_space<hbm>> -> memref<112x128xi32, #tpu.memory_space<hbm>>
        tpu.enqueue_dma source(%dma_start3A_28 : memref<112x128xi32, #tpu.memory_space<hbm>>) target(%arg9 : memref<112x128xi32, #tpu.memory_space<vmem>>) target_semaphore(%run_scoped3A : memref<!tpu.dma_semaphore, #tpu.memory_space<semaphore_mem>>)
        %dma_wait3A = arith.constant 0 : i32
        %dma_wait3A_29 = arith.constant 0 : i32
        %dma_wait3A_30 = tpu.memref_slice %arg3[%arg1, %dma_wait3A, %dma_wait3A_29] : memref<16x112x128xi32, #tpu.memory_space<hbm>> -> memref<1x112x128xi32, #tpu.memory_space<hbm>>
        %dma_wait3A_31 = tpu.memref_squeeze %dma_wait3A_30 : memref<1x112x128xi32, #tpu.memory_space<hbm>> -> memref<112x128xi32, #tpu.memory_space<hbm>>
        %dma_wait3A_32 = arith.constant 0 : i32
        %dma_wait3A_33 = arith.constant 0 : i32
        %dma_wait3A_34 = tpu.memref_slice %arg3[%arg1, %dma_wait3A_32, %dma_wait3A_33] : memref<16x112x128xi32, #tpu.memory_space<hbm>> -> memref<1x112x128xi32, #tpu.memory_space<hbm>>
        %dma_wait3A_35 = tpu.memref_squeeze %dma_wait3A_34 : memref<1x112x128xi32, #tpu.memory_space<hbm>> -> memref<112x128xi32, #tpu.memory_space<hbm>>
        tpu.wait_dma2 semaphore(%run_scoped3A : memref<!tpu.dma_semaphore, #tpu.memory_space<semaphore_mem>>) src(%dma_wait3A_35 : memref<112x128xi32, #tpu.memory_space<hbm>>) dst(%arg9 : memref<112x128xi32, #tpu.memory_space<vmem>>)
        tpu.yield
      }) : () -> ()
      "tpu.region"() ({
        %run_scoped3A = tpu.sem_alloc : memref<!tpu.dma_semaphore, #tpu.memory_space<semaphore_mem>>
        %dma_start3A = arith.constant 0 : i32
        %dma_start3A_22 = arith.constant 0 : i32
        %dma_start3A_23 = tpu.memref_slice %arg4[%arg1, %dma_start3A, %dma_start3A_22] : memref<16x112x128xi32, #tpu.memory_space<hbm>> -> memref<1x112x128xi32, #tpu.memory_space<hbm>>
        %dma_start3A_24 = tpu.memref_squeeze %dma_start3A_23 : memref<1x112x128xi32, #tpu.memory_space<hbm>> -> memref<112x128xi32, #tpu.memory_space<hbm>>
        %dma_start3A_25 = arith.constant 0 : i32
        %dma_start3A_26 = arith.constant 0 : i32
        %dma_start3A_27 = tpu.memref_slice %arg4[%arg1, %dma_start3A_25, %dma_start3A_26] : memref<16x112x128xi32, #tpu.memory_space<hbm>> -> memref<1x112x128xi32, #tpu.memory_space<hbm>>
        %dma_start3A_28 = tpu.memref_squeeze %dma_start3A_27 : memref<1x112x128xi32, #tpu.memory_space<hbm>> -> memref<112x128xi32, #tpu.memory_space<hbm>>
        tpu.enqueue_dma source(%dma_start3A_28 : memref<112x128xi32, #tpu.memory_space<hbm>>) target(%arg10 : memref<112x128xi32, #tpu.memory_space<vmem>>) target_semaphore(%run_scoped3A : memref<!tpu.dma_semaphore, #tpu.memory_space<semaphore_mem>>)
        %dma_wait3A = arith.constant 0 : i32
        %dma_wait3A_29 = arith.constant 0 : i32
        %dma_wait3A_30 = tpu.memref_slice %arg4[%arg1, %dma_wait3A, %dma_wait3A_29] : memref<16x112x128xi32, #tpu.memory_space<hbm>> -> memref<1x112x128xi32, #tpu.memory_space<hbm>>
        %dma_wait3A_31 = tpu.memref_squeeze %dma_wait3A_30 : memref<1x112x128xi32, #tpu.memory_space<hbm>> -> memref<112x128xi32, #tpu.memory_space<hbm>>
        %dma_wait3A_32 = arith.constant 0 : i32
        %dma_wait3A_33 = arith.constant 0 : i32
        %dma_wait3A_34 = tpu.memref_slice %arg4[%arg1, %dma_wait3A_32, %dma_wait3A_33] : memref<16x112x128xi32, #tpu.memory_space<hbm>> -> memref<1x112x128xi32, #tpu.memory_space<hbm>>
        %dma_wait3A_35 = tpu.memref_squeeze %dma_wait3A_34 : memref<1x112x128xi32, #tpu.memory_space<hbm>> -> memref<112x128xi32, #tpu.memory_space<hbm>>
        tpu.wait_dma2 semaphore(%run_scoped3A : memref<!tpu.dma_semaphore, #tpu.memory_space<semaphore_mem>>) src(%dma_wait3A_35 : memref<112x128xi32, #tpu.memory_space<hbm>>) dst(%arg10 : memref<112x128xi32, #tpu.memory_space<vmem>>)
        tpu.yield
      }) : () -> ()
    } else {
    }
    %ne3A = arith.constant 0 : i32
    %ne3A_2 = arith.cmpi ne, %arg0, %ne3A : i32
    %convert_element_type3A_3 = arith.extui %ne3A_2 : i1 to i32
    %cond3A_4 = arith.constant 0 : i32
    %cond3A_5 = arith.cmpi ne, %convert_element_type3A_3, %cond3A_4 : i32
    scf.if %cond3A_5 {
      "tpu.region"() ({
        %run_scoped3A = tpu.sem_alloc : memref<!tpu.dma_semaphore, #tpu.memory_space<semaphore_mem>>
        %dma_start3A = arith.constant 0 : i32
        %dma_start3A_22 = arith.constant 0 : i32
        %dma_start3A_23 = tpu.memref_slice %arg9[%dma_start3A, %dma_start3A_22] : memref<112x128xi32, #tpu.memory_space<vmem>> -> memref<46x128xi32, #tpu.memory_space<vmem>>
        %dma_start3A_24 = arith.constant 0 : i32
        %dma_start3A_25 = arith.constant 0 : i32
        %dma_start3A_26 = tpu.memref_slice %arg5[%arg1, %dma_start3A_24, %dma_start3A_25] : memref<16x46x128xi32, #tpu.memory_space<hbm>> -> memref<1x46x128xi32, #tpu.memory_space<hbm>>
        %dma_start3A_27 = tpu.memref_squeeze %dma_start3A_26 : memref<1x46x128xi32, #tpu.memory_space<hbm>> -> memref<46x128xi32, #tpu.memory_space<hbm>>
        %dma_start3A_28 = arith.constant 0 : i32
        %dma_start3A_29 = arith.constant 0 : i32
        %dma_start3A_30 = tpu.memref_slice %arg9[%dma_start3A_28, %dma_start3A_29] : memref<112x128xi32, #tpu.memory_space<vmem>> -> memref<46x128xi32, #tpu.memory_space<vmem>>
        %dma_start3A_31 = arith.constant 0 : i32
        %dma_start3A_32 = arith.constant 0 : i32
        %dma_start3A_33 = tpu.memref_slice %arg5[%arg1, %dma_start3A_31, %dma_start3A_32] : memref<16x46x128xi32, #tpu.memory_space<hbm>> -> memref<1x46x128xi32, #tpu.memory_space<hbm>>
        %dma_start3A_34 = tpu.memref_squeeze %dma_start3A_33 : memref<1x46x128xi32, #tpu.memory_space<hbm>> -> memref<46x128xi32, #tpu.memory_space<hbm>>
        tpu.enqueue_dma source(%dma_start3A_34 : memref<46x128xi32, #tpu.memory_space<hbm>>) target(%dma_start3A_30 : memref<46x128xi32, #tpu.memory_space<vmem>>) target_semaphore(%run_scoped3A : memref<!tpu.dma_semaphore, #tpu.memory_space<semaphore_mem>>)
        %dma_wait3A = arith.constant 0 : i32
        %dma_wait3A_35 = arith.constant 0 : i32
        %dma_wait3A_36 = tpu.memref_slice %arg9[%dma_wait3A, %dma_wait3A_35] : memref<112x128xi32, #tpu.memory_space<vmem>> -> memref<46x128xi32, #tpu.memory_space<vmem>>
        %dma_wait3A_37 = arith.constant 0 : i32
        %dma_wait3A_38 = arith.constant 0 : i32
        %dma_wait3A_39 = tpu.memref_slice %arg5[%arg1, %dma_wait3A_37, %dma_wait3A_38] : memref<16x46x128xi32, #tpu.memory_space<hbm>> -> memref<1x46x128xi32, #tpu.memory_space<hbm>>
        %dma_wait3A_40 = tpu.memref_squeeze %dma_wait3A_39 : memref<1x46x128xi32, #tpu.memory_space<hbm>> -> memref<46x128xi32, #tpu.memory_space<hbm>>
        %dma_wait3A_41 = arith.constant 0 : i32
        %dma_wait3A_42 = arith.constant 0 : i32
        %dma_wait3A_43 = tpu.memref_slice %arg9[%dma_wait3A_41, %dma_wait3A_42] : memref<112x128xi32, #tpu.memory_space<vmem>> -> memref<46x128xi32, #tpu.memory_space<vmem>>
        %dma_wait3A_44 = arith.constant 0 : i32
        %dma_wait3A_45 = arith.constant 0 : i32
        %dma_wait3A_46 = tpu.memref_slice %arg5[%arg1, %dma_wait3A_44, %dma_wait3A_45] : memref<16x46x128xi32, #tpu.memory_space<hbm>> -> memref<1x46x128xi32, #tpu.memory_space<hbm>>
        %dma_wait3A_47 = tpu.memref_squeeze %dma_wait3A_46 : memref<1x46x128xi32, #tpu.memory_space<hbm>> -> memref<46x128xi32, #tpu.memory_space<hbm>>
        tpu.wait_dma2 semaphore(%run_scoped3A : memref<!tpu.dma_semaphore, #tpu.memory_space<semaphore_mem>>) src(%dma_wait3A_47 : memref<46x128xi32, #tpu.memory_space<hbm>>) dst(%dma_wait3A_43 : memref<46x128xi32, #tpu.memory_space<vmem>>)
        tpu.yield
      }) : () -> ()
      "tpu.region"() ({
        %run_scoped3A = tpu.sem_alloc : memref<!tpu.dma_semaphore, #tpu.memory_space<semaphore_mem>>
        %dma_start3A = arith.constant 0 : i32
        %dma_start3A_22 = arith.constant 0 : i32
        %dma_start3A_23 = tpu.memref_slice %arg10[%dma_start3A, %dma_start3A_22] : memref<112x128xi32, #tpu.memory_space<vmem>> -> memref<46x128xi32, #tpu.memory_space<vmem>>
        %dma_start3A_24 = arith.constant 0 : i32
        %dma_start3A_25 = arith.constant 0 : i32
        %dma_start3A_26 = tpu.memref_slice %arg6[%arg1, %dma_start3A_24, %dma_start3A_25] : memref<16x46x128xi32, #tpu.memory_space<hbm>> -> memref<1x46x128xi32, #tpu.memory_space<hbm>>
        %dma_start3A_27 = tpu.memref_squeeze %dma_start3A_26 : memref<1x46x128xi32, #tpu.memory_space<hbm>> -> memref<46x128xi32, #tpu.memory_space<hbm>>
        %dma_start3A_28 = arith.constant 0 : i32
        %dma_start3A_29 = arith.constant 0 : i32
        %dma_start3A_30 = tpu.memref_slice %arg10[%dma_start3A_28, %dma_start3A_29] : memref<112x128xi32, #tpu.memory_space<vmem>> -> memref<46x128xi32, #tpu.memory_space<vmem>>
        %dma_start3A_31 = arith.constant 0 : i32
        %dma_start3A_32 = arith.constant 0 : i32
        %dma_start3A_33 = tpu.memref_slice %arg6[%arg1, %dma_start3A_31, %dma_start3A_32] : memref<16x46x128xi32, #tpu.memory_space<hbm>> -> memref<1x46x128xi32, #tpu.memory_space<hbm>>
        %dma_start3A_34 = tpu.memref_squeeze %dma_start3A_33 : memref<1x46x128xi32, #tpu.memory_space<hbm>> -> memref<46x128xi32, #tpu.memory_space<hbm>>
        tpu.enqueue_dma source(%dma_start3A_34 : memref<46x128xi32, #tpu.memory_space<hbm>>) target(%dma_start3A_30 : memref<46x128xi32, #tpu.memory_space<vmem>>) target_semaphore(%run_scoped3A : memref<!tpu.dma_semaphore, #tpu.memory_space<semaphore_mem>>)
        %dma_wait3A = arith.constant 0 : i32
        %dma_wait3A_35 = arith.constant 0 : i32
        %dma_wait3A_36 = tpu.memref_slice %arg10[%dma_wait3A, %dma_wait3A_35] : memref<112x128xi32, #tpu.memory_space<vmem>> -> memref<46x128xi32, #tpu.memory_space<vmem>>
        %dma_wait3A_37 = arith.constant 0 : i32
        %dma_wait3A_38 = arith.constant 0 : i32
        %dma_wait3A_39 = tpu.memref_slice %arg6[%arg1, %dma_wait3A_37, %dma_wait3A_38] : memref<16x46x128xi32, #tpu.memory_space<hbm>> -> memref<1x46x128xi32, #tpu.memory_space<hbm>>
        %dma_wait3A_40 = tpu.memref_squeeze %dma_wait3A_39 : memref<1x46x128xi32, #tpu.memory_space<hbm>> -> memref<46x128xi32, #tpu.memory_space<hbm>>
        %dma_wait3A_41 = arith.constant 0 : i32
        %dma_wait3A_42 = arith.constant 0 : i32
        %dma_wait3A_43 = tpu.memref_slice %arg10[%dma_wait3A_41, %dma_wait3A_42] : memref<112x128xi32, #tpu.memory_space<vmem>> -> memref<46x128xi32, #tpu.memory_space<vmem>>
        %dma_wait3A_44 = arith.constant 0 : i32
        %dma_wait3A_45 = arith.constant 0 : i32
        %dma_wait3A_46 = tpu.memref_slice %arg6[%arg1, %dma_wait3A_44, %dma_wait3A_45] : memref<16x46x128xi32, #tpu.memory_space<hbm>> -> memref<1x46x128xi32, #tpu.memory_space<hbm>>
        %dma_wait3A_47 = tpu.memref_squeeze %dma_wait3A_46 : memref<1x46x128xi32, #tpu.memory_space<hbm>> -> memref<46x128xi32, #tpu.memory_space<hbm>>
        tpu.wait_dma2 semaphore(%run_scoped3A : memref<!tpu.dma_semaphore, #tpu.memory_space<semaphore_mem>>) src(%dma_wait3A_47 : memref<46x128xi32, #tpu.memory_space<hbm>>) dst(%dma_wait3A_43 : memref<46x128xi32, #tpu.memory_space<vmem>>)
        tpu.yield
      }) : () -> ()
    } else {
    }
    %mul3A = arith.constant 640 : i32
    %mul3A_6 = arith.muli %arg1, %mul3A : i32
    "tpu.region"() ({
      %run_scoped3A = tpu.sem_alloc : memref<!tpu.dma_semaphore, #tpu.memory_space<semaphore_mem>>
      %dma_start3A = arith.constant 0 : i32
      %dma_start3A_22 = tpu.memref_slice %arg12[%mul3A_6, %dma_start3A] : memref<10240x128xf32, #tpu.memory_space<vmem_shared>> -> memref<640x128xf32, #tpu.memory_space<vmem_shared>>
      tpu.enqueue_dma source(%arg7 : memref<640x128xf32, #tpu.memory_space<hbm>>) target(%dma_start3A_22 : memref<640x128xf32, #tpu.memory_space<vmem_shared>>) target_semaphore(%run_scoped3A : memref<!tpu.dma_semaphore, #tpu.memory_space<semaphore_mem>>)
      %dma_wait3A = arith.constant 0 : i32
      %dma_wait3A_23 = tpu.memref_slice %arg12[%mul3A_6, %dma_wait3A] : memref<10240x128xf32, #tpu.memory_space<vmem_shared>> -> memref<640x128xf32, #tpu.memory_space<vmem_shared>>
      tpu.wait_dma2 semaphore(%run_scoped3A : memref<!tpu.dma_semaphore, #tpu.memory_space<semaphore_mem>>) src(%arg7 : memref<640x128xf32, #tpu.memory_space<hbm>>) dst(%dma_wait3A_23 : memref<640x128xf32, #tpu.memory_space<vmem_shared>>)
      tpu.yield
    }) : () -> ()
    %barrier3A = arith.constant 0 : index
    tpu.barrier barrier_id(%barrier3A)
    %eq3A_7 = arith.constant 0 : i32
    %eq3A_8 = arith.cmpi eq, %arg0, %eq3A_7 : i32
    %convert_element_type3A_9 = arith.extui %eq3A_8 : i1 to i32
    %cond3A_10 = arith.constant 0 : i32
    %cond3A_11 = arith.cmpi ne, %convert_element_type3A_9, %cond3A_10 : i32
    scf.if %cond3A_11 {
      %scan3A = arith.constant 0 : i32
      %scan3A_22 = arith.constant 0 : i32
      %scan3A_23 = arith.constant 112 : i32
      %scan3A_24 = arith.addi %scan3A_22, %scan3A_23 : i32
      %scan3A_25 = arith.constant 1 : i32
      scf.for %scan3A_27 = %scan3A_22 to %scan3A_24 step %scan3A_25  : i32 {
        %dma_start3A = arith.constant 0 : i32
        %dma_start3A_28 = tpu.memref_slice %arg9[%scan3A_27, %dma_start3A] : memref<112x128xi32, #tpu.memory_space<vmem>> -> memref<1x128xi32, #tpu.memory_space<vmem>>
        %dma_start3A_29 = tpu.memref_squeeze %dma_start3A_28 : memref<1x128xi32, #tpu.memory_space<vmem>> -> memref<128xi32, #tpu.memory_space<vmem>>
        %dma_start3A_30 = arith.constant 0 : i32
        %dma_start3A_31 = arith.constant 0 : i32
        %dma_start3A_32 = tpu.memref_slice %arg2[%dma_start3A_30, %dma_start3A_31] : memref<10240x128xf32, #tpu.memory_space<hbm>> -> memref<10240x128xf32, #tpu.memory_space<hbm>>
        tpu.enqueue_indirect_dma source(%dma_start3A_32 : memref<10240x128xf32, #tpu.memory_space<hbm>>) target(%arg11 : memref<128x128xf32, #tpu.memory_space<vmem>>) offsets(%dma_start3A_29 : memref<128xi32, #tpu.memory_space<vmem>>) semaphore(%arg13 : memref<!tpu.dma_semaphore, #tpu.memory_space<semaphore_mem>>)
        %dma_wait3A = arith.constant 0 : i32
        %dma_wait3A_33 = tpu.memref_slice %arg9[%scan3A_27, %dma_wait3A] : memref<112x128xi32, #tpu.memory_space<vmem>> -> memref<1x128xi32, #tpu.memory_space<vmem>>
        %dma_wait3A_34 = tpu.memref_squeeze %dma_wait3A_33 : memref<1x128xi32, #tpu.memory_space<vmem>> -> memref<128xi32, #tpu.memory_space<vmem>>
        %dma_wait3A_35 = arith.constant 0 : i32
        %dma_wait3A_36 = arith.constant 0 : i32
        %dma_wait3A_37 = tpu.memref_slice %arg2[%dma_wait3A_35, %dma_wait3A_36] : memref<10240x128xf32, #tpu.memory_space<hbm>> -> memref<10240x128xf32, #tpu.memory_space<hbm>>
        tpu.wait_indirect_dma semaphore(%arg13 : memref<!tpu.dma_semaphore, #tpu.memory_space<semaphore_mem>>) src(%dma_wait3A_37 : memref<10240x128xf32, #tpu.memory_space<hbm>>) dst(%arg11 : memref<128x128xf32, #tpu.memory_space<vmem>>)
        "tpu.region"() ({
          %run_scoped3A = tpu.sem_alloc : memref<!tpu.dma_semaphore, #tpu.memory_space<semaphore_mem>>
          %dma_start3A_38 = arith.constant 0 : i32
          %dma_start3A_39 = tpu.memref_slice %arg10[%scan3A_27, %dma_start3A_38] : memref<112x128xi32, #tpu.memory_space<vmem>> -> memref<1x128xi32, #tpu.memory_space<vmem>>
          %dma_start3A_40 = tpu.memref_squeeze %dma_start3A_39 : memref<1x128xi32, #tpu.memory_space<vmem>> -> memref<128xi32, #tpu.memory_space<vmem>>
          %dma_start3A_41 = arith.constant 0 : i32
          %dma_start3A_42 = arith.constant 0 : i32
          %dma_start3A_43 = tpu.memref_slice %arg12[%dma_start3A_41, %dma_start3A_42] : memref<10240x128xf32, #tpu.memory_space<vmem_shared>> -> memref<10240x128xf32, #tpu.memory_space<vmem_shared>>
          tpu.enqueue_indirect_dma source(%arg11 : memref<128x128xf32, #tpu.memory_space<vmem>>) target(%dma_start3A_43 : memref<10240x128xf32, #tpu.memory_space<vmem_shared>>) offsets(%dma_start3A_40 : memref<128xi32, #tpu.memory_space<vmem>>) semaphore(%run_scoped3A : memref<!tpu.dma_semaphore, #tpu.memory_space<semaphore_mem>>) {add = true}
          %dma_wait3A_44 = arith.constant 0 : i32
          %dma_wait3A_45 = tpu.memref_slice %arg10[%scan3A_27, %dma_wait3A_44] : memref<112x128xi32, #tpu.memory_space<vmem>> -> memref<1x128xi32, #tpu.memory_space<vmem>>
          %dma_wait3A_46 = tpu.memref_squeeze %dma_wait3A_45 : memref<1x128xi32, #tpu.memory_space<vmem>> -> memref<128xi32, #tpu.memory_space<vmem>>
          %dma_wait3A_47 = arith.constant 0 : i32
          %dma_wait3A_48 = arith.constant 0 : i32
          %dma_wait3A_49 = tpu.memref_slice %arg12[%dma_wait3A_47, %dma_wait3A_48] : memref<10240x128xf32, #tpu.memory_space<vmem_shared>> -> memref<10240x128xf32, #tpu.memory_space<vmem_shared>>
          tpu.wait_indirect_dma semaphore(%run_scoped3A : memref<!tpu.dma_semaphore, #tpu.memory_space<semaphore_mem>>) src(%arg11 : memref<128x128xf32, #tpu.memory_space<vmem>>) dst(%dma_wait3A_49 : memref<10240x128xf32, #tpu.memory_space<vmem_shared>>)
          tpu.yield
        }) : () -> ()
      }
      %scan3A_26 = arith.constant 112 : i32
    } else {
    }
    %ne3A_12 = arith.constant 0 : i32
    %ne3A_13 = arith.cmpi ne, %arg0, %ne3A_12 : i32
    %convert_element_type3A_14 = arith.extui %ne3A_13 : i1 to i32
    %cond3A_15 = arith.constant 0 : i32
    %cond3A_16 = arith.cmpi ne, %convert_element_type3A_14, %cond3A_15 : i32
    scf.if %cond3A_16 {
      %scan3A = arith.constant 0 : i32
      %scan3A_22 = arith.constant 0 : i32
      %scan3A_23 = arith.constant 46 : i32
      %scan3A_24 = arith.addi %scan3A_22, %scan3A_23 : i32
      %scan3A_25 = arith.constant 1 : i32
      scf.for %scan3A_27 = %scan3A_22 to %scan3A_24 step %scan3A_25  : i32 {
        %dma_start3A = arith.constant 0 : i32
        %dma_start3A_28 = tpu.memref_slice %arg9[%scan3A_27, %dma_start3A] : memref<112x128xi32, #tpu.memory_space<vmem>> -> memref<1x128xi32, #tpu.memory_space<vmem>>
        %dma_start3A_29 = tpu.memref_squeeze %dma_start3A_28 : memref<1x128xi32, #tpu.memory_space<vmem>> -> memref<128xi32, #tpu.memory_space<vmem>>
        %dma_start3A_30 = arith.constant 0 : i32
        %dma_start3A_31 = arith.constant 0 : i32
        %dma_start3A_32 = tpu.memref_slice %arg2[%dma_start3A_30, %dma_start3A_31] : memref<10240x128xf32, #tpu.memory_space<hbm>> -> memref<10240x128xf32, #tpu.memory_space<hbm>>
        tpu.enqueue_indirect_dma source(%dma_start3A_32 : memref<10240x128xf32, #tpu.memory_space<hbm>>) target(%arg11 : memref<128x128xf32, #tpu.memory_space<vmem>>) offsets(%dma_start3A_29 : memref<128xi32, #tpu.memory_space<vmem>>) semaphore(%arg13 : memref<!tpu.dma_semaphore, #tpu.memory_space<semaphore_mem>>)
        %dma_wait3A = arith.constant 0 : i32
        %dma_wait3A_33 = tpu.memref_slice %arg9[%scan3A_27, %dma_wait3A] : memref<112x128xi32, #tpu.memory_space<vmem>> -> memref<1x128xi32, #tpu.memory_space<vmem>>
        %dma_wait3A_34 = tpu.memref_squeeze %dma_wait3A_33 : memref<1x128xi32, #tpu.memory_space<vmem>> -> memref<128xi32, #tpu.memory_space<vmem>>
        %dma_wait3A_35 = arith.constant 0 : i32
        %dma_wait3A_36 = arith.constant 0 : i32
        %dma_wait3A_37 = tpu.memref_slice %arg2[%dma_wait3A_35, %dma_wait3A_36] : memref<10240x128xf32, #tpu.memory_space<hbm>> -> memref<10240x128xf32, #tpu.memory_space<hbm>>
        tpu.wait_indirect_dma semaphore(%arg13 : memref<!tpu.dma_semaphore, #tpu.memory_space<semaphore_mem>>) src(%dma_wait3A_37 : memref<10240x128xf32, #tpu.memory_space<hbm>>) dst(%arg11 : memref<128x128xf32, #tpu.memory_space<vmem>>)
        "tpu.region"() ({
          %run_scoped3A = tpu.sem_alloc : memref<!tpu.dma_semaphore, #tpu.memory_space<semaphore_mem>>
          %dma_start3A_38 = arith.constant 0 : i32
          %dma_start3A_39 = tpu.memref_slice %arg10[%scan3A_27, %dma_start3A_38] : memref<112x128xi32, #tpu.memory_space<vmem>> -> memref<1x128xi32, #tpu.memory_space<vmem>>
          %dma_start3A_40 = tpu.memref_squeeze %dma_start3A_39 : memref<1x128xi32, #tpu.memory_space<vmem>> -> memref<128xi32, #tpu.memory_space<vmem>>
          %dma_start3A_41 = arith.constant 0 : i32
          %dma_start3A_42 = arith.constant 0 : i32
          %dma_start3A_43 = tpu.memref_slice %arg12[%dma_start3A_41, %dma_start3A_42] : memref<10240x128xf32, #tpu.memory_space<vmem_shared>> -> memref<10240x128xf32, #tpu.memory_space<vmem_shared>>
          tpu.enqueue_indirect_dma source(%arg11 : memref<128x128xf32, #tpu.memory_space<vmem>>) target(%dma_start3A_43 : memref<10240x128xf32, #tpu.memory_space<vmem_shared>>) offsets(%dma_start3A_40 : memref<128xi32, #tpu.memory_space<vmem>>) semaphore(%run_scoped3A : memref<!tpu.dma_semaphore, #tpu.memory_space<semaphore_mem>>) {add = true}
          %dma_wait3A_44 = arith.constant 0 : i32
          %dma_wait3A_45 = tpu.memref_slice %arg10[%scan3A_27, %dma_wait3A_44] : memref<112x128xi32, #tpu.memory_space<vmem>> -> memref<1x128xi32, #tpu.memory_space<vmem>>
          %dma_wait3A_46 = tpu.memref_squeeze %dma_wait3A_45 : memref<1x128xi32, #tpu.memory_space<vmem>> -> memref<128xi32, #tpu.memory_space<vmem>>
          %dma_wait3A_47 = arith.constant 0 : i32
          %dma_wait3A_48 = arith.constant 0 : i32
          %dma_wait3A_49 = tpu.memref_slice %arg12[%dma_wait3A_47, %dma_wait3A_48] : memref<10240x128xf32, #tpu.memory_space<vmem_shared>> -> memref<10240x128xf32, #tpu.memory_space<vmem_shared>>
          tpu.wait_indirect_dma semaphore(%run_scoped3A : memref<!tpu.dma_semaphore, #tpu.memory_space<semaphore_mem>>) src(%arg11 : memref<128x128xf32, #tpu.memory_space<vmem>>) dst(%dma_wait3A_49 : memref<10240x128xf32, #tpu.memory_space<vmem_shared>>)
          tpu.yield
        }) : () -> ()
      }
      %scan3A_26 = arith.constant 46 : i32
    } else {
    }
    %barrier3A_17 = arith.constant 0 : index
    tpu.barrier barrier_id(%barrier3A_17)
    %mul3A_18 = arith.constant 640 : i32
    %mul3A_19 = arith.muli %arg1, %mul3A_18 : i32
    %mul3A_20 = arith.constant 640 : i32
    %mul3A_21 = arith.muli %arg1, %mul3A_20 : i32
    "tpu.region"() ({
      %run_scoped3A = tpu.sem_alloc : memref<!tpu.dma_semaphore, #tpu.memory_space<semaphore_mem>>
      %dma_start3A = arith.constant 0 : i32
      %dma_start3A_22 = tpu.memref_slice %arg8[%arg0, %mul3A_21, %dma_start3A] : memref<2x10240x128xf32, #tpu.memory_space<hbm>> -> memref<1x640x128xf32, #tpu.memory_space<hbm>>
      %dma_start3A_23 = tpu.memref_squeeze %dma_start3A_22 : memref<1x640x128xf32, #tpu.memory_space<hbm>> -> memref<640x128xf32, #tpu.memory_space<hbm>>
      %dma_start3A_24 = arith.constant 0 : i32
      %dma_start3A_25 = tpu.memref_slice %arg12[%mul3A_19, %dma_start3A_24] : memref<10240x128xf32, #tpu.memory_space<vmem_shared>> -> memref<640x128xf32, #tpu.memory_space<vmem_shared>>
      tpu.enqueue_dma source(%dma_start3A_25 : memref<640x128xf32, #tpu.memory_space<vmem_shared>>) target(%dma_start3A_23 : memref<640x128xf32, #tpu.memory_space<hbm>>) target_semaphore(%run_scoped3A : memref<!tpu.dma_semaphore, #tpu.memory_space<semaphore_mem>>)
      %dma_wait3A = arith.constant 0 : i32
      %dma_wait3A_26 = tpu.memref_slice %arg8[%arg0, %mul3A_21, %dma_wait3A] : memref<2x10240x128xf32, #tpu.memory_space<hbm>> -> memref<1x640x128xf32, #tpu.memory_space<hbm>>
      %dma_wait3A_27 = tpu.memref_squeeze %dma_wait3A_26 : memref<1x640x128xf32, #tpu.memory_space<hbm>> -> memref<640x128xf32, #tpu.memory_space<hbm>>
      %dma_wait3A_28 = arith.constant 0 : i32
      %dma_wait3A_29 = tpu.memref_slice %arg12[%mul3A_19, %dma_wait3A_28] : memref<10240x128xf32, #tpu.memory_space<vmem_shared>> -> memref<640x128xf32, #tpu.memory_space<vmem_shared>>
      tpu.wait_dma2 semaphore(%run_scoped3A : memref<!tpu.dma_semaphore, #tpu.memory_space<semaphore_mem>>) src(%dma_wait3A_29 : memref<640x128xf32, #tpu.memory_space<vmem_shared>>) dst(%dma_wait3A_27 : memref<640x128xf32, #tpu.memory_space<hbm>>)
      tpu.yield
    }) : () -> ()
    return
  }
}

module attributes {stable_mosaic.version = 14 : i64} {
  func.func @_mm_scale_body(%arg0: i32, %arg1: memref<1024x128xf32, #tpu.memory_space<vmem>>, %arg2: memref<128x128xf32, #tpu.memory_space<vmem>>, %arg3: memref<1024x1xf32, #tpu.memory_space<vmem>>, %arg4: memref<1024x128xf32, #tpu.memory_space<vmem>>) attributes {dimension_semantics = [#tpu.dimension_semantics<arbitrary>], iteration_bounds = array<i64: 10>, scalar_prefetch = 0 : i64, scratch_operands = 0 : i64, tpu.core_type = #tpu.core_type<tc>, window_params = [{transform_indices = @transform_0, window_bounds = array<i64: 1024, 128>}, {pipeline_mode = #tpu.pipeline_mode<synchronous>, transform_indices = @transform_1, window_bounds = array<i64: 128, 128>}, {transform_indices = @transform_2, window_bounds = array<i64: 1024, 1>}, {transform_indices = @transform_3, window_bounds = array<i64: 1024, 128>}]} {
    %get3A = arith.constant 0 : index
    %get3A_0 = arith.constant 0 : index
    %get3A_1 = vector.load %arg1[%get3A, %get3A_0] : memref<1024x128xf32, #tpu.memory_space<vmem>>, vector<1024x128xf32>
    %get3A_2 = arith.constant 0 : index
    %get3A_3 = arith.constant 0 : index
    %get3A_4 = vector.load %arg2[%get3A_2, %get3A_3] : memref<128x128xf32, #tpu.memory_space<vmem>>, vector<128x128xf32>
    %dot_general3A = arith.constant dense<0.000000e+00> : vector<1024x128xf32>
    %dot_general3A_5 = tpu.matmul %get3A_1, %get3A_4, %dot_general3A {dimension_numbers = #tpu.dot_dimension_numbers<[1], [0], [0], [1], [0, 0, 1, 1], [], []>, transpose_lhs_hint = false} : vector<1024x128xf32>, vector<128x128xf32>, vector<1024x128xf32> -> vector<1024x128xf32>
    %get3A_6 = arith.constant 0 : index
    %get3A_7 = arith.constant 0 : index
    %get3A_8 = vector.load %arg3[%get3A_6, %get3A_7] : memref<1024x1xf32, #tpu.memory_space<vmem>>, vector<1024x1xf32>
    %add3A = arith.constant 1.000000e+00 : f32
    %add3A_9 = vector.broadcast %add3A : f32 to vector<1024x1xf32>
    %add3A_10 = arith.addf %get3A_8, %add3A_9 : vector<1024x1xf32>
    %rsqrt3A = math.rsqrt %add3A_10 : vector<1024x1xf32>
    %mul3A = vector.broadcast %rsqrt3A : vector<1024x1xf32> to vector<1024x128xf32>
    %mul3A_11 = arith.mulf %dot_general3A_5, %mul3A : vector<1024x128xf32>
    %swap3A = arith.constant 0 : index
    %swap3A_12 = arith.constant 0 : index
    %swap3A_13 = vector.load %arg4[%swap3A, %swap3A_12] : memref<1024x128xf32, #tpu.memory_space<vmem>>, vector<1024x128xf32>
    tpu.vector_store %arg4[%swap3A, %swap3A_12], %mul3A_11 {strides = array<i32>} : memref<1024x128xf32, #tpu.memory_space<vmem>>, vector<1024x128xf32>,
    return
  }
  func.func @transform_0(%arg0: i32) -> (i32, i32) {
    %c0_i32 = arith.constant 0 : i32
    %c0_i32_0 = arith.constant 0 : i32
    return %arg0, %c0_i32 : i32, i32
  }
  func.func @transform_1(%arg0: i32) -> (i32, i32) {
    %c0_i32 = arith.constant 0 : i32
    %c0_i32_0 = arith.constant 0 : i32
    %c0_i32_1 = arith.constant 0 : i32
    return %c0_i32, %c0_i32_0 : i32, i32
  }
  func.func @transform_2(%arg0: i32) -> (i32, i32) {
    %c0_i32 = arith.constant 0 : i32
    %c0_i32_0 = arith.constant 0 : i32
    return %arg0, %c0_i32 : i32, i32
  }
  func.func @transform_3(%arg0: i32) -> (i32, i32) {
    %c0_i32 = arith.constant 0 : i32
    %c0_i32_0 = arith.constant 0 : i32
    return %arg0, %c0_i32 : i32, i32
  }
}

module attributes {stable_mosaic.version = 14 : i64} {
  func.func @_combine_mm_body(%arg0: i32, %arg1: memref<2x1024x128xf32, #tpu.memory_space<vmem>>, %arg2: memref<1024x128xf32, #tpu.memory_space<vmem>>, %arg3: memref<1024x1xf32, #tpu.memory_space<vmem>>, %arg4: memref<1x128xf32, #tpu.memory_space<vmem>>, %arg5: memref<128x128xf32, #tpu.memory_space<vmem>>, %arg6: memref<1024x128xf32, #tpu.memory_space<vmem>>) attributes {dimension_semantics = [#tpu.dimension_semantics<arbitrary>], iteration_bounds = array<i64: 10>, scalar_prefetch = 0 : i64, scratch_operands = 0 : i64, tpu.core_type = #tpu.core_type<tc>, window_params = [{transform_indices = @transform_0, window_bounds = array<i64: 2, 1024, 128>}, {transform_indices = @transform_1, window_bounds = array<i64: 1024, 128>}, {transform_indices = @transform_2, window_bounds = array<i64: 1024, 1>}, {pipeline_mode = #tpu.pipeline_mode<synchronous>, transform_indices = @transform_3, window_bounds = array<i64: 1, 128>}, {pipeline_mode = #tpu.pipeline_mode<synchronous>, transform_indices = @transform_4, window_bounds = array<i64: 128, 128>}, {transform_indices = @transform_5, window_bounds = array<i64: 1024, 128>}]} {
    %get3A = arith.constant 0 : index
    %get3A_0 = arith.constant 0 : index
    %get3A_1 = vector.load %arg3[%get3A, %get3A_0] : memref<1024x1xf32, #tpu.memory_space<vmem>>, vector<1024x1xf32>
    %add3A = arith.constant 1.000000e+00 : f32
    %add3A_2 = vector.broadcast %add3A : f32 to vector<1024x1xf32>
    %add3A_3 = arith.addf %get3A_1, %add3A_2 : vector<1024x1xf32>
    %rsqrt3A = math.rsqrt %add3A_3 : vector<1024x1xf32>
    %get3A_4 = arith.constant 0 : index
    %get3A_5 = arith.constant 0 : index
    %get3A_6 = arith.constant 0 : index
    %get3A_7 = vector.load %arg1[%get3A_4, %get3A_5, %get3A_6] : memref<2x1024x128xf32, #tpu.memory_space<vmem>>, vector<1x1024x128xf32>
    %get3A_8 = vector.shape_cast %get3A_7 : vector<1x1024x128xf32> to vector<1024x128xf32>
    %get3A_9 = arith.constant 1 : index
    %get3A_10 = arith.constant 0 : index
    %get3A_11 = arith.constant 0 : index
    %get3A_12 = vector.load %arg1[%get3A_9, %get3A_10, %get3A_11] : memref<2x1024x128xf32, #tpu.memory_space<vmem>>, vector<1x1024x128xf32>
    %get3A_13 = vector.shape_cast %get3A_12 : vector<1x1024x128xf32> to vector<1024x128xf32>
    %add3A_14 = arith.addf %get3A_8, %get3A_13 : vector<1024x128xf32>
    %get3A_15 = arith.constant 0 : index
    %get3A_16 = arith.constant 0 : index
    %get3A_17 = vector.load %arg2[%get3A_15, %get3A_16] : memref<1024x128xf32, #tpu.memory_space<vmem>>, vector<1024x128xf32>
    %add3A_18 = arith.addf %add3A_14, %get3A_17 : vector<1024x128xf32>
    %mul3A = vector.broadcast %rsqrt3A : vector<1024x1xf32> to vector<1024x128xf32>
    %mul3A_19 = arith.mulf %mul3A, %add3A_18 : vector<1024x128xf32>
    %get3A_20 = arith.constant 0 : index
    %get3A_21 = arith.constant 0 : index
    %get3A_22 = vector.load %arg4[%get3A_20, %get3A_21] : memref<1x128xf32, #tpu.memory_space<vmem>>, vector<1x128xf32>
    %add3A_23 = vector.broadcast %get3A_22 : vector<1x128xf32> to vector<1024x128xf32>
    %add3A_24 = arith.addf %mul3A_19, %add3A_23 : vector<1024x128xf32>
    %max3A = arith.constant 0.000000e+00 : f32
    %max3A_25 = vector.broadcast %max3A : f32 to vector<1024x128xf32>
    %max3A_26 = arith.maximumf %add3A_24, %max3A_25 : vector<1024x128xf32>
    %get3A_27 = arith.constant 0 : index
    %get3A_28 = arith.constant 0 : index
    %get3A_29 = vector.load %arg5[%get3A_27, %get3A_28] : memref<128x128xf32, #tpu.memory_space<vmem>>, vector<128x128xf32>
    %dot_general3A = arith.constant dense<0.000000e+00> : vector<1024x128xf32>
    %dot_general3A_30 = tpu.matmul %max3A_26, %get3A_29, %dot_general3A {dimension_numbers = #tpu.dot_dimension_numbers<[1], [0], [0], [1], [0, 0, 1, 1], [], []>, transpose_lhs_hint = false} : vector<1024x128xf32>, vector<128x128xf32>, vector<1024x128xf32> -> vector<1024x128xf32>
    %mul3A_31 = vector.broadcast %rsqrt3A : vector<1024x1xf32> to vector<1024x128xf32>
    %mul3A_32 = arith.mulf %mul3A_31, %dot_general3A_30 : vector<1024x128xf32>
    %swap3A = arith.constant 0 : index
    %swap3A_33 = arith.constant 0 : index
    %swap3A_34 = vector.load %arg6[%swap3A, %swap3A_33] : memref<1024x128xf32, #tpu.memory_space<vmem>>, vector<1024x128xf32>
    tpu.vector_store %arg6[%swap3A, %swap3A_33], %mul3A_32 {strides = array<i32>} : memref<1024x128xf32, #tpu.memory_space<vmem>>, vector<1024x128xf32>,
    return
  }
  func.func @transform_0(%arg0: i32) -> (i32, i32, i32) {
    %c0_i32 = arith.constant 0 : i32
    %c0_i32_0 = arith.constant 0 : i32
    %c0_i32_1 = arith.constant 0 : i32
    return %c0_i32, %arg0, %c0_i32_0 : i32, i32, i32
  }
  func.func @transform_1(%arg0: i32) -> (i32, i32) {
    %c0_i32 = arith.constant 0 : i32
    %c0_i32_0 = arith.constant 0 : i32
    return %arg0, %c0_i32 : i32, i32
  }
  func.func @transform_2(%arg0: i32) -> (i32, i32) {
    %c0_i32 = arith.constant 0 : i32
    %c0_i32_0 = arith.constant 0 : i32
    return %arg0, %c0_i32 : i32, i32
  }
  func.func @transform_3(%arg0: i32) -> (i32, i32) {
    %c0_i32 = arith.constant 0 : i32
    %c0_i32_0 = arith.constant 0 : i32
    %c0_i32_1 = arith.constant 0 : i32
    return %c0_i32, %c0_i32_0 : i32, i32
  }
  func.func @transform_4(%arg0: i32) -> (i32, i32) {
    %c0_i32 = arith.constant 0 : i32
    %c0_i32_0 = arith.constant 0 : i32
    %c0_i32_1 = arith.constant 0 : i32
    return %c0_i32, %c0_i32_0 : i32, i32
  }
  func.func @transform_5(%arg0: i32) -> (i32, i32) {
    %c0_i32 = arith.constant 0 : i32
    %c0_i32_0 = arith.constant 0 : i32
    return %arg0, %c0_i32 : i32, i32
  }
}

module attributes {stable_mosaic.version = 14 : i64} {
  func.func @_combine_mm_body(%arg0: i32, %arg1: memref<2x1024x128xf32, #tpu.memory_space<vmem>>, %arg2: memref<1024x128xf32, #tpu.memory_space<vmem>>, %arg3: memref<1024x1xf32, #tpu.memory_space<vmem>>, %arg4: memref<1x128xf32, #tpu.memory_space<vmem>>, %arg5: memref<128x128xf32, #tpu.memory_space<vmem>>, %arg6: memref<1024x128xf32, #tpu.memory_space<vmem>>) attributes {dimension_semantics = [#tpu.dimension_semantics<arbitrary>], iteration_bounds = array<i64: 10>, scalar_prefetch = 0 : i64, scratch_operands = 0 : i64, tpu.core_type = #tpu.core_type<tc>, window_params = [{transform_indices = @transform_0, window_bounds = array<i64: 2, 1024, 128>}, {transform_indices = @transform_1, window_bounds = array<i64: 1024, 128>}, {transform_indices = @transform_2, window_bounds = array<i64: 1024, 1>}, {pipeline_mode = #tpu.pipeline_mode<synchronous>, transform_indices = @transform_3, window_bounds = array<i64: 1, 128>}, {pipeline_mode = #tpu.pipeline_mode<synchronous>, transform_indices = @transform_4, window_bounds = array<i64: 128, 128>}, {transform_indices = @transform_5, window_bounds = array<i64: 1024, 128>}]} {
    %get3A = arith.constant 0 : index
    %get3A_0 = arith.constant 0 : index
    %get3A_1 = vector.load %arg3[%get3A, %get3A_0] : memref<1024x1xf32, #tpu.memory_space<vmem>>, vector<1024x1xf32>
    %add3A = arith.constant 1.000000e+00 : f32
    %add3A_2 = vector.broadcast %add3A : f32 to vector<1024x1xf32>
    %add3A_3 = arith.addf %get3A_1, %add3A_2 : vector<1024x1xf32>
    %rsqrt3A = math.rsqrt %add3A_3 : vector<1024x1xf32>
    %get3A_4 = arith.constant 0 : index
    %get3A_5 = arith.constant 0 : index
    %get3A_6 = arith.constant 0 : index
    %get3A_7 = vector.load %arg1[%get3A_4, %get3A_5, %get3A_6] : memref<2x1024x128xf32, #tpu.memory_space<vmem>>, vector<1x1024x128xf32>
    %get3A_8 = vector.shape_cast %get3A_7 : vector<1x1024x128xf32> to vector<1024x128xf32>
    %get3A_9 = arith.constant 1 : index
    %get3A_10 = arith.constant 0 : index
    %get3A_11 = arith.constant 0 : index
    %get3A_12 = vector.load %arg1[%get3A_9, %get3A_10, %get3A_11] : memref<2x1024x128xf32, #tpu.memory_space<vmem>>, vector<1x1024x128xf32>
    %get3A_13 = vector.shape_cast %get3A_12 : vector<1x1024x128xf32> to vector<1024x128xf32>
    %add3A_14 = arith.addf %get3A_8, %get3A_13 : vector<1024x128xf32>
    %get3A_15 = arith.constant 0 : index
    %get3A_16 = arith.constant 0 : index
    %get3A_17 = vector.load %arg2[%get3A_15, %get3A_16] : memref<1024x128xf32, #tpu.memory_space<vmem>>, vector<1024x128xf32>
    %add3A_18 = arith.addf %add3A_14, %get3A_17 : vector<1024x128xf32>
    %mul3A = vector.broadcast %rsqrt3A : vector<1024x1xf32> to vector<1024x128xf32>
    %mul3A_19 = arith.mulf %mul3A, %add3A_18 : vector<1024x128xf32>
    %get3A_20 = arith.constant 0 : index
    %get3A_21 = arith.constant 0 : index
    %get3A_22 = vector.load %arg4[%get3A_20, %get3A_21] : memref<1x128xf32, #tpu.memory_space<vmem>>, vector<1x128xf32>
    %add3A_23 = vector.broadcast %get3A_22 : vector<1x128xf32> to vector<1024x128xf32>
    %add3A_24 = arith.addf %mul3A_19, %add3A_23 : vector<1024x128xf32>
    %get3A_25 = arith.constant 0 : index
    %get3A_26 = arith.constant 0 : index
    %get3A_27 = vector.load %arg5[%get3A_25, %get3A_26] : memref<128x128xf32, #tpu.memory_space<vmem>>, vector<128x128xf32>
    %dot_general3A = arith.constant dense<0.000000e+00> : vector<1024x128xf32>
    %dot_general3A_28 = tpu.matmul %add3A_24, %get3A_27, %dot_general3A {dimension_numbers = #tpu.dot_dimension_numbers<[1], [0], [0], [1], [0, 0, 1, 1], [], []>, transpose_lhs_hint = false} : vector<1024x128xf32>, vector<128x128xf32>, vector<1024x128xf32> -> vector<1024x128xf32>
    %mul3A_29 = vector.broadcast %rsqrt3A : vector<1024x1xf32> to vector<1024x128xf32>
    %mul3A_30 = arith.mulf %mul3A_29, %dot_general3A_28 : vector<1024x128xf32>
    %swap3A = arith.constant 0 : index
    %swap3A_31 = arith.constant 0 : index
    %swap3A_32 = vector.load %arg6[%swap3A, %swap3A_31] : memref<1024x128xf32, #tpu.memory_space<vmem>>, vector<1024x128xf32>
    tpu.vector_store %arg6[%swap3A, %swap3A_31], %mul3A_30 {strides = array<i32>} : memref<1024x128xf32, #tpu.memory_space<vmem>>, vector<1024x128xf32>,
    return
  }
  func.func @transform_0(%arg0: i32) -> (i32, i32, i32) {
    %c0_i32 = arith.constant 0 : i32
    %c0_i32_0 = arith.constant 0 : i32
    %c0_i32_1 = arith.constant 0 : i32
    return %c0_i32, %arg0, %c0_i32_0 : i32, i32, i32
  }
  func.func @transform_1(%arg0: i32) -> (i32, i32) {
    %c0_i32 = arith.constant 0 : i32
    %c0_i32_0 = arith.constant 0 : i32
    return %arg0, %c0_i32 : i32, i32
  }
  func.func @transform_2(%arg0: i32) -> (i32, i32) {
    %c0_i32 = arith.constant 0 : i32
    %c0_i32_0 = arith.constant 0 : i32
    return %arg0, %c0_i32 : i32, i32
  }
  func.func @transform_3(%arg0: i32) -> (i32, i32) {
    %c0_i32 = arith.constant 0 : i32
    %c0_i32_0 = arith.constant 0 : i32
    %c0_i32_1 = arith.constant 0 : i32
    return %c0_i32, %c0_i32_0 : i32, i32
  }
  func.func @transform_4(%arg0: i32) -> (i32, i32) {
    %c0_i32 = arith.constant 0 : i32
    %c0_i32_0 = arith.constant 0 : i32
    %c0_i32_1 = arith.constant 0 : i32
    return %c0_i32, %c0_i32_0 : i32, i32
  }
  func.func @transform_5(%arg0: i32) -> (i32, i32) {
    %c0_i32 = arith.constant 0 : i32
    %c0_i32_0 = arith.constant 0 : i32
    return %arg0, %c0_i32 : i32, i32
  }
}

module attributes {stable_mosaic.version = 14 : i64} {
  func.func @_head_body(%arg0: i32, %arg1: memref<2x1000x128xf32, #tpu.memory_space<vmem>>, %arg2: memref<1000x128xf32, #tpu.memory_space<vmem>>, %arg3: memref<1000x1xf32, #tpu.memory_space<vmem>>, %arg4: memref<1x128xf32, #tpu.memory_space<vmem>>, %arg5: memref<128x64xf32, #tpu.memory_space<vmem>>, %arg6: memref<1x64xf32, #tpu.memory_space<vmem>>, %arg7: memref<1000x64xf32, #tpu.memory_space<vmem>>) attributes {dimension_semantics = [#tpu.dimension_semantics<arbitrary>], iteration_bounds = array<i64: 10>, scalar_prefetch = 0 : i64, scratch_operands = 0 : i64, tpu.core_type = #tpu.core_type<tc>, window_params = [{transform_indices = @transform_0, window_bounds = array<i64: 2, 1000, 128>}, {transform_indices = @transform_1, window_bounds = array<i64: 1000, 128>}, {transform_indices = @transform_2, window_bounds = array<i64: 1000, 1>}, {pipeline_mode = #tpu.pipeline_mode<synchronous>, transform_indices = @transform_3, window_bounds = array<i64: 1, 128>}, {pipeline_mode = #tpu.pipeline_mode<synchronous>, transform_indices = @transform_4, window_bounds = array<i64: 128, 64>}, {pipeline_mode = #tpu.pipeline_mode<synchronous>, transform_indices = @transform_5, window_bounds = array<i64: 1, 64>}, {transform_indices = @transform_6, window_bounds = array<i64: 1000, 64>}]} {
    %get3A = arith.constant 0 : index
    %get3A_0 = arith.constant 0 : index
    %get3A_1 = vector.load %arg3[%get3A, %get3A_0] : memref<1000x1xf32, #tpu.memory_space<vmem>>, vector<1000x1xf32>
    %add3A = arith.constant 1.000000e+00 : f32
    %add3A_2 = vector.broadcast %add3A : f32 to vector<1000x1xf32>
    %add3A_3 = arith.addf %get3A_1, %add3A_2 : vector<1000x1xf32>
    %rsqrt3A = math.rsqrt %add3A_3 : vector<1000x1xf32>
    %get3A_4 = arith.constant 0 : index
    %get3A_5 = arith.constant 0 : index
    %get3A_6 = arith.constant 0 : index
    %get3A_7 = vector.load %arg1[%get3A_4, %get3A_5, %get3A_6] : memref<2x1000x128xf32, #tpu.memory_space<vmem>>, vector<1x1000x128xf32>
    %get3A_8 = vector.shape_cast %get3A_7 : vector<1x1000x128xf32> to vector<1000x128xf32>
    %get3A_9 = arith.constant 1 : index
    %get3A_10 = arith.constant 0 : index
    %get3A_11 = arith.constant 0 : index
    %get3A_12 = vector.load %arg1[%get3A_9, %get3A_10, %get3A_11] : memref<2x1000x128xf32, #tpu.memory_space<vmem>>, vector<1x1000x128xf32>
    %get3A_13 = vector.shape_cast %get3A_12 : vector<1x1000x128xf32> to vector<1000x128xf32>
    %add3A_14 = arith.addf %get3A_8, %get3A_13 : vector<1000x128xf32>
    %get3A_15 = arith.constant 0 : index
    %get3A_16 = arith.constant 0 : index
    %get3A_17 = vector.load %arg2[%get3A_15, %get3A_16] : memref<1000x128xf32, #tpu.memory_space<vmem>>, vector<1000x128xf32>
    %add3A_18 = arith.addf %add3A_14, %get3A_17 : vector<1000x128xf32>
    %mul3A = vector.broadcast %rsqrt3A : vector<1000x1xf32> to vector<1000x128xf32>
    %mul3A_19 = arith.mulf %mul3A, %add3A_18 : vector<1000x128xf32>
    %get3A_20 = arith.constant 0 : index
    %get3A_21 = arith.constant 0 : index
    %get3A_22 = vector.load %arg4[%get3A_20, %get3A_21] : memref<1x128xf32, #tpu.memory_space<vmem>>, vector<1x128xf32>
    %add3A_23 = vector.broadcast %get3A_22 : vector<1x128xf32> to vector<1000x128xf32>
    %add3A_24 = arith.addf %mul3A_19, %add3A_23 : vector<1000x128xf32>
    %get3A_25 = arith.constant 0 : index
    %get3A_26 = arith.constant 0 : index
    %get3A_27 = vector.load %arg5[%get3A_25, %get3A_26] : memref<128x64xf32, #tpu.memory_space<vmem>>, vector<128x64xf32>
    %dot_general3A = arith.constant dense<0.000000e+00> : vector<1000x64xf32>
    %dot_general3A_28 = tpu.matmul %add3A_24, %get3A_27, %dot_general3A {dimension_numbers = #tpu.dot_dimension_numbers<[1], [0], [0], [1], [0, 0, 1, 1], [], []>, transpose_lhs_hint = false} : vector<1000x128xf32>, vector<128x64xf32>, vector<1000x64xf32> -> vector<1000x64xf32>
    %get3A_29 = arith.constant 0 : index
    %get3A_30 = arith.constant 0 : index
    %get3A_31 = vector.load %arg6[%get3A_29, %get3A_30] : memref<1x64xf32, #tpu.memory_space<vmem>>, vector<1x64xf32>
    %add3A_32 = vector.broadcast %get3A_31 : vector<1x64xf32> to vector<1000x64xf32>
    %add3A_33 = arith.addf %dot_general3A_28, %add3A_32 : vector<1000x64xf32>
    %reduce_max3A = arith.constant dense<0xFF800000> : vector<1000xf32>
    %reduce_max3A_34 = vector.multi_reduction <maximumf>, %add3A_33, %reduce_max3A [1] : vector<1000x64xf32> to vector<1000xf32>
    %broadcast_in_dim3A = vector.shape_cast %reduce_max3A_34 : vector<1000xf32> to vector<1000x1xf32>
    %sub3A = vector.broadcast %broadcast_in_dim3A : vector<1000x1xf32> to vector<1000x64xf32>
    %sub3A_35 = arith.subf %add3A_33, %sub3A : vector<1000x64xf32>
    %exp3A = math.exp %sub3A_35 : vector<1000x64xf32>
    %reduce_sum3A = arith.constant dense<0.000000e+00> : vector<1000xf32>
    %reduce_sum3A_36 = vector.multi_reduction <add>, %exp3A, %reduce_sum3A [1] : vector<1000x64xf32> to vector<1000xf32>
    %broadcast_in_dim3A_37 = vector.shape_cast %reduce_sum3A_36 : vector<1000xf32> to vector<1000x1xf32>
    %log3A = math.log %broadcast_in_dim3A_37 : vector<1000x1xf32>
    %sub3A_38 = vector.broadcast %log3A : vector<1000x1xf32> to vector<1000x64xf32>
    %sub3A_39 = arith.subf %sub3A_35, %sub3A_38 : vector<1000x64xf32>
    %swap3A = arith.constant 0 : index
    %swap3A_40 = arith.constant 0 : index
    %swap3A_41 = vector.load %arg7[%swap3A, %swap3A_40] : memref<1000x64xf32, #tpu.memory_space<vmem>>, vector<1000x64xf32>
    tpu.vector_store %arg7[%swap3A, %swap3A_40], %sub3A_39 {strides = array<i32>} : memref<1000x64xf32, #tpu.memory_space<vmem>>, vector<1000x64xf32>,
    return
  }
  func.func @transform_0(%arg0: i32) -> (i32, i32, i32) {
    %c0_i32 = arith.constant 0 : i32
    %c0_i32_0 = arith.constant 0 : i32
    %c0_i32_1 = arith.constant 0 : i32
    return %c0_i32, %arg0, %c0_i32_0 : i32, i32, i32
  }
  func.func @transform_1(%arg0: i32) -> (i32, i32) {
    %c0_i32 = arith.constant 0 : i32
    %c0_i32_0 = arith.constant 0 : i32
    return %arg0, %c0_i32 : i32, i32
  }
  func.func @transform_2(%arg0: i32) -> (i32, i32) {
    %c0_i32 = arith.constant 0 : i32
    %c0_i32_0 = arith.constant 0 : i32
    return %arg0, %c0_i32 : i32, i32
  }
  func.func @transform_3(%arg0: i32) -> (i32, i32) {
    %c0_i32 = arith.constant 0 : i32
    %c0_i32_0 = arith.constant 0 : i32
    %c0_i32_1 = arith.constant 0 : i32
    return %c0_i32, %c0_i32_0 : i32, i32
  }
  func.func @transform_4(%arg0: i32) -> (i32, i32) {
    %c0_i32 = arith.constant 0 : i32
    %c0_i32_0 = arith.constant 0 : i32
    %c0_i32_1 = arith.constant 0 : i32
    return %c0_i32, %c0_i32_0 : i32, i32
  }
  func.func @transform_5(%arg0: i32) -> (i32, i32) {
    %c0_i32 = arith.constant 0 : i32
    %c0_i32_0 = arith.constant 0 : i32
    %c0_i32_1 = arith.constant 0 : i32
    return %c0_i32, %c0_i32_0 : i32, i32
  }
  func.func @transform_6(%arg0: i32) -> (i32, i32) {
    %c0_i32 = arith.constant 0 : i32
    %c0_i32_0 = arith.constant 0 : i32
    return %arg0, %c0_i32 : i32, i32
  }
}

</mosaic_0001>

<sc_bundles>
// kernel: kernel.12.cloned.1.call-start
scs
__scs_entry_jumppad:
0x0: {  	(pc) =	sbr.rel $0x88, $3  }
0x1: {  	(tag) =	ssettag $0x0;
	lr =	simm.s32 $0x1  }
0x2: {  	[smem:$0x3F95] =	sst lr;
	_ =	strace $0xD0000000  }
0x3: {  	_ = 	snop  }
0x4: {  	_ = 	snop  }
0x5: {  	_ = 	snop  }
0x6: {  	_ = 	snop  }
0x7: {  	_ = 	snop  }
__scs_overlays_trampoline_lowered:
0x8: {  	[smem:$0x3FA4] =	sst s0  }
0x9: {  	[smem:$0x3FA5] =	sst s1  }
0xa: {  	[smem:$0x3FA6] =	sst s2  }
0xb: {  	[smem:$0x3FA7] =	sst s3  }
0xc: {  	[smem:$0x3FA8] =	sst s4  }
0xd: {  	[smem:$0x3FA9] =	sst s5  }
0xe: {  	[smem:$0x3FAA] =	sst s6  }
0xf: {  	[smem:$0x3FAB] =	sst s7  }
0x10: {  	[smem:$0x3FAC] =	sst s8  }
0x11: {  	[smem:$0x3FAD] =	sst s9;
	s0 =	simm.s32 @!p0 $0x0  }
0x12: {  	s1 =	sld [smem:$0x3F93];
	s0 =	simm.s32 @p0 $0x1  }
0x13: {  	[smem:$0x3FAE] =	sst s0;
	s0 =	simm.s32 @!p1 $0x0  }
0x14: {  	s2 =	sld [smem:$0x3F92];
	s0 =	simm.s32 @p1 $0x1  }
0x15: {  	[smem:$0x3FAF] =	sst s0;
	s0 =	simm.s32 @!p2 $0x0  }
0x16: {  	s3 =	sld [smem:$0x3FDB];
	s0 =	simm.s32 @p2 $0x1  }
0x17: {  	s4 =	simm.s32 $0x1BF5;
	[smem:$0x3FB1] =	sst s0  }
0x18: {  	s0 =	sld [smem:$0x3F94];
	_ =	swait.ge [sflag:s4], $0x0  }
0x19: {  	s7 =	sld [smem:$0x3F95]  }
0x1a: {  	s8 =	sadd.s32 $0xFFFFE003, lr  }
0x1b: {  	s9 =	sadd.s32 $0xFFFFFEF7, lr;
	s5 =	simm.s32 $0xFFFFFFFF;
	p2 =	slt.u32 s8, $0xFFFFF086  }
0x1c: {  	p1 =	slt.u32 s9, $0xF7A;
	s5 =	simm.s32 @!p2 $0x0  }
0x1d: {  	s5 =	simm.s32 @p1 $0x1;
	p0 =	seq.s32 s7, s2  }
0x1e: {  	s7 =	smul.u32 @!p0 $0xF7A, s2;
	p2 =	seq.s32 @!p0 s5, $0x0  }
0x1f: {  	s9 =	smul.u32 $0xF7A, s1;
	s8 =	simm.s32 @!p0 $0x1BF5;
	p2 =	por !p2, p0  }
0x20: {  	[sflag:s8] =	ssyncset.s32 @!p0 $0xFFFFF086;
	s6 =	sadd.s32 @!p0 s3, s7;
	s7 =	simm.s32 @!p0 $0x108  }
0x21: {  	s3 =	sadd.s32 s3, s9;
	s6 =	sadd.s32 @!p0 $0x88, s6;
	s7 =	simm.s32 @p2 $0x1082  }
0x22: {  	[simem:s7], [sflag:s8] =	dma.local @!p0 [hbm:s6], $0xF7A  }
0x23: {  	s9 =	sor.u32 $0xD0000000, s2;
	s6 =	simm.s32 $0x108;
	_ =	swait.ge @!p0 [sflag:s8], $0x0  }
0x24: {  	s3 =	sadd.s32 $0x88, s3;
	s6 =	simm.s32 @!p1 $0x1082;
	[sflag:s4] =	ssyncset.s32 $0xFFFFF086  }
0x25: {  	[simem:s6], [sflag:s4] =	dma.local [hbm:s3], $0xF7A  }
0x26: {  	[smem:$0x3F95] =	sst s1;
	(tag) =	ssettag s2;
	_ =	strace s9  }
0x27: {  	s1 =	sld [smem:$0x3FA5]  }
0x28: {  	s2 =	sld [smem:$0x3FA6]  }
0x29: {  	s4 =	sld [smem:$0x3FA8]  }
0x2a: {  	p0 =	seq.s32 s5, $0x0;
	s5 =	sld [smem:$0x3FA9]  }
0x2b: {  	s6 =	sld [smem:$0x3FAA]  }
0x2c: {  	s7 =	sld [smem:$0x3FAB]  }
0x2d: {  	s3 =	simm.s32 $0x108;
	s8 =	sld [smem:$0x3FAC]  }
0x2e: {  	s3 =	simm.s32 @!p0 $0x1082;
	s9 =	sld [smem:$0x3FAD]  }
0x2f: {  	lr =	sadd.s32 s0, s3;
	s0 =	sld [smem:$0x3FA4]  }
0x30: {  	s3 =	sld [smem:$0x3FA7]  }
0x31: {  	[smem:$0x3FB0] =	sst s10  }
0x32: {  	s10 =	sld [smem:$0x3FAE];
	_ =	sdelay $0x3  }
0x33: {  	p0 =	seq.s32 s10, $0x1;
	s10 =	sld [smem:$0x3FB0];
	_ =	sdelay $0x3  }
0x34: {  	[smem:$0x3FB0] =	sst s10  }
0x35: {  	s10 =	sld [smem:$0x3FAF];
	_ =	sdelay $0x3  }
0x36: {  	p1 =	seq.s32 s10, $0x1;
	s10 =	sld [smem:$0x3FB0];
	_ =	sdelay $0x3  }
0x37: {  	[smem:$0x3FB0] =	sst s10  }
0x38: {  	s10 =	sld [smem:$0x3FB1]  }
0x39: {  	_ = 	snop;
	(pc) =	sbr.ind lr, $3  }
0x3a: {  	_ = 	snop  }
0x3b: {  	_ = 	snop  }
0x3c: {  	p2 =	seq.s32 s10, $0x1;
	s10 =	sld [smem:$0x3FB0]  }
0x3d: {  	_ =	shalt  }
0x3e: {  	_ =	shalt  }
0x3f: {  	_ =	shalt  }
0x40: {  	_ =	shalt  }
0x41: {  	_ =	shalt  }
0x42: {  	_ =	shalt  }
0x43: {  	_ =	shalt  }
0x44: {  	_ =	shalt  }
0x45: {  	_ =	shalt  }
0x46: {  	_ =	shalt  }
0x47: {  	_ =	shalt  }
0x48: {  	_ =	shalt  }
0x49: {  	_ =	shalt  }
0x4a: {  	_ =	shalt  }
0x4b: {  	_ =	shalt  }
0x4c: {  	_ =	shalt  }
0x4d: {  	_ =	shalt  }
0x4e: {  	_ =	shalt  }
0x4f: {  	_ =	shalt  }
0x50: {  	_ =	shalt  }
0x51: {  	_ =	shalt  }
0x52: {  	_ =	shalt  }
0x53: {  	_ =	shalt  }
0x54: {  	_ =	shalt  }
0x55: {  	_ =	shalt  }
0x56: {  	_ =	shalt  }
0x57: {  	_ =	shalt  }
0x58: {  	_ =	shalt  }
0x59: {  	_ =	shalt  }
0x5a: {  	_ =	shalt  }
0x5b: {  	_ =	shalt  }
0x5c: {  	_ =	shalt  }
0x5d: {  	_ =	shalt  }
0x5e: {  	_ =	shalt  }
0x5f: {  	_ =	shalt  }
0x60: {  	_ =	shalt  }
0x61: {  	_ =	shalt  }
0x62: {  	_ =	shalt  }
0x63: {  	_ =	shalt  }
0x64: {  	_ =	shalt  }
0x65: {  	_ =	shalt  }
0x66: {  	_ =	shalt  }
0x67: {  	_ =	shalt  }
0x68: {  	_ =	shalt  }
0x69: {  	_ =	shalt  }
0x6a: {  	_ =	shalt  }
0x6b: {  	_ =	shalt  }
0x6c: {  	_ =	shalt  }
0x6d: {  	_ =	shalt  }
0x6e: {  	_ =	shalt  }
0x6f: {  	_ =	shalt  }
0x70: {  	_ =	shalt  }
0x71: {  	_ =	shalt  }
0x72: {  	_ =	shalt  }
0x73: {  	_ =	shalt  }
0x74: {  	_ =	shalt  }
0x75: {  	_ =	shalt  }
0x76: {  	_ =	shalt  }
0x77: {  	_ =	shalt  }
0x78: {  	_ =	shalt  }
0x79: {  	_ =	shalt  }
0x7a: {  	_ =	shalt  }
0x7b: {  	_ =	shalt  }
0x7c: {  	_ =	shalt  }
0x7d: {  	_ =	shalt  }
0x7e: {  	_ =	shalt  }
0x7f: {  	_ =	shalt  }
0x80: {  	_ =	shalt  }
0x81: {  	_ =	shalt  }
0x82: {  	_ =	shalt  }
0x83: {  	_ =	shalt  }
0x84: {  	_ =	shalt  }
0x85: {  	_ =	shalt  }
0x86: {  	_ =	shalt  }
0x87: {  	_ =	shalt  }
.Lfunc_end0:
.L_simem_size_0:
called_computation_lowered:
.L_overlay_start_0:
0x88: {  	s2 =	sld [smem:$0x3FD9]  }
0x89: {  	s3 =	sld [smem:$0x3FFE];
	_ =	sdelay $0x1  }
0x8a: {  	s1 =	srdreg.scid  }
0x8b: {  	s0 =	sand.u32 $0x1, s1  }
0x8c: {  	s17 =	sshll.u32 s0, $0xA;
	s2 =	sadd.s32 s3, s2  }
0x8d: {  	s2 =	sadd.s32 s2, s17  }
0x8e: {  	[smem:$0x3FBC] =	sst s2  }
0x8f: {  	_ = 	snop  }
0x90: {  	s2 =	sld [smem:$0x3FD0];
	(tm) =	ssettm $0x1  }
0x91: {  	s18 =	sld [smem:$0x3FFB];
	_ =	sdelay $0x3  }
0x92: {  	_ =	strace s18  }
0x93: {  	s3 =	sld [smem:$0x3FFC];
	_ =	sdelay $0x3  }
0x94: {  	_ =	strace s3  }
0x95: {  	s3 =	sld [smem:$0x3FFD];
	_ =	sdelay $0x3  }
0x96: {  	_ =	strace s3  }
0x97: {  	_ =	strace $0x8FFFFFFF  }
0x98: {  	s19 =	sld [smem:$0x3FDB];
	_ =	sdelay $0x1  }
0x99: {  	s4 =	simm.s32 $_scs_section_size  }
0x9a: {  	s5 =	simm.s32 $_size__tile_overlayer_lowered;
	s6 =	simm.s32 $_tile_overlayer_lowered  }
0x9b: {  	s22 =	simm.s32 $0x1BFF;
	s21 =	sshll.u32 s6, $0x1;
	s3 =	sadd.s32 s4, s19  }
0x9c: {  	s7 =	simm.s32 $0x0;
	s20 =	sshll.u32 s5, $0x1;
	s5 =	sadd.s32 s21, s3  }
0x9d: {  	[timem:s7], [sflag:s22] =	dma.local [hbm:s5], s20  }
0x9e: {  	_ =	swait.ge [sflag:s22], s20  }
0x9f: {  	s4 =	ssub.s32 $0x0, s20;
	[sflag:s22] =	ssyncset.done $0x0  }
0xa0: {  	[sflag:s22] =	ssyncadd.s32 s4;
	_ =	sdelay $0x1  }
0xa1: {  	s23 =	simm.s32 $0x1B8B  }
0xa2: {  	_ =	swait.ge [sflag:s23], $0x1  }
0xa3: {  	[sflag:s23] =	ssyncset.done $0x0  }
0xa4: {  	s25 =	simm.s32 $0x1B8E;
	s24 =	sld [smem:$0x3FFE];
	[sflag:s23] =	ssyncadd.s32 $0xFFFFFFFF  }
0xa5: {  	s26 =	simm.s32 $execute0_lowered;
	[smem:$0x3FD2] =	sst s25  }
0xa6: {  	s5 =	sshll.u32 s26, $0x1;
	_ =	strace $0x80000046;
	[dreg:$0x1] =	wrdreg $0xFFFFFFFF  }
0xa7: {  	s28 =	simm.s32 $_size_execute0_lowered;
	s3 =	sadd.s32 s3, s5;
	[dreg:$0x0] =	wrdreg $0x0  }
0xa8: {  	s5 =	sshll.u32 s28, $0x1;
	[dreg:$0x2] =	wrdreg s3  }
0xa9: {  	[dreg:$0x3] =	wrdreg s5  }
0xaa: {  	[dreg:$0x4] =	wrdreg $0xC0  }
0xab: {  	_ =	task [dreg:s7], $0x5FFFF  }
0xac: {  	[dreg:$0x1] =	wrdreg $0xFFFFFFFF  }
0xad: {  	[dreg:$0x0] =	wrdreg $0x60  }
0xae: {  	[dreg:$0x2] =	wrdreg s24  }
0xaf: {  	[dreg:$0x3] =	wrdreg s2  }
0xb0: {  	[dreg:$0x4] =	wrdreg $0xB0000  }
0xb1: {  	[dreg:$0x5] =	wrdreg $0x9  }
0xb2: {  	_ =	task.clear_ibuf [dreg:s7], $0x6FFFF;
	_ =	strace $0x90000046  }
0xb3: {  	s29 =	simm.s32 $0x9;
	_ =	strace $0x80000048  }
0xb4: {  	_ =	swait.ge [sflag:s29], $0x1  }
0xb5: {  	[sflag:s29] =	ssyncadd.s32 $0xFFFFFFFF  }
0xb6: {  	_ =	strace $0x90000048  }
0xb7: {  	_ =	sfence  }
0xb8: {  	s30 =	sld [smem:$0x0];
	_ =	sdelay $0x2  }
0xb9: {  	s31 =	sshll.u32 s1, $0xD;
	s1 =	sshrl.u32 s1, $0x2  }
0xba: {  	s3 =	sand.u32 $0x4000, s31;
	s1 =	sadd.s32 s1, s30  }
0xbb: {  	s0 =	sor.u32 s3, s0;
	s1 =	sshll.u32 s1, $0x11  }
0xbc: {  	s0 =	sor.u32 s1, s0  }
0xbd: {  	s0 =	sadd.s32 $0x8F2B, s0  }
0xbe: {  	[sflag:s0] =	ssyncadd.remote.s32 $0x1  }
0xbf: {  	_ =	sfence.sel $0xFFFF  }
0xc0: {  	[dreg:$0x0] =	wrdreg $0xFFFFFFFF;
	(pc) =	sbr.abs _section_cstart, $3  }
0xc1: {  	[dreg:$0x1] =	wrdreg $0xFFFFFFFF  }
0xc2: {  	_ =	task.clear_ibuf [dreg:s7], $0x2FFFF;
	_ =	strace $0x9FFFFFFF  }
0xc3: {  	(tm) =	ssettm $0x7FFFFFFF  }
tec
execute0_lowered:
.L_overlay_start_1:
0x0: {  	(tag) =	ssettag $0x1  }
0x1: {  	s6 =	rddreg [dreg:$0x0]  }
0x2: {  	s9 =	rddreg [dreg:$0x1]  }
0x3: {  	s2 =	rddreg [dreg:$0x2];
	s1 =	stileid.u32  }
0x4: {  	s0 =	rddreg [dreg:$0x3];
	s10 =	smul.u32 $0x700, s1  }
0x5: {  	s4 =	srdreg.scid;
	s3 =	simm.s32 $0x0;
	s5 =	smul.u32 $0x300, s1  }
0x6: {  	s17 =	simm.s32 $0x1;
	s12 =	sand.u32 $0x1, s4;
	s8 =	smul.u32 $0x14000, s1  }
0x7: {  	[smem:$0x7FF] =	sst s3;
	s4 =	sadd.s32 $0x13600, s6;
	s15 =	smul.u32 $0x50000, s1  }
0x8: {  	s31 =	sshll.u32 s1, $0x6;
	s7 =	smul.u32 $0x140000, s12;
	_ =	strace $0x80000047  }
0x9: {  	s28 =	ssub.s32 $0x2, s12;
	p0 =	sne.s32 s12, $0x0;
	s12 =	sor.u32 $0x1C02, s31  }
0xa: {  	s11 =	sadd.s32 s10, s6;
	s13 =	sadd.s32 s5, s6;
	s5 =	sadd.s32 $0x10E00, s6  }
0xb: {  	s14 =	sshrl.u32 s28, $0x1;
	s29 =	sshrl.u32 s15, $0x2;
	s9 =	sadd.s32 s9, s10  }
.Ltmp0:
0xc: {  	s15 =	simm.s32 $0x80;
	s7 =	sadd.s32 s8, s7;
	(pc) =	sbr.rel .LBB2_1-.Ltmp0, $4  }
0xd: {  	s14 =	ssub.s32 s28, s14;
	s8 =	sadd.s32 $0x3E00, s11;
	s30 =	sadd.s32 s29, s2  }
0xe: {  	s7 =	sshrl.u32 s7, $0x3;
	s11 =	smax.u32 s14, $0x1;
	s14 =	simm.s32 $0x2  }
0xf: {  	s16 =	sadd.s32 s7, s6;
	s6 =	sadd.s32 $0xAE00, s13;
	s7 =	sadd.s32 $0xDE00, s13  }
0x10: {  	s13 =	sshrl.u32 s30, $0x3;
	s10 =	sadd.s32 $0x3B600, s16;
	s16 =	simm.s32 $0x7000  }
.LBB2_7:
0x11: {  	s18 =	sshra.s32 s18, $0x2;
	[sflag:s14] =	ssyncadd.s32 $0xFFFFC000  }
0x12: {  	[tilespmem:s16], [sflag:$0x1] =	stream.indirect.gather [hbm4b:s4+s15], $0x80, s18, s15, $0xb8;
	[tilespmem:$0x1F000] =	vst v63  }
0x13: {  	_ =	swait.ge [sflag:s17], $0x4000  }
0x14: {  	[sflag:s17] =	ssyncset.done $0x0  }
0x15: {  	s18 =	sadd.s32 $0x3800, s18;
	[sflag:s17] =	ssyncadd.s32 $0xFFFFC000  }
0x16: {  	[spmem:s2] =	stream.indirect.scatter.add.f32 [tilespmem:s16], [sflag:$0x2], $0x80, s18, s15, $0xb8;
	[tilespmem:$0x1F000] =	vst v63  }
0x17: {  	_ =	swait.ge [sflag:s14], $0x4000  }
0x18: {  	[sflag:s14] =	ssyncset.done $0x0  }
0x19: {  	[sflag:s14] =	ssyncadd.s32 $0xFFFFC000  }
.LBB2_8:
0x1a: {  	s3 =	sadd.s32 $0x1, s3  }
0x1b: {  	p1 =	sne.s32 s3, s11  }
.Ltmp1:
0x1c: {  	[bflag:$0x0] =	sbarrier.arrive $0xFFFF;
	(pc) =	sbr.rel @!p1 .LBB2_9-.Ltmp1, $4  }
0x1d: {  	[hbm:s10], [sflag:s12] =	dma.local [spmem:s13], $0x2800  }
0x1e: {  	_ =	swait.ge [sflag:s14], $0x2800  }
0x1f: {  	[sflag:s14] =	ssyncset.done $0x0  }
0x20: {  	[sflag:s14] =	ssyncadd.s32 $0xFFFFD800  }
.LBB2_1:
0x21: {  	s18 =	simm.s32 @p0 $0x0;
	s19 =	simm.s32 @p0 $0x2  }
0x22: {  	[tilespmem:s18], [sflag:$0x2] =	stream.linear.gather @p0 [hbm4b:s6+s18], $0x1700, $0x38;
	[tilespmem:$0x1F000] =	vst v63  }
0x23: {  	_ =	swait.ge @p0 [sflag:s19], $0x1700  }
0x24: {  	[sflag:s19] =	ssyncset.done @p0 $0x0  }
0x25: {  	s20 =	simm.s32 @p0 $0x3800;
	[sflag:s19] =	ssyncadd.s32 @p0 $0xFFFFE900  }
0x26: {  	[tilespmem:s20], [sflag:$0x2] =	stream.linear.gather @p0 [hbm4b:s7+s18], $0x1700, $0x38;
	[tilespmem:$0x1F000] =	vst v63  }
0x27: {  	_ =	swait.ge @p0 [sflag:s19], $0x1700  }
0x28: {  	[sflag:s19] =	ssyncset.done @p0 $0x0  }
0x29: {  	s18 =	simm.s32 @!p0 $0x0;
	[sflag:s19] =	ssyncadd.s32 @p0 $0xFFFFE900;
	s19 =	simm.s32 @!p0 $0x2  }
0x2a: {  	[tilespmem:s18], [sflag:$0x2] =	stream.linear.gather @!p0 [hbm4b:s8+s18], $0x3800, $0x38;
	[tilespmem:$0x1F000] =	vst v63  }
0x2b: {  	_ =	swait.ge @!p0 [sflag:s19], $0x3800  }
0x2c: {  	[sflag:s19] =	ssyncset.done @!p0 $0x0  }
0x2d: {  	s20 =	simm.s32 @!p0 $0x3800;
	[sflag:s19] =	ssyncadd.s32 @!p0 $0xFFFFC800  }
0x2e: {  	[tilespmem:s20], [sflag:$0x2] =	stream.linear.gather @!p0 [hbm4b:s9+s18], $0x3800, $0x38;
	[tilespmem:$0x1F000] =	vst v63  }
0x2f: {  	_ =	swait.ge @!p0 [sflag:s19], $0x3800  }
0x30: {  	[sflag:s19] =	ssyncset.done @!p0 $0x0  }
0x31: {  	[sflag:s19] =	ssyncadd.s32 @!p0 $0xFFFFC800  }
0x32: {  	[spmem:s13], [sflag:s12] =	dma.local [hbm:s5], $0x2800  }
.Ltmp2:
0x33: {  	_ =	swait.ge [sflag:s14], $0x2800;
	(pc) =	sbr.rel @p0 .LBB2_5-.Ltmp2, $4  }
0x34: {  	[sflag:s14] =	ssyncset.done $0x0  }
0x35: {  	[sflag:s14] =	ssyncadd.s32 $0xFFFFD800  }
0x36: {  	[bflag:$0x0] =	sbarrier.arrive $0xFFFF  }
0x37: {  	s18 =	simm.s32 $0x0  }
0x38: {  	[tilespmem:s16], [sflag:$0x1] =	stream.indirect.gather [hbm4b:s4+s15], $0x80, s18, s15, $0xb8;
	[tilespmem:$0x1F000] =	vst v63  }
0x39: {  	_ =	swait.ge [sflag:s17], $0x4000  }
0x3a: {  	[sflag:s17] =	ssyncset.done $0x0  }
0x3b: {  	s31 =	simm.s32 $0x3800;
	[sflag:s17] =	ssyncadd.s32 $0xFFFFC000  }
0x3c: {  	[spmem:s2] =	stream.indirect.scatter.add.f32 [tilespmem:s16], [sflag:$0x2], $0x80, s31, s15, $0xb8;
	[tilespmem:$0x1F000] =	vst v63  }
0x3d: {  	_ =	swait.ge [sflag:s14], $0x4000  }
0x3e: {  	s18 =	simm.s32 $0x200;
	s19 =	simm.s32 $0x400;
	[sflag:s14] =	ssyncset.done $0x0  }
.LBB2_3:
0x3f: {  	s20 =	sshra.s32 s18, $0x2  }
0x40: {  	[sflag:s14] =	ssyncadd.s32 $0xFFFFC000;
	s18 =	smov.u32 s19;
	s21 =	sadd.s32 $0x200, s19  }
0x41: {  	[tilespmem:s16], [sflag:$0x1] =	stream.indirect.gather [hbm4b:s4+s15], $0x80, s20, s15, $0xb8;
	[tilespmem:$0x1F000] =	vst v63  }
0x42: {  	p1 =	seq.s32 s19, $0xDE00;
	_ =	swait.ge [sflag:s17], $0x4000  }
.Ltmp3:
0x43: {  	[sflag:s17] =	ssyncset.done $0x0;
	(pc) =	sbr.rel @!p1 .LBB2_3-.Ltmp3, $4  }
0x44: {  	s19 =	sadd.s32 $0x3800, s20;
	[sflag:s17] =	ssyncadd.s32 $0xFFFFC000  }
0x45: {  	[spmem:s2] =	stream.indirect.scatter.add.f32 [tilespmem:s16], [sflag:$0x2], $0x80, s19, s15, $0xb8;
	[tilespmem:$0x1F000] =	vst v63  }
0x46: {  	_ =	swait.ge [sflag:s14], $0x4000  }
0x47: {  	s19 =	smov.u32 s21;
	[sflag:s14] =	ssyncset.done $0x0  }
0x48: {  	s18 =	sshra.s32 s18, $0x2;
	[sflag:s14] =	ssyncadd.s32 $0xFFFFC000  }
0x49: {  	[tilespmem:s16], [sflag:$0x1] =	stream.indirect.gather [hbm4b:s4+s15], $0x80, s18, s15, $0xb8;
	[tilespmem:$0x1F000] =	vst v63  }
0x4a: {  	_ =	swait.ge [sflag:s17], $0x4000  }
0x4b: {  	[sflag:s17] =	ssyncset.done $0x0  }
.Ltmp4:
0x4c: {  	s18 =	sadd.s32 $0x3800, s18;
	[sflag:s17] =	ssyncadd.s32 $0xFFFFC000;
	(pc) =	sbr.rel .LBB2_8-.Ltmp4, $4  }
0x4d: {  	[spmem:s2] =	stream.indirect.scatter.add.f32 [tilespmem:s16], [sflag:$0x2], $0x80, s18, s15, $0xb8;
	[tilespmem:$0x1F000] =	vst v63  }
0x4e: {  	_ =	swait.ge [sflag:s14], $0x4000  }
0x4f: {  	[sflag:s14] =	ssyncset.done $0x0  }
0x50: {  	[sflag:s14] =	ssyncadd.s32 $0xFFFFC000  }
.LBB2_5:
0x51: {  	[tilespmem:s16], [sflag:$0x1] =	stream.indirect.gather [hbm4b:s4+s15], $0x80, s18, s15, $0xb8;
	[tilespmem:$0x1F000] =	vst v63  }
0x52: {  	_ =	swait.ge [sflag:s17], $0x4000  }
0x53: {  	[sflag:s17] =	ssyncset.done $0x0  }
0x54: {  	s31 =	simm.s32 $0x3800;
	[sflag:s17] =	ssyncadd.s32 $0xFFFFC000  }
0x55: {  	[spmem:s2] =	stream.indirect.scatter.add.f32 [tilespmem:s16], [sflag:$0x2], $0x80, s31, s15, $0xb8;
	[tilespmem:$0x1F000] =	vst v63  }
0x56: {  	_ =	swait.ge [sflag:s14], $0x4000  }
0x57: {  	s18 =	simm.s32 $0x200;
	s19 =	simm.s32 $0x400;
	[sflag:s14] =	ssyncset.done $0x0  }
.LBB2_6:
0x58: {  	s20 =	sshra.s32 s18, $0x2  }
0x59: {  	[sflag:s14] =	ssyncadd.s32 $0xFFFFC000;
	s18 =	smov.u32 s19;
	s21 =	sadd.s32 $0x200, s19  }
0x5a: {  	[tilespmem:s16], [sflag:$0x1] =	stream.indirect.gather [hbm4b:s4+s15], $0x80, s20, s15, $0xb8;
	[tilespmem:$0x1F000] =	vst v63  }
0x5b: {  	p1 =	sne.s32 s19, $0x5A00;
	_ =	swait.ge [sflag:s17], $0x4000  }
.Ltmp5:
0x5c: {  	[sflag:s17] =	ssyncset.done $0x0;
	(pc) =	sbr.rel @p1 .LBB2_6-.Ltmp5, $4  }
0x5d: {  	s19 =	sadd.s32 $0x3800, s20;
	[sflag:s17] =	ssyncadd.s32 $0xFFFFC000  }
0x5e: {  	[spmem:s2] =	stream.indirect.scatter.add.f32 [tilespmem:s16], [sflag:$0x2], $0x80, s19, s15, $0xb8;
	[tilespmem:$0x1F000] =	vst v63  }
0x5f: {  	_ =	swait.ge [sflag:s14], $0x4000  }
0x60: {  	s19 =	smov.u32 s21;
	[sflag:s14] =	ssyncset.done $0x0  }
.Ltmp6:
0x61: {  	_ = 	snop;
	(pc) =	sbr.rel .LBB2_7-.Ltmp6, $1  }
0x62: {  	_ =	sdelay $0x3  }
.LBB2_9:
0x63: {  	_ =	sfence.sel $0x180000  }
0x64: {  	[bflag:$0x0] =	sbarrier.arrive $0xFFFF  }
0x65: {  	p0 =	sne.s32 s1, $0x0;
	_ =	strace $0x90000047  }
0x66: {  	s0 =	sadd.s32 @!p0 $0x100000, s0;
	[bflag:$0x2] =	sbarrier.arrive $0xFFFF  }
0x67: {  	[sflag:s0] =	ssyncadd.tile.s32 @!p0 $0x1;
	_ =	shalt  }
.Lfunc_end2:
_tile_overlayer_lowered:
.L_overlay_start_2:
0x68: {  	(tag) =	ssettag $0x2  }
0x69: {  	s0 =	rddreg [dreg:$0x0];
	s2 =	stileid.u32  }
0x6a: {  	s1 =	rddreg [dreg:$0x1];
	p0 =	sne.s32 s2, $0x0  }
0x6b: {  	s3 =	rddreg [dreg:$0x2];
	[bflag:$0x3] =	sbarrier.arrive $0xFFFF;
	s2 =	simm.s32 @!p0 $0x1C02  }
0x6c: {  	[timem:s3], [sflag:s2] =	dma.local @!p0 [hbm:s0], s1  }
0x6d: {  	s0 =	simm.s32 @!p0 $0x2  }
0x6e: {  	_ =	swait.ge @!p0 [sflag:s0], s1  }
0x6f: {  	s1 =	ssub.s32 @!p0 $0x0, s1;
	[sflag:s0] =	ssyncset.done @!p0 $0x0  }
0x70: {  	[sflag:s0] =	ssyncadd.s32 @!p0 s1  }
0x71: {  	[bflag:$0x3] =	sbarrier.arrive $0xFFFF  }
0x72: {  	_ =	shalt  }

// kernel: kernel.15.cloned.1.call-start
scs
__scs_entry_jumppad:
0x0: {  	(pc) =	sbr.rel $0x88, $3  }
0x1: {  	(tag) =	ssettag $0x0;
	lr =	simm.s32 $0x1  }
0x2: {  	[smem:$0x3F95] =	sst lr;
	_ =	strace $0xD0000000  }
0x3: {  	_ = 	snop  }
0x4: {  	_ = 	snop  }
0x5: {  	_ = 	snop  }
0x6: {  	_ = 	snop  }
0x7: {  	_ = 	snop  }
__scs_overlays_trampoline_lowered:
0x8: {  	[smem:$0x3FA4] =	sst s0  }
0x9: {  	[smem:$0x3FA5] =	sst s1  }
0xa: {  	[smem:$0x3FA6] =	sst s2  }
0xb: {  	[smem:$0x3FA7] =	sst s3  }
0xc: {  	[smem:$0x3FA8] =	sst s4  }
0xd: {  	[smem:$0x3FA9] =	sst s5  }
0xe: {  	[smem:$0x3FAA] =	sst s6  }
0xf: {  	[smem:$0x3FAB] =	sst s7  }
0x10: {  	[smem:$0x3FAC] =	sst s8  }
0x11: {  	[smem:$0x3FAD] =	sst s9;
	s0 =	simm.s32 @!p0 $0x0  }
0x12: {  	s1 =	sld [smem:$0x3F93];
	s0 =	simm.s32 @p0 $0x1  }
0x13: {  	[smem:$0x3FAE] =	sst s0;
	s0 =	simm.s32 @!p1 $0x0  }
0x14: {  	s2 =	sld [smem:$0x3F92];
	s0 =	simm.s32 @p1 $0x1  }
0x15: {  	[smem:$0x3FAF] =	sst s0;
	s0 =	simm.s32 @!p2 $0x0  }
0x16: {  	s3 =	sld [smem:$0x3FDB];
	s0 =	simm.s32 @p2 $0x1  }
0x17: {  	s4 =	simm.s32 $0x1BF5;
	[smem:$0x3FB1] =	sst s0  }
0x18: {  	s0 =	sld [smem:$0x3F94];
	_ =	swait.ge [sflag:s4], $0x0  }
0x19: {  	s7 =	sld [smem:$0x3F95]  }
0x1a: {  	s8 =	sadd.s32 $0xFFFFE003, lr  }
0x1b: {  	s9 =	sadd.s32 $0xFFFFFEF7, lr;
	s5 =	simm.s32 $0xFFFFFFFF;
	p2 =	slt.u32 s8, $0xFFFFF086  }
0x1c: {  	p1 =	slt.u32 s9, $0xF7A;
	s5 =	simm.s32 @!p2 $0x0  }
0x1d: {  	s5 =	simm.s32 @p1 $0x1;
	p0 =	seq.s32 s7, s2  }
0x1e: {  	s7 =	smul.u32 @!p0 $0xF7A, s2;
	p2 =	seq.s32 @!p0 s5, $0x0  }
0x1f: {  	s9 =	smul.u32 $0xF7A, s1;
	s8 =	simm.s32 @!p0 $0x1BF5;
	p2 =	por !p2, p0  }
0x20: {  	[sflag:s8] =	ssyncset.s32 @!p0 $0xFFFFF086;
	s6 =	sadd.s32 @!p0 s3, s7;
	s7 =	simm.s32 @!p0 $0x108  }
0x21: {  	s3 =	sadd.s32 s3, s9;
	s6 =	sadd.s32 @!p0 $0x88, s6;
	s7 =	simm.s32 @p2 $0x1082  }
0x22: {  	[simem:s7], [sflag:s8] =	dma.local @!p0 [hbm:s6], $0xF7A  }
0x23: {  	s9 =	sor.u32 $0xD0000000, s2;
	s6 =	simm.s32 $0x108;
	_ =	swait.ge @!p0 [sflag:s8], $0x0  }
0x24: {  	s3 =	sadd.s32 $0x88, s3;
	s6 =	simm.s32 @!p1 $0x1082;
	[sflag:s4] =	ssyncset.s32 $0xFFFFF086  }
0x25: {  	[simem:s6], [sflag:s4] =	dma.local [hbm:s3], $0xF7A  }
0x26: {  	[smem:$0x3F95] =	sst s1;
	(tag) =	ssettag s2;
	_ =	strace s9  }
0x27: {  	s1 =	sld [smem:$0x3FA5]  }
0x28: {  	s2 =	sld [smem:$0x3FA6]  }
0x29: {  	s4 =	sld [smem:$0x3FA8]  }
0x2a: {  	p0 =	seq.s32 s5, $0x0;
	s5 =	sld [smem:$0x3FA9]  }
0x2b: {  	s6 =	sld [smem:$0x3FAA]  }
0x2c: {  	s7 =	sld [smem:$0x3FAB]  }
0x2d: {  	s3 =	simm.s32 $0x108;
	s8 =	sld [smem:$0x3FAC]  }
0x2e: {  	s3 =	simm.s32 @!p0 $0x1082;
	s9 =	sld [smem:$0x3FAD]  }
0x2f: {  	lr =	sadd.s32 s0, s3;
	s0 =	sld [smem:$0x3FA4]  }
0x30: {  	s3 =	sld [smem:$0x3FA7]  }
0x31: {  	[smem:$0x3FB0] =	sst s10  }
0x32: {  	s10 =	sld [smem:$0x3FAE];
	_ =	sdelay $0x3  }
0x33: {  	p0 =	seq.s32 s10, $0x1;
	s10 =	sld [smem:$0x3FB0];
	_ =	sdelay $0x3  }
0x34: {  	[smem:$0x3FB0] =	sst s10  }
0x35: {  	s10 =	sld [smem:$0x3FAF];
	_ =	sdelay $0x3  }
0x36: {  	p1 =	seq.s32 s10, $0x1;
	s10 =	sld [smem:$0x3FB0];
	_ =	sdelay $0x3  }
0x37: {  	[smem:$0x3FB0] =	sst s10  }
0x38: {  	s10 =	sld [smem:$0x3FB1]  }
0x39: {  	_ = 	snop;
	(pc) =	sbr.ind lr, $3  }
0x3a: {  	_ = 	snop  }
0x3b: {  	_ = 	snop  }
0x3c: {  	p2 =	seq.s32 s10, $0x1;
	s10 =	sld [smem:$0x3FB0]  }
0x3d: {  	_ =	shalt  }
0x3e: {  	_ =	shalt  }
0x3f: {  	_ =	shalt  }
0x40: {  	_ =	shalt  }
0x41: {  	_ =	shalt  }
0x42: {  	_ =	shalt  }
0x43: {  	_ =	shalt  }
0x44: {  	_ =	shalt  }
0x45: {  	_ =	shalt  }
0x46: {  	_ =	shalt  }
0x47: {  	_ =	shalt  }
0x48: {  	_ =	shalt  }
0x49: {  	_ =	shalt  }
0x4a: {  	_ =	shalt  }
0x4b: {  	_ =	shalt  }
0x4c: {  	_ =	shalt  }
0x4d: {  	_ =	shalt  }
0x4e: {  	_ =	shalt  }
0x4f: {  	_ =	shalt  }
0x50: {  	_ =	shalt  }
0x51: {  	_ =	shalt  }
0x52: {  	_ =	shalt  }
0x53: {  	_ =	shalt  }
0x54: {  	_ =	shalt  }
0x55: {  	_ =	shalt  }
0x56: {  	_ =	shalt  }
0x57: {  	_ =	shalt  }
0x58: {  	_ =	shalt  }
0x59: {  	_ =	shalt  }
0x5a: {  	_ =	shalt  }
0x5b: {  	_ =	shalt  }
0x5c: {  	_ =	shalt  }
0x5d: {  	_ =	shalt  }
0x5e: {  	_ =	shalt  }
0x5f: {  	_ =	shalt  }
0x60: {  	_ =	shalt  }
0x61: {  	_ =	shalt  }
0x62: {  	_ =	shalt  }
0x63: {  	_ =	shalt  }
0x64: {  	_ =	shalt  }
0x65: {  	_ =	shalt  }
0x66: {  	_ =	shalt  }
0x67: {  	_ =	shalt  }
0x68: {  	_ =	shalt  }
0x69: {  	_ =	shalt  }
0x6a: {  	_ =	shalt  }
0x6b: {  	_ =	shalt  }
0x6c: {  	_ =	shalt  }
0x6d: {  	_ =	shalt  }
0x6e: {  	_ =	shalt  }
0x6f: {  	_ =	shalt  }
0x70: {  	_ =	shalt  }
0x71: {  	_ =	shalt  }
0x72: {  	_ =	shalt  }
0x73: {  	_ =	shalt  }
0x74: {  	_ =	shalt  }
0x75: {  	_ =	shalt  }
0x76: {  	_ =	shalt  }
0x77: {  	_ =	shalt  }
0x78: {  	_ =	shalt  }
0x79: {  	_ =	shalt  }
0x7a: {  	_ =	shalt  }
0x7b: {  	_ =	shalt  }
0x7c: {  	_ =	shalt  }
0x7d: {  	_ =	shalt  }
0x7e: {  	_ =	shalt  }
0x7f: {  	_ =	shalt  }
0x80: {  	_ =	shalt  }
0x81: {  	_ =	shalt  }
0x82: {  	_ =	shalt  }
0x83: {  	_ =	shalt  }
0x84: {  	_ =	shalt  }
0x85: {  	_ =	shalt  }
0x86: {  	_ =	shalt  }
0x87: {  	_ =	shalt  }
.Lfunc_end0:
.L_simem_size_0:
called_computation.1_lowered:
.L_overlay_start_0:
0x88: {  	s2 =	sld [smem:$0x3FD9]  }
0x89: {  	s3 =	sld [smem:$0x3FFE];
	_ =	sdelay $0x1  }
0x8a: {  	s1 =	srdreg.scid  }
0x8b: {  	s0 =	sand.u32 $0x1, s1  }
0x8c: {  	s17 =	sshll.u32 s0, $0xA;
	s2 =	sadd.s32 s3, s2  }
0x8d: {  	s2 =	sadd.s32 s2, s17  }
0x8e: {  	[smem:$0x3FBC] =	sst s2  }
0x8f: {  	_ = 	snop  }
0x90: {  	s2 =	sld [smem:$0x3FD0];
	(tm) =	ssettm $0x1  }
0x91: {  	s18 =	sld [smem:$0x3FFB];
	_ =	sdelay $0x3  }
0x92: {  	_ =	strace s18  }
0x93: {  	s3 =	sld [smem:$0x3FFC];
	_ =	sdelay $0x3  }
0x94: {  	_ =	strace s3  }
0x95: {  	s3 =	sld [smem:$0x3FFD];
	_ =	sdelay $0x3  }
0x96: {  	_ =	strace s3  }
0x97: {  	_ =	strace $0x8FFFFFFF  }
0x98: {  	s19 =	sld [smem:$0x3FDB];
	_ =	sdelay $0x1  }
0x99: {  	s4 =	simm.s32 $_scs_section_size  }
0x9a: {  	s5 =	simm.s32 $_size__tile_overlayer_lowered;
	s6 =	simm.s32 $_tile_overlayer_lowered  }
0x9b: {  	s22 =	simm.s32 $0x1BFF;
	s21 =	sshll.u32 s6, $0x1;
	s3 =	sadd.s32 s4, s19  }
0x9c: {  	s7 =	simm.s32 $0x0;
	s20 =	sshll.u32 s5, $0x1;
	s5 =	sadd.s32 s21, s3  }
0x9d: {  	[timem:s7], [sflag:s22] =	dma.local [hbm:s5], s20  }
0x9e: {  	_ =	swait.ge [sflag:s22], s20  }
0x9f: {  	s4 =	ssub.s32 $0x0, s20;
	[sflag:s22] =	ssyncset.done $0x0  }
0xa0: {  	[sflag:s22] =	ssyncadd.s32 s4;
	_ =	sdelay $0x1  }
0xa1: {  	s23 =	simm.s32 $0x1B8B  }
0xa2: {  	_ =	swait.ge [sflag:s23], $0x1  }
0xa3: {  	[sflag:s23] =	ssyncset.done $0x0  }
0xa4: {  	s25 =	simm.s32 $0x1B8E;
	s24 =	sld [smem:$0x3FFE];
	[sflag:s23] =	ssyncadd.s32 $0xFFFFFFFF  }
0xa5: {  	s26 =	simm.s32 $execute0_lowered;
	[smem:$0x3FD2] =	sst s25  }
0xa6: {  	s5 =	sshll.u32 s26, $0x1;
	_ =	strace $0x80000049;
	[dreg:$0x1] =	wrdreg $0xFFFFFFFF  }
0xa7: {  	s28 =	simm.s32 $_size_execute0_lowered;
	s3 =	sadd.s32 s3, s5;
	[dreg:$0x0] =	wrdreg $0x0  }
0xa8: {  	s5 =	sshll.u32 s28, $0x1;
	[dreg:$0x2] =	wrdreg s3  }
0xa9: {  	[dreg:$0x3] =	wrdreg s5  }
0xaa: {  	[dreg:$0x4] =	wrdreg $0xC0  }
0xab: {  	_ =	task [dreg:s7], $0x5FFFF  }
0xac: {  	[dreg:$0x1] =	wrdreg $0xFFFFFFFF  }
0xad: {  	[dreg:$0x0] =	wrdreg $0x60  }
0xae: {  	[dreg:$0x2] =	wrdreg s24  }
0xaf: {  	[dreg:$0x3] =	wrdreg s2  }
0xb0: {  	[dreg:$0x4] =	wrdreg $0xB0000  }
0xb1: {  	[dreg:$0x5] =	wrdreg $0x9  }
0xb2: {  	_ =	task.clear_ibuf [dreg:s7], $0x6FFFF;
	_ =	strace $0x90000049  }
0xb3: {  	s29 =	simm.s32 $0x9;
	_ =	strace $0x8000004B  }
0xb4: {  	_ =	swait.ge [sflag:s29], $0x1  }
0xb5: {  	[sflag:s29] =	ssyncadd.s32 $0xFFFFFFFF  }
0xb6: {  	_ =	strace $0x9000004B  }
0xb7: {  	_ =	sfence  }
0xb8: {  	s30 =	sld [smem:$0x0];
	_ =	sdelay $0x2  }
0xb9: {  	s31 =	sshll.u32 s1, $0xD;
	s1 =	sshrl.u32 s1, $0x2  }
0xba: {  	s3 =	sand.u32 $0x4000, s31;
	s1 =	sadd.s32 s1, s30  }
0xbb: {  	s0 =	sor.u32 s3, s0;
	s1 =	sshll.u32 s1, $0x11  }
0xbc: {  	s0 =	sor.u32 s1, s0  }
0xbd: {  	s0 =	sadd.s32 $0x8F2B, s0  }
0xbe: {  	[sflag:s0] =	ssyncadd.remote.s32 $0x1  }
0xbf: {  	_ =	sfence.sel $0xFFFF  }
0xc0: {  	[dreg:$0x0] =	wrdreg $0xFFFFFFFF;
	(pc) =	sbr.abs _section_cstart, $3  }
0xc1: {  	[dreg:$0x1] =	wrdreg $0xFFFFFFFF  }
0xc2: {  	_ =	task.clear_ibuf [dreg:s7], $0x2FFFF;
	_ =	strace $0x9FFFFFFF  }
0xc3: {  	(tm) =	ssettm $0x7FFFFFFF  }
tec
execute0_lowered:
.L_overlay_start_1:
0x0: {  	(tag) =	ssettag $0x1  }
0x1: {  	s6 =	rddreg [dreg:$0x0]  }
0x2: {  	s9 =	rddreg [dreg:$0x1]  }
0x3: {  	s2 =	rddreg [dreg:$0x2];
	s1 =	stileid.u32  }
0x4: {  	s0 =	rddreg [dreg:$0x3];
	s10 =	smul.u32 $0x700, s1  }
0x5: {  	s4 =	srdreg.scid;
	s3 =	simm.s32 $0x0;
	s5 =	smul.u32 $0x300, s1  }
0x6: {  	s17 =	simm.s32 $0x1;
	s12 =	sand.u32 $0x1, s4;
	s8 =	smul.u32 $0x14000, s1  }
0x7: {  	[smem:$0x7FF] =	sst s3;
	s4 =	sadd.s32 $0x13600, s6;
	s15 =	smul.u32 $0x50000, s1  }
0x8: {  	s31 =	sshll.u32 s1, $0x6;
	s7 =	smul.u32 $0x140000, s12;
	_ =	strace $0x8000004A  }
0x9: {  	s28 =	ssub.s32 $0x2, s12;
	p0 =	sne.s32 s12, $0x0;
	s12 =	sor.u32 $0x1C02, s31  }
0xa: {  	s11 =	sadd.s32 s10, s6;
	s13 =	sadd.s32 s5, s6;
	s5 =	sadd.s32 $0x10E00, s6  }
0xb: {  	s14 =	sshrl.u32 s28, $0x1;
	s29 =	sshrl.u32 s15, $0x2;
	s9 =	sadd.s32 s9, s10  }
.Ltmp0:
0xc: {  	s15 =	simm.s32 $0x80;
	s7 =	sadd.s32 s8, s7;
	(pc) =	sbr.rel .LBB2_1-.Ltmp0, $4  }
0xd: {  	s14 =	ssub.s32 s28, s14;
	s8 =	sadd.s32 $0x3E00, s11;
	s30 =	sadd.s32 s29, s2  }
0xe: {  	s7 =	sshrl.u32 s7, $0x3;
	s11 =	smax.u32 s14, $0x1;
	s14 =	simm.s32 $0x2  }
0xf: {  	s16 =	sadd.s32 s7, s6;
	s6 =	sadd.s32 $0xAE00, s13;
	s7 =	sadd.s32 $0xDE00, s13  }
0x10: {  	s13 =	sshrl.u32 s30, $0x3;
	s10 =	sadd.s32 $0x3B600, s16;
	s16 =	simm.s32 $0x7000  }
.LBB2_7:
0x11: {  	s18 =	sshra.s32 s18, $0x2;
	[sflag:s14] =	ssyncadd.s32 $0xFFFFC000  }
0x12: {  	[tilespmem:s16], [sflag:$0x1] =	stream.indirect.gather [hbm4b:s4+s15], $0x80, s18, s15, $0xb8;
	[tilespmem:$0x1F000] =	vst v63  }
0x13: {  	_ =	swait.ge [sflag:s17], $0x4000  }
0x14: {  	[sflag:s17] =	ssyncset.done $0x0  }
0x15: {  	s18 =	sadd.s32 $0x3800, s18;
	[sflag:s17] =	ssyncadd.s32 $0xFFFFC000  }
0x16: {  	[spmem:s2] =	stream.indirect.scatter.add.f32 [tilespmem:s16], [sflag:$0x2], $0x80, s18, s15, $0xb8;
	[tilespmem:$0x1F000] =	vst v63  }
0x17: {  	_ =	swait.ge [sflag:s14], $0x4000  }
0x18: {  	[sflag:s14] =	ssyncset.done $0x0  }
0x19: {  	[sflag:s14] =	ssyncadd.s32 $0xFFFFC000  }
.LBB2_8:
0x1a: {  	s3 =	sadd.s32 $0x1, s3  }
0x1b: {  	p1 =	sne.s32 s3, s11  }
.Ltmp1:
0x1c: {  	[bflag:$0x0] =	sbarrier.arrive $0xFFFF;
	(pc) =	sbr.rel @!p1 .LBB2_9-.Ltmp1, $4  }
0x1d: {  	[hbm:s10], [sflag:s12] =	dma.local [spmem:s13], $0x2800  }
0x1e: {  	_ =	swait.ge [sflag:s14], $0x2800  }
0x1f: {  	[sflag:s14] =	ssyncset.done $0x0  }
0x20: {  	[sflag:s14] =	ssyncadd.s32 $0xFFFFD800  }
.LBB2_1:
0x21: {  	s18 =	simm.s32 @p0 $0x0;
	s19 =	simm.s32 @p0 $0x2  }
0x22: {  	[tilespmem:s18], [sflag:$0x2] =	stream.linear.gather @p0 [hbm4b:s6+s18], $0x1700, $0x38;
	[tilespmem:$0x1F000] =	vst v63  }
0x23: {  	_ =	swait.ge @p0 [sflag:s19], $0x1700  }
0x24: {  	[sflag:s19] =	ssyncset.done @p0 $0x0  }
0x25: {  	s20 =	simm.s32 @p0 $0x3800;
	[sflag:s19] =	ssyncadd.s32 @p0 $0xFFFFE900  }
0x26: {  	[tilespmem:s20], [sflag:$0x2] =	stream.linear.gather @p0 [hbm4b:s7+s18], $0x1700, $0x38;
	[tilespmem:$0x1F000] =	vst v63  }
0x27: {  	_ =	swait.ge @p0 [sflag:s19], $0x1700  }
0x28: {  	[sflag:s19] =	ssyncset.done @p0 $0x0  }
0x29: {  	s18 =	simm.s32 @!p0 $0x0;
	[sflag:s19] =	ssyncadd.s32 @p0 $0xFFFFE900;
	s19 =	simm.s32 @!p0 $0x2  }
0x2a: {  	[tilespmem:s18], [sflag:$0x2] =	stream.linear.gather @!p0 [hbm4b:s8+s18], $0x3800, $0x38;
	[tilespmem:$0x1F000] =	vst v63  }
0x2b: {  	_ =	swait.ge @!p0 [sflag:s19], $0x3800  }
0x2c: {  	[sflag:s19] =	ssyncset.done @!p0 $0x0  }
0x2d: {  	s20 =	simm.s32 @!p0 $0x3800;
	[sflag:s19] =	ssyncadd.s32 @!p0 $0xFFFFC800  }
0x2e: {  	[tilespmem:s20], [sflag:$0x2] =	stream.linear.gather @!p0 [hbm4b:s9+s18], $0x3800, $0x38;
	[tilespmem:$0x1F000] =	vst v63  }
0x2f: {  	_ =	swait.ge @!p0 [sflag:s19], $0x3800  }
0x30: {  	[sflag:s19] =	ssyncset.done @!p0 $0x0  }
0x31: {  	[sflag:s19] =	ssyncadd.s32 @!p0 $0xFFFFC800  }
0x32: {  	[spmem:s13], [sflag:s12] =	dma.local [hbm:s5], $0x2800  }
.Ltmp2:
0x33: {  	_ =	swait.ge [sflag:s14], $0x2800;
	(pc) =	sbr.rel @p0 .LBB2_5-.Ltmp2, $4  }
0x34: {  	[sflag:s14] =	ssyncset.done $0x0  }
0x35: {  	[sflag:s14] =	ssyncadd.s32 $0xFFFFD800  }
0x36: {  	[bflag:$0x0] =	sbarrier.arrive $0xFFFF  }
0x37: {  	s18 =	simm.s32 $0x0  }
0x38: {  	[tilespmem:s16], [sflag:$0x1] =	stream.indirect.gather [hbm4b:s4+s15], $0x80, s18, s15, $0xb8;
	[tilespmem:$0x1F000] =	vst v63  }
0x39: {  	_ =	swait.ge [sflag:s17], $0x4000  }
0x3a: {  	[sflag:s17] =	ssyncset.done $0x0  }
0x3b: {  	s31 =	simm.s32 $0x3800;
	[sflag:s17] =	ssyncadd.s32 $0xFFFFC000  }
0x3c: {  	[spmem:s2] =	stream.indirect.scatter.add.f32 [tilespmem:s16], [sflag:$0x2], $0x80, s31, s15, $0xb8;
	[tilespmem:$0x1F000] =	vst v63  }
0x3d: {  	_ =	swait.ge [sflag:s14], $0x4000  }
0x3e: {  	s18 =	simm.s32 $0x200;
	s19 =	simm.s32 $0x400;
	[sflag:s14] =	ssyncset.done $0x0  }
.LBB2_3:
0x3f: {  	s20 =	sshra.s32 s18, $0x2  }
0x40: {  	[sflag:s14] =	ssyncadd.s32 $0xFFFFC000;
	s18 =	smov.u32 s19;
	s21 =	sadd.s32 $0x200, s19  }
0x41: {  	[tilespmem:s16], [sflag:$0x1] =	stream.indirect.gather [hbm4b:s4+s15], $0x80, s20, s15, $0xb8;
	[tilespmem:$0x1F000] =	vst v63  }
0x42: {  	p1 =	seq.s32 s19, $0xDE00;
	_ =	swait.ge [sflag:s17], $0x4000  }
.Ltmp3:
0x43: {  	[sflag:s17] =	ssyncset.done $0x0;
	(pc) =	sbr.rel @!p1 .LBB2_3-.Ltmp3, $4  }
0x44: {  	s19 =	sadd.s32 $0x3800, s20;
	[sflag:s17] =	ssyncadd.s32 $0xFFFFC000  }
0x45: {  	[spmem:s2] =	stream.indirect.scatter.add.f32 [tilespmem:s16], [sflag:$0x2], $0x80, s19, s15, $0xb8;
	[tilespmem:$0x1F000] =	vst v63  }
0x46: {  	_ =	swait.ge [sflag:s14], $0x4000  }
0x47: {  	s19 =	smov.u32 s21;
	[sflag:s14] =	ssyncset.done $0x0  }
0x48: {  	s18 =	sshra.s32 s18, $0x2;
	[sflag:s14] =	ssyncadd.s32 $0xFFFFC000  }
0x49: {  	[tilespmem:s16], [sflag:$0x1] =	stream.indirect.gather [hbm4b:s4+s15], $0x80, s18, s15, $0xb8;
	[tilespmem:$0x1F000] =	vst v63  }
0x4a: {  	_ =	swait.ge [sflag:s17], $0x4000  }
0x4b: {  	[sflag:s17] =	ssyncset.done $0x0  }
.Ltmp4:
0x4c: {  	s18 =	sadd.s32 $0x3800, s18;
	[sflag:s17] =	ssyncadd.s32 $0xFFFFC000;
	(pc) =	sbr.rel .LBB2_8-.Ltmp4, $4  }
0x4d: {  	[spmem:s2] =	stream.indirect.scatter.add.f32 [tilespmem:s16], [sflag:$0x2], $0x80, s18, s15, $0xb8;
	[tilespmem:$0x1F000] =	vst v63  }
0x4e: {  	_ =	swait.ge [sflag:s14], $0x4000  }
0x4f: {  	[sflag:s14] =	ssyncset.done $0x0  }
0x50: {  	[sflag:s14] =	ssyncadd.s32 $0xFFFFC000  }
.LBB2_5:
0x51: {  	[tilespmem:s16], [sflag:$0x1] =	stream.indirect.gather [hbm4b:s4+s15], $0x80, s18, s15, $0xb8;
	[tilespmem:$0x1F000] =	vst v63  }
0x52: {  	_ =	swait.ge [sflag:s17], $0x4000  }
0x53: {  	[sflag:s17] =	ssyncset.done $0x0  }
0x54: {  	s31 =	simm.s32 $0x3800;
	[sflag:s17] =	ssyncadd.s32 $0xFFFFC000  }
0x55: {  	[spmem:s2] =	stream.indirect.scatter.add.f32 [tilespmem:s16], [sflag:$0x2], $0x80, s31, s15, $0xb8;
	[tilespmem:$0x1F000] =	vst v63  }
0x56: {  	_ =	swait.ge [sflag:s14], $0x4000  }
0x57: {  	s18 =	simm.s32 $0x200;
	s19 =	simm.s32 $0x400;
	[sflag:s14] =	ssyncset.done $0x0  }
.LBB2_6:
0x58: {  	s20 =	sshra.s32 s18, $0x2  }
0x59: {  	[sflag:s14] =	ssyncadd.s32 $0xFFFFC000;
	s18 =	smov.u32 s19;
	s21 =	sadd.s32 $0x200, s19  }
0x5a: {  	[tilespmem:s16], [sflag:$0x1] =	stream.indirect.gather [hbm4b:s4+s15], $0x80, s20, s15, $0xb8;
	[tilespmem:$0x1F000] =	vst v63  }
0x5b: {  	p1 =	sne.s32 s19, $0x5A00;
	_ =	swait.ge [sflag:s17], $0x4000  }
.Ltmp5:
0x5c: {  	[sflag:s17] =	ssyncset.done $0x0;
	(pc) =	sbr.rel @p1 .LBB2_6-.Ltmp5, $4  }
0x5d: {  	s19 =	sadd.s32 $0x3800, s20;
	[sflag:s17] =	ssyncadd.s32 $0xFFFFC000  }
0x5e: {  	[spmem:s2] =	stream.indirect.scatter.add.f32 [tilespmem:s16], [sflag:$0x2], $0x80, s19, s15, $0xb8;
	[tilespmem:$0x1F000] =	vst v63  }
0x5f: {  	_ =	swait.ge [sflag:s14], $0x4000  }
0x60: {  	s19 =	smov.u32 s21;
	[sflag:s14] =	ssyncset.done $0x0  }
.Ltmp6:
0x61: {  	_ = 	snop;
	(pc) =	sbr.rel .LBB2_7-.Ltmp6, $1  }
0x62: {  	_ =	sdelay $0x3  }
.LBB2_9:
0x63: {  	_ =	sfence.sel $0x180000  }
0x64: {  	[bflag:$0x0] =	sbarrier.arrive $0xFFFF  }
0x65: {  	p0 =	sne.s32 s1, $0x0;
	_ =	strace $0x9000004A  }
0x66: {  	s0 =	sadd.s32 @!p0 $0x100000, s0;
	[bflag:$0x2] =	sbarrier.arrive $0xFFFF  }
0x67: {  	[sflag:s0] =	ssyncadd.tile.s32 @!p0 $0x1;
	_ =	shalt  }
.Lfunc_end2:
_tile_overlayer_lowered:
.L_overlay_start_2:
0x68: {  	(tag) =	ssettag $0x2  }
0x69: {  	s0 =	rddreg [dreg:$0x0];
	s2 =	stileid.u32  }
0x6a: {  	s1 =	rddreg [dreg:$0x1];
	p0 =	sne.s32 s2, $0x0  }
0x6b: {  	s3 =	rddreg [dreg:$0x2];
	[bflag:$0x3] =	sbarrier.arrive $0xFFFF;
	s2 =	simm.s32 @!p0 $0x1C02  }
0x6c: {  	[timem:s3], [sflag:s2] =	dma.local @!p0 [hbm:s0], s1  }
0x6d: {  	s0 =	simm.s32 @!p0 $0x2  }
0x6e: {  	_ =	swait.ge @!p0 [sflag:s0], s1  }
0x6f: {  	s1 =	ssub.s32 @!p0 $0x0, s1;
	[sflag:s0] =	ssyncset.done @!p0 $0x0  }
0x70: {  	[sflag:s0] =	ssyncadd.s32 @!p0 s1  }
0x71: {  	[bflag:$0x3] =	sbarrier.arrive $0xFFFF  }
0x72: {  	_ =	shalt  }

// kernel: kernel.18.cloned.1.call-start
scs
__scs_entry_jumppad:
0x0: {  	(pc) =	sbr.rel $0x88, $3  }
0x1: {  	(tag) =	ssettag $0x0;
	lr =	simm.s32 $0x1  }
0x2: {  	[smem:$0x3F95] =	sst lr;
	_ =	strace $0xD0000000  }
0x3: {  	_ = 	snop  }
0x4: {  	_ = 	snop  }
0x5: {  	_ = 	snop  }
0x6: {  	_ = 	snop  }
0x7: {  	_ = 	snop  }
__scs_overlays_trampoline_lowered:
0x8: {  	[smem:$0x3FA4] =	sst s0  }
0x9: {  	[smem:$0x3FA5] =	sst s1  }
0xa: {  	[smem:$0x3FA6] =	sst s2  }
0xb: {  	[smem:$0x3FA7] =	sst s3  }
0xc: {  	[smem:$0x3FA8] =	sst s4  }
0xd: {  	[smem:$0x3FA9] =	sst s5  }
0xe: {  	[smem:$0x3FAA] =	sst s6  }
0xf: {  	[smem:$0x3FAB] =	sst s7  }
0x10: {  	[smem:$0x3FAC] =	sst s8  }
0x11: {  	[smem:$0x3FAD] =	sst s9;
	s0 =	simm.s32 @!p0 $0x0  }
0x12: {  	s1 =	sld [smem:$0x3F93];
	s0 =	simm.s32 @p0 $0x1  }
0x13: {  	[smem:$0x3FAE] =	sst s0;
	s0 =	simm.s32 @!p1 $0x0  }
0x14: {  	s2 =	sld [smem:$0x3F92];
	s0 =	simm.s32 @p1 $0x1  }
0x15: {  	[smem:$0x3FAF] =	sst s0;
	s0 =	simm.s32 @!p2 $0x0  }
0x16: {  	s3 =	sld [smem:$0x3FDB];
	s0 =	simm.s32 @p2 $0x1  }
0x17: {  	s4 =	simm.s32 $0x1BF5;
	[smem:$0x3FB1] =	sst s0  }
0x18: {  	s0 =	sld [smem:$0x3F94];
	_ =	swait.ge [sflag:s4], $0x0  }
0x19: {  	s7 =	sld [smem:$0x3F95]  }
0x1a: {  	s8 =	sadd.s32 $0xFFFFE003, lr  }
0x1b: {  	s9 =	sadd.s32 $0xFFFFFEF7, lr;
	s5 =	simm.s32 $0xFFFFFFFF;
	p2 =	slt.u32 s8, $0xFFFFF086  }
0x1c: {  	p1 =	slt.u32 s9, $0xF7A;
	s5 =	simm.s32 @!p2 $0x0  }
0x1d: {  	s5 =	simm.s32 @p1 $0x1;
	p0 =	seq.s32 s7, s2  }
0x1e: {  	s7 =	smul.u32 @!p0 $0xF7A, s2;
	p2 =	seq.s32 @!p0 s5, $0x0  }
0x1f: {  	s9 =	smul.u32 $0xF7A, s1;
	s8 =	simm.s32 @!p0 $0x1BF5;
	p2 =	por !p2, p0  }
0x20: {  	[sflag:s8] =	ssyncset.s32 @!p0 $0xFFFFF086;
	s6 =	sadd.s32 @!p0 s3, s7;
	s7 =	simm.s32 @!p0 $0x108  }
0x21: {  	s3 =	sadd.s32 s3, s9;
	s6 =	sadd.s32 @!p0 $0x88, s6;
	s7 =	simm.s32 @p2 $0x1082  }
0x22: {  	[simem:s7], [sflag:s8] =	dma.local @!p0 [hbm:s6], $0xF7A  }
0x23: {  	s9 =	sor.u32 $0xD0000000, s2;
	s6 =	simm.s32 $0x108;
	_ =	swait.ge @!p0 [sflag:s8], $0x0  }
0x24: {  	s3 =	sadd.s32 $0x88, s3;
	s6 =	simm.s32 @!p1 $0x1082;
	[sflag:s4] =	ssyncset.s32 $0xFFFFF086  }
0x25: {  	[simem:s6], [sflag:s4] =	dma.local [hbm:s3], $0xF7A  }
0x26: {  	[smem:$0x3F95] =	sst s1;
	(tag) =	ssettag s2;
	_ =	strace s9  }
0x27: {  	s1 =	sld [smem:$0x3FA5]  }
0x28: {  	s2 =	sld [smem:$0x3FA6]  }
0x29: {  	s4 =	sld [smem:$0x3FA8]  }
0x2a: {  	p0 =	seq.s32 s5, $0x0;
	s5 =	sld [smem:$0x3FA9]  }
0x2b: {  	s6 =	sld [smem:$0x3FAA]  }
0x2c: {  	s7 =	sld [smem:$0x3FAB]  }
0x2d: {  	s3 =	simm.s32 $0x108;
	s8 =	sld [smem:$0x3FAC]  }
0x2e: {  	s3 =	simm.s32 @!p0 $0x1082;
	s9 =	sld [smem:$0x3FAD]  }
0x2f: {  	lr =	sadd.s32 s0, s3;
	s0 =	sld [smem:$0x3FA4]  }
0x30: {  	s3 =	sld [smem:$0x3FA7]  }
0x31: {  	[smem:$0x3FB0] =	sst s10  }
0x32: {  	s10 =	sld [smem:$0x3FAE];
	_ =	sdelay $0x3  }
0x33: {  	p0 =	seq.s32 s10, $0x1;
	s10 =	sld [smem:$0x3FB0];
	_ =	sdelay $0x3  }
0x34: {  	[smem:$0x3FB0] =	sst s10  }
0x35: {  	s10 =	sld [smem:$0x3FAF];
	_ =	sdelay $0x3  }
0x36: {  	p1 =	seq.s32 s10, $0x1;
	s10 =	sld [smem:$0x3FB0];
	_ =	sdelay $0x3  }
0x37: {  	[smem:$0x3FB0] =	sst s10  }
0x38: {  	s10 =	sld [smem:$0x3FB1]  }
0x39: {  	_ = 	snop;
	(pc) =	sbr.ind lr, $3  }
0x3a: {  	_ = 	snop  }
0x3b: {  	_ = 	snop  }
0x3c: {  	p2 =	seq.s32 s10, $0x1;
	s10 =	sld [smem:$0x3FB0]  }
0x3d: {  	_ =	shalt  }
0x3e: {  	_ =	shalt  }
0x3f: {  	_ =	shalt  }
0x40: {  	_ =	shalt  }
0x41: {  	_ =	shalt  }
0x42: {  	_ =	shalt  }
0x43: {  	_ =	shalt  }
0x44: {  	_ =	shalt  }
0x45: {  	_ =	shalt  }
0x46: {  	_ =	shalt  }
0x47: {  	_ =	shalt  }
0x48: {  	_ =	shalt  }
0x49: {  	_ =	shalt  }
0x4a: {  	_ =	shalt  }
0x4b: {  	_ =	shalt  }
0x4c: {  	_ =	shalt  }
0x4d: {  	_ =	shalt  }
0x4e: {  	_ =	shalt  }
0x4f: {  	_ =	shalt  }
0x50: {  	_ =	shalt  }
0x51: {  	_ =	shalt  }
0x52: {  	_ =	shalt  }
0x53: {  	_ =	shalt  }
0x54: {  	_ =	shalt  }
0x55: {  	_ =	shalt  }
0x56: {  	_ =	shalt  }
0x57: {  	_ =	shalt  }
0x58: {  	_ =	shalt  }
0x59: {  	_ =	shalt  }
0x5a: {  	_ =	shalt  }
0x5b: {  	_ =	shalt  }
0x5c: {  	_ =	shalt  }
0x5d: {  	_ =	shalt  }
0x5e: {  	_ =	shalt  }
0x5f: {  	_ =	shalt  }
0x60: {  	_ =	shalt  }
0x61: {  	_ =	shalt  }
0x62: {  	_ =	shalt  }
0x63: {  	_ =	shalt  }
0x64: {  	_ =	shalt  }
0x65: {  	_ =	shalt  }
0x66: {  	_ =	shalt  }
0x67: {  	_ =	shalt  }
0x68: {  	_ =	shalt  }
0x69: {  	_ =	shalt  }
0x6a: {  	_ =	shalt  }
0x6b: {  	_ =	shalt  }
0x6c: {  	_ =	shalt  }
0x6d: {  	_ =	shalt  }
0x6e: {  	_ =	shalt  }
0x6f: {  	_ =	shalt  }
0x70: {  	_ =	shalt  }
0x71: {  	_ =	shalt  }
0x72: {  	_ =	shalt  }
0x73: {  	_ =	shalt  }
0x74: {  	_ =	shalt  }
0x75: {  	_ =	shalt  }
0x76: {  	_ =	shalt  }
0x77: {  	_ =	shalt  }
0x78: {  	_ =	shalt  }
0x79: {  	_ =	shalt  }
0x7a: {  	_ =	shalt  }
0x7b: {  	_ =	shalt  }
0x7c: {  	_ =	shalt  }
0x7d: {  	_ =	shalt  }
0x7e: {  	_ =	shalt  }
0x7f: {  	_ =	shalt  }
0x80: {  	_ =	shalt  }
0x81: {  	_ =	shalt  }
0x82: {  	_ =	shalt  }
0x83: {  	_ =	shalt  }
0x84: {  	_ =	shalt  }
0x85: {  	_ =	shalt  }
0x86: {  	_ =	shalt  }
0x87: {  	_ =	shalt  }
.Lfunc_end0:
.L_simem_size_0:
called_computation.2_lowered:
.L_overlay_start_0:
0x88: {  	s2 =	sld [smem:$0x3FD9]  }
0x89: {  	s3 =	sld [smem:$0x3FFE];
	_ =	sdelay $0x1  }
0x8a: {  	s1 =	srdreg.scid  }
0x8b: {  	s0 =	sand.u32 $0x1, s1  }
0x8c: {  	s17 =	sshll.u32 s0, $0xA;
	s2 =	sadd.s32 s3, s2  }
0x8d: {  	s2 =	sadd.s32 s2, s17  }
0x8e: {  	[smem:$0x3FBC] =	sst s2  }
0x8f: {  	_ = 	snop  }
0x90: {  	s2 =	sld [smem:$0x3FD0];
	(tm) =	ssettm $0x1  }
0x91: {  	s18 =	sld [smem:$0x3FFB];
	_ =	sdelay $0x3  }
0x92: {  	_ =	strace s18  }
0x93: {  	s3 =	sld [smem:$0x3FFC];
	_ =	sdelay $0x3  }
0x94: {  	_ =	strace s3  }
0x95: {  	s3 =	sld [smem:$0x3FFD];
	_ =	sdelay $0x3  }
0x96: {  	_ =	strace s3  }
0x97: {  	_ =	strace $0x8FFFFFFF  }
0x98: {  	s19 =	sld [smem:$0x3FDB];
	_ =	sdelay $0x1  }
0x99: {  	s4 =	simm.s32 $_scs_section_size  }
0x9a: {  	s5 =	simm.s32 $_size__tile_overlayer_lowered;
	s6 =	simm.s32 $_tile_overlayer_lowered  }
0x9b: {  	s22 =	simm.s32 $0x1BFF;
	s21 =	sshll.u32 s6, $0x1;
	s3 =	sadd.s32 s4, s19  }
0x9c: {  	s7 =	simm.s32 $0x0;
	s20 =	sshll.u32 s5, $0x1;
	s5 =	sadd.s32 s21, s3  }
0x9d: {  	[timem:s7], [sflag:s22] =	dma.local [hbm:s5], s20  }
0x9e: {  	_ =	swait.ge [sflag:s22], s20  }
0x9f: {  	s4 =	ssub.s32 $0x0, s20;
	[sflag:s22] =	ssyncset.done $0x0  }
0xa0: {  	[sflag:s22] =	ssyncadd.s32 s4;
	_ =	sdelay $0x1  }
0xa1: {  	s23 =	simm.s32 $0x1B8B  }
0xa2: {  	_ =	swait.ge [sflag:s23], $0x1  }
0xa3: {  	[sflag:s23] =	ssyncset.done $0x0  }
0xa4: {  	s25 =	simm.s32 $0x1B8E;
	s24 =	sld [smem:$0x3FFE];
	[sflag:s23] =	ssyncadd.s32 $0xFFFFFFFF  }
0xa5: {  	s26 =	simm.s32 $execute0_lowered;
	[smem:$0x3FD2] =	sst s25  }
0xa6: {  	s5 =	sshll.u32 s26, $0x1;
	_ =	strace $0x8000004C;
	[dreg:$0x1] =	wrdreg $0xFFFFFFFF  }
0xa7: {  	s28 =	simm.s32 $_size_execute0_lowered;
	s3 =	sadd.s32 s3, s5;
	[dreg:$0x0] =	wrdreg $0x0  }
0xa8: {  	s5 =	sshll.u32 s28, $0x1;
	[dreg:$0x2] =	wrdreg s3  }
0xa9: {  	[dreg:$0x3] =	wrdreg s5  }
0xaa: {  	[dreg:$0x4] =	wrdreg $0xC0  }
0xab: {  	_ =	task [dreg:s7], $0x5FFFF  }
0xac: {  	[dreg:$0x1] =	wrdreg $0xFFFFFFFF  }
0xad: {  	[dreg:$0x0] =	wrdreg $0x60  }
0xae: {  	[dreg:$0x2] =	wrdreg s24  }
0xaf: {  	[dreg:$0x3] =	wrdreg s2  }
0xb0: {  	[dreg:$0x4] =	wrdreg $0xB0000  }
0xb1: {  	[dreg:$0x5] =	wrdreg $0x9  }
0xb2: {  	_ =	task.clear_ibuf [dreg:s7], $0x6FFFF;
	_ =	strace $0x9000004C  }
0xb3: {  	s29 =	simm.s32 $0x9;
	_ =	strace $0x8000004E  }
0xb4: {  	_ =	swait.ge [sflag:s29], $0x1  }
0xb5: {  	[sflag:s29] =	ssyncadd.s32 $0xFFFFFFFF  }
0xb6: {  	_ =	strace $0x9000004E  }
0xb7: {  	_ =	sfence  }
0xb8: {  	s30 =	sld [smem:$0x0];
	_ =	sdelay $0x2  }
0xb9: {  	s31 =	sshll.u32 s1, $0xD;
	s1 =	sshrl.u32 s1, $0x2  }
0xba: {  	s3 =	sand.u32 $0x4000, s31;
	s1 =	sadd.s32 s1, s30  }
0xbb: {  	s0 =	sor.u32 s3, s0;
	s1 =	sshll.u32 s1, $0x11  }
0xbc: {  	s0 =	sor.u32 s1, s0  }
0xbd: {  	s0 =	sadd.s32 $0x8F2B, s0  }
0xbe: {  	[sflag:s0] =	ssyncadd.remote.s32 $0x1  }
0xbf: {  	_ =	sfence.sel $0xFFFF  }
0xc0: {  	[dreg:$0x0] =	wrdreg $0xFFFFFFFF;
	(pc) =	sbr.abs _section_cstart, $3  }
0xc1: {  	[dreg:$0x1] =	wrdreg $0xFFFFFFFF  }
0xc2: {  	_ =	task.clear_ibuf [dreg:s7], $0x2FFFF;
	_ =	strace $0x9FFFFFFF  }
0xc3: {  	(tm) =	ssettm $0x7FFFFFFF  }
tec
execute0_lowered:
.L_overlay_start_1:
0x0: {  	(tag) =	ssettag $0x1  }
0x1: {  	s6 =	rddreg [dreg:$0x0]  }
0x2: {  	s9 =	rddreg [dreg:$0x1]  }
0x3: {  	s2 =	rddreg [dreg:$0x2];
	s1 =	stileid.u32  }
0x4: {  	s0 =	rddreg [dreg:$0x3];
	s10 =	smul.u32 $0x700, s1  }
0x5: {  	s4 =	srdreg.scid;
	s3 =	simm.s32 $0x0;
	s5 =	smul.u32 $0x300, s1  }
0x6: {  	s17 =	simm.s32 $0x1;
	s12 =	sand.u32 $0x1, s4;
	s8 =	smul.u32 $0x14000, s1  }
0x7: {  	[smem:$0x7FF] =	sst s3;
	s4 =	sadd.s32 $0x13600, s6;
	s15 =	smul.u32 $0x50000, s1  }
0x8: {  	s31 =	sshll.u32 s1, $0x6;
	s7 =	smul.u32 $0x140000, s12;
	_ =	strace $0x8000004D  }
0x9: {  	s28 =	ssub.s32 $0x2, s12;
	p0 =	sne.s32 s12, $0x0;
	s12 =	sor.u32 $0x1C02, s31  }
0xa: {  	s11 =	sadd.s32 s10, s6;
	s13 =	sadd.s32 s5, s6;
	s5 =	sadd.s32 $0x10E00, s6  }
0xb: {  	s14 =	sshrl.u32 s28, $0x1;
	s29 =	sshrl.u32 s15, $0x2;
	s9 =	sadd.s32 s9, s10  }
.Ltmp0:
0xc: {  	s15 =	simm.s32 $0x80;
	s7 =	sadd.s32 s8, s7;
	(pc) =	sbr.rel .LBB2_1-.Ltmp0, $4  }
0xd: {  	s14 =	ssub.s32 s28, s14;
	s8 =	sadd.s32 $0x3E00, s11;
	s30 =	sadd.s32 s29, s2  }
0xe: {  	s7 =	sshrl.u32 s7, $0x3;
	s11 =	smax.u32 s14, $0x1;
	s14 =	simm.s32 $0x2  }
0xf: {  	s16 =	sadd.s32 s7, s6;
	s6 =	sadd.s32 $0xAE00, s13;
	s7 =	sadd.s32 $0xDE00, s13  }
0x10: {  	s13 =	sshrl.u32 s30, $0x3;
	s10 =	sadd.s32 $0x3B600, s16;
	s16 =	simm.s32 $0x7000  }
.LBB2_7:
0x11: {  	s18 =	sshra.s32 s18, $0x2;
	[sflag:s14] =	ssyncadd.s32 $0xFFFFC000  }
0x12: {  	[tilespmem:s16], [sflag:$0x1] =	stream.indirect.gather [hbm4b:s4+s15], $0x80, s18, s15, $0xb8;
	[tilespmem:$0x1F000] =	vst v63  }
0x13: {  	_ =	swait.ge [sflag:s17], $0x4000  }
0x14: {  	[sflag:s17] =	ssyncset.done $0x0  }
0x15: {  	s18 =	sadd.s32 $0x3800, s18;
	[sflag:s17] =	ssyncadd.s32 $0xFFFFC000  }
0x16: {  	[spmem:s2] =	stream.indirect.scatter.add.f32 [tilespmem:s16], [sflag:$0x2], $0x80, s18, s15, $0xb8;
	[tilespmem:$0x1F000] =	vst v63  }
0x17: {  	_ =	swait.ge [sflag:s14], $0x4000  }
0x18: {  	[sflag:s14] =	ssyncset.done $0x0  }
0x19: {  	[sflag:s14] =	ssyncadd.s32 $0xFFFFC000  }
.LBB2_8:
0x1a: {  	s3 =	sadd.s32 $0x1, s3  }
0x1b: {  	p1 =	sne.s32 s3, s11  }
.Ltmp1:
0x1c: {  	[bflag:$0x0] =	sbarrier.arrive $0xFFFF;
	(pc) =	sbr.rel @!p1 .LBB2_9-.Ltmp1, $4  }
0x1d: {  	[hbm:s10], [sflag:s12] =	dma.local [spmem:s13], $0x2800  }
0x1e: {  	_ =	swait.ge [sflag:s14], $0x2800  }
0x1f: {  	[sflag:s14] =	ssyncset.done $0x0  }
0x20: {  	[sflag:s14] =	ssyncadd.s32 $0xFFFFD800  }
.LBB2_1:
0x21: {  	s18 =	simm.s32 @p0 $0x0;
	s19 =	simm.s32 @p0 $0x2  }
0x22: {  	[tilespmem:s18], [sflag:$0x2] =	stream.linear.gather @p0 [hbm4b:s6+s18], $0x1700, $0x38;
	[tilespmem:$0x1F000] =	vst v63  }
0x23: {  	_ =	swait.ge @p0 [sflag:s19], $0x1700  }
0x24: {  	[sflag:s19] =	ssyncset.done @p0 $0x0  }
0x25: {  	s20 =	simm.s32 @p0 $0x3800;
	[sflag:s19] =	ssyncadd.s32 @p0 $0xFFFFE900  }
0x26: {  	[tilespmem:s20], [sflag:$0x2] =	stream.linear.gather @p0 [hbm4b:s7+s18], $0x1700, $0x38;
	[tilespmem:$0x1F000] =	vst v63  }
0x27: {  	_ =	swait.ge @p0 [sflag:s19], $0x1700  }
0x28: {  	[sflag:s19] =	ssyncset.done @p0 $0x0  }
0x29: {  	s18 =	simm.s32 @!p0 $0x0;
	[sflag:s19] =	ssyncadd.s32 @p0 $0xFFFFE900;
	s19 =	simm.s32 @!p0 $0x2  }
0x2a: {  	[tilespmem:s18], [sflag:$0x2] =	stream.linear.gather @!p0 [hbm4b:s8+s18], $0x3800, $0x38;
	[tilespmem:$0x1F000] =	vst v63  }
0x2b: {  	_ =	swait.ge @!p0 [sflag:s19], $0x3800  }
0x2c: {  	[sflag:s19] =	ssyncset.done @!p0 $0x0  }
0x2d: {  	s20 =	simm.s32 @!p0 $0x3800;
	[sflag:s19] =	ssyncadd.s32 @!p0 $0xFFFFC800  }
0x2e: {  	[tilespmem:s20], [sflag:$0x2] =	stream.linear.gather @!p0 [hbm4b:s9+s18], $0x3800, $0x38;
	[tilespmem:$0x1F000] =	vst v63  }
0x2f: {  	_ =	swait.ge @!p0 [sflag:s19], $0x3800  }
0x30: {  	[sflag:s19] =	ssyncset.done @!p0 $0x0  }
0x31: {  	[sflag:s19] =	ssyncadd.s32 @!p0 $0xFFFFC800  }
0x32: {  	[spmem:s13], [sflag:s12] =	dma.local [hbm:s5], $0x2800  }
.Ltmp2:
0x33: {  	_ =	swait.ge [sflag:s14], $0x2800;
	(pc) =	sbr.rel @p0 .LBB2_5-.Ltmp2, $4  }
0x34: {  	[sflag:s14] =	ssyncset.done $0x0  }
0x35: {  	[sflag:s14] =	ssyncadd.s32 $0xFFFFD800  }
0x36: {  	[bflag:$0x0] =	sbarrier.arrive $0xFFFF  }
0x37: {  	s18 =	simm.s32 $0x0  }
0x38: {  	[tilespmem:s16], [sflag:$0x1] =	stream.indirect.gather [hbm4b:s4+s15], $0x80, s18, s15, $0xb8;
	[tilespmem:$0x1F000] =	vst v63  }
0x39: {  	_ =	swait.ge [sflag:s17], $0x4000  }
0x3a: {  	[sflag:s17] =	ssyncset.done $0x0  }
0x3b: {  	s31 =	simm.s32 $0x3800;
	[sflag:s17] =	ssyncadd.s32 $0xFFFFC000  }
0x3c: {  	[spmem:s2] =	stream.indirect.scatter.add.f32 [tilespmem:s16], [sflag:$0x2], $0x80, s31, s15, $0xb8;
	[tilespmem:$0x1F000] =	vst v63  }
0x3d: {  	_ =	swait.ge [sflag:s14], $0x4000  }
0x3e: {  	s18 =	simm.s32 $0x200;
	s19 =	simm.s32 $0x400;
	[sflag:s14] =	ssyncset.done $0x0  }
.LBB2_3:
0x3f: {  	s20 =	sshra.s32 s18, $0x2  }
0x40: {  	[sflag:s14] =	ssyncadd.s32 $0xFFFFC000;
	s18 =	smov.u32 s19;
	s21 =	sadd.s32 $0x200, s19  }
0x41: {  	[tilespmem:s16], [sflag:$0x1] =	stream.indirect.gather [hbm4b:s4+s15], $0x80, s20, s15, $0xb8;
	[tilespmem:$0x1F000] =	vst v63  }
0x42: {  	p1 =	seq.s32 s19, $0xDE00;
	_ =	swait.ge [sflag:s17], $0x4000  }
.Ltmp3:
0x43: {  	[sflag:s17] =	ssyncset.done $0x0;
	(pc) =	sbr.rel @!p1 .LBB2_3-.Ltmp3, $4  }
0x44: {  	s19 =	sadd.s32 $0x3800, s20;
	[sflag:s17] =	ssyncadd.s32 $0xFFFFC000  }
0x45: {  	[spmem:s2] =	stream.indirect.scatter.add.f32 [tilespmem:s16], [sflag:$0x2], $0x80, s19, s15, $0xb8;
	[tilespmem:$0x1F000] =	vst v63  }
0x46: {  	_ =	swait.ge [sflag:s14], $0x4000  }
0x47: {  	s19 =	smov.u32 s21;
	[sflag:s14] =	ssyncset.done $0x0  }
0x48: {  	s18 =	sshra.s32 s18, $0x2;
	[sflag:s14] =	ssyncadd.s32 $0xFFFFC000  }
0x49: {  	[tilespmem:s16], [sflag:$0x1] =	stream.indirect.gather [hbm4b:s4+s15], $0x80, s18, s15, $0xb8;
	[tilespmem:$0x1F000] =	vst v63  }
0x4a: {  	_ =	swait.ge [sflag:s17], $0x4000  }
0x4b: {  	[sflag:s17] =	ssyncset.done $0x0  }
.Ltmp4:
0x4c: {  	s18 =	sadd.s32 $0x3800, s18;
	[sflag:s17] =	ssyncadd.s32 $0xFFFFC000;
	(pc) =	sbr.rel .LBB2_8-.Ltmp4, $4  }
0x4d: {  	[spmem:s2] =	stream.indirect.scatter.add.f32 [tilespmem:s16], [sflag:$0x2], $0x80, s18, s15, $0xb8;
	[tilespmem:$0x1F000] =	vst v63  }
0x4e: {  	_ =	swait.ge [sflag:s14], $0x4000  }
0x4f: {  	[sflag:s14] =	ssyncset.done $0x0  }
0x50: {  	[sflag:s14] =	ssyncadd.s32 $0xFFFFC000  }
.LBB2_5:
0x51: {  	[tilespmem:s16], [sflag:$0x1] =	stream.indirect.gather [hbm4b:s4+s15], $0x80, s18, s15, $0xb8;
	[tilespmem:$0x1F000] =	vst v63  }
0x52: {  	_ =	swait.ge [sflag:s17], $0x4000  }
0x53: {  	[sflag:s17] =	ssyncset.done $0x0  }
0x54: {  	s31 =	simm.s32 $0x3800;
	[sflag:s17] =	ssyncadd.s32 $0xFFFFC000  }
0x55: {  	[spmem:s2] =	stream.indirect.scatter.add.f32 [tilespmem:s16], [sflag:$0x2], $0x80, s31, s15, $0xb8;
	[tilespmem:$0x1F000] =	vst v63  }
0x56: {  	_ =	swait.ge [sflag:s14], $0x4000  }
0x57: {  	s18 =	simm.s32 $0x200;
	s19 =	simm.s32 $0x400;
	[sflag:s14] =	ssyncset.done $0x0  }
.LBB2_6:
0x58: {  	s20 =	sshra.s32 s18, $0x2  }
0x59: {  	[sflag:s14] =	ssyncadd.s32 $0xFFFFC000;
	s18 =	smov.u32 s19;
	s21 =	sadd.s32 $0x200, s19  }
0x5a: {  	[tilespmem:s16], [sflag:$0x1] =	stream.indirect.gather [hbm4b:s4+s15], $0x80, s20, s15, $0xb8;
	[tilespmem:$0x1F000] =	vst v63  }
0x5b: {  	p1 =	sne.s32 s19, $0x5A00;
	_ =	swait.ge [sflag:s17], $0x4000  }
.Ltmp5:
0x5c: {  	[sflag:s17] =	ssyncset.done $0x0;
	(pc) =	sbr.rel @p1 .LBB2_6-.Ltmp5, $4  }
0x5d: {  	s19 =	sadd.s32 $0x3800, s20;
	[sflag:s17] =	ssyncadd.s32 $0xFFFFC000  }
0x5e: {  	[spmem:s2] =	stream.indirect.scatter.add.f32 [tilespmem:s16], [sflag:$0x2], $0x80, s19, s15, $0xb8;
	[tilespmem:$0x1F000] =	vst v63  }
0x5f: {  	_ =	swait.ge [sflag:s14], $0x4000  }
0x60: {  	s19 =	smov.u32 s21;
	[sflag:s14] =	ssyncset.done $0x0  }
.Ltmp6:
0x61: {  	_ = 	snop;
	(pc) =	sbr.rel .LBB2_7-.Ltmp6, $1  }
0x62: {  	_ =	sdelay $0x3  }
.LBB2_9:
0x63: {  	_ =	sfence.sel $0x180000  }
0x64: {  	[bflag:$0x0] =	sbarrier.arrive $0xFFFF  }
0x65: {  	p0 =	sne.s32 s1, $0x0;
	_ =	strace $0x9000004D  }
0x66: {  	s0 =	sadd.s32 @!p0 $0x100000, s0;
	[bflag:$0x2] =	sbarrier.arrive $0xFFFF  }
0x67: {  	[sflag:s0] =	ssyncadd.tile.s32 @!p0 $0x1;
	_ =	shalt  }
.Lfunc_end2:
_tile_overlayer_lowered:
.L_overlay_start_2:
0x68: {  	(tag) =	ssettag $0x2  }
0x69: {  	s0 =	rddreg [dreg:$0x0];
	s2 =	stileid.u32  }
0x6a: {  	s1 =	rddreg [dreg:$0x1];
	p0 =	sne.s32 s2, $0x0  }
0x6b: {  	s3 =	rddreg [dreg:$0x2];
	[bflag:$0x3] =	sbarrier.arrive $0xFFFF;
	s2 =	simm.s32 @!p0 $0x1C02  }
0x6c: {  	[timem:s3], [sflag:s2] =	dma.local @!p0 [hbm:s0], s1  }
0x6d: {  	s0 =	simm.s32 @!p0 $0x2  }
0x6e: {  	_ =	swait.ge @!p0 [sflag:s0], s1  }
0x6f: {  	s1 =	ssub.s32 @!p0 $0x0, s1;
	[sflag:s0] =	ssyncset.done @!p0 $0x0  }
0x70: {  	[sflag:s0] =	ssyncadd.s32 @!p0 s1  }
0x71: {  	[bflag:$0x3] =	sbarrier.arrive $0xFFFF  }
0x72: {  	_ =	shalt  }

// kernel: kernel.21.cloned.1.call-start
scs
__scs_entry_jumppad:
0x0: {  	(pc) =	sbr.rel $0x88, $3  }
0x1: {  	(tag) =	ssettag $0x0;
	lr =	simm.s32 $0x1  }
0x2: {  	[smem:$0x3F95] =	sst lr;
	_ =	strace $0xD0000000  }
0x3: {  	_ = 	snop  }
0x4: {  	_ = 	snop  }
0x5: {  	_ = 	snop  }
0x6: {  	_ = 	snop  }
0x7: {  	_ = 	snop  }
__scs_overlays_trampoline_lowered:
0x8: {  	[smem:$0x3FA4] =	sst s0  }
0x9: {  	[smem:$0x3FA5] =	sst s1  }
0xa: {  	[smem:$0x3FA6] =	sst s2  }
0xb: {  	[smem:$0x3FA7] =	sst s3  }
0xc: {  	[smem:$0x3FA8] =	sst s4  }
0xd: {  	[smem:$0x3FA9] =	sst s5  }
0xe: {  	[smem:$0x3FAA] =	sst s6  }
0xf: {  	[smem:$0x3FAB] =	sst s7  }
0x10: {  	[smem:$0x3FAC] =	sst s8  }
0x11: {  	[smem:$0x3FAD] =	sst s9;
	s0 =	simm.s32 @!p0 $0x0  }
0x12: {  	s1 =	sld [smem:$0x3F93];
	s0 =	simm.s32 @p0 $0x1  }
0x13: {  	[smem:$0x3FAE] =	sst s0;
	s0 =	simm.s32 @!p1 $0x0  }
0x14: {  	s2 =	sld [smem:$0x3F92];
	s0 =	simm.s32 @p1 $0x1  }
0x15: {  	[smem:$0x3FAF] =	sst s0;
	s0 =	simm.s32 @!p2 $0x0  }
0x16: {  	s3 =	sld [smem:$0x3FDB];
	s0 =	simm.s32 @p2 $0x1  }
0x17: {  	s4 =	simm.s32 $0x1BF5;
	[smem:$0x3FB1] =	sst s0  }
0x18: {  	s0 =	sld [smem:$0x3F94];
	_ =	swait.ge [sflag:s4], $0x0  }
0x19: {  	s7 =	sld [smem:$0x3F95]  }
0x1a: {  	s8 =	sadd.s32 $0xFFFFE003, lr  }
0x1b: {  	s9 =	sadd.s32 $0xFFFFFEF7, lr;
	s5 =	simm.s32 $0xFFFFFFFF;
	p2 =	slt.u32 s8, $0xFFFFF086  }
0x1c: {  	p1 =	slt.u32 s9, $0xF7A;
	s5 =	simm.s32 @!p2 $0x0  }
0x1d: {  	s5 =	simm.s32 @p1 $0x1;
	p0 =	seq.s32 s7, s2  }
0x1e: {  	s7 =	smul.u32 @!p0 $0xF7A, s2;
	p2 =	seq.s32 @!p0 s5, $0x0  }
0x1f: {  	s9 =	smul.u32 $0xF7A, s1;
	s8 =	simm.s32 @!p0 $0x1BF5;
	p2 =	por !p2, p0  }
0x20: {  	[sflag:s8] =	ssyncset.s32 @!p0 $0xFFFFF086;
	s6 =	sadd.s32 @!p0 s3, s7;
	s7 =	simm.s32 @!p0 $0x108  }
0x21: {  	s3 =	sadd.s32 s3, s9;
	s6 =	sadd.s32 @!p0 $0x88, s6;
	s7 =	simm.s32 @p2 $0x1082  }
0x22: {  	[simem:s7], [sflag:s8] =	dma.local @!p0 [hbm:s6], $0xF7A  }
0x23: {  	s9 =	sor.u32 $0xD0000000, s2;
	s6 =	simm.s32 $0x108;
	_ =	swait.ge @!p0 [sflag:s8], $0x0  }
0x24: {  	s3 =	sadd.s32 $0x88, s3;
	s6 =	simm.s32 @!p1 $0x1082;
	[sflag:s4] =	ssyncset.s32 $0xFFFFF086  }
0x25: {  	[simem:s6], [sflag:s4] =	dma.local [hbm:s3], $0xF7A  }
0x26: {  	[smem:$0x3F95] =	sst s1;
	(tag) =	ssettag s2;
	_ =	strace s9  }
0x27: {  	s1 =	sld [smem:$0x3FA5]  }
0x28: {  	s2 =	sld [smem:$0x3FA6]  }
0x29: {  	s4 =	sld [smem:$0x3FA8]  }
0x2a: {  	p0 =	seq.s32 s5, $0x0;
	s5 =	sld [smem:$0x3FA9]  }
0x2b: {  	s6 =	sld [smem:$0x3FAA]  }
0x2c: {  	s7 =	sld [smem:$0x3FAB]  }
0x2d: {  	s3 =	simm.s32 $0x108;
	s8 =	sld [smem:$0x3FAC]  }
0x2e: {  	s3 =	simm.s32 @!p0 $0x1082;
	s9 =	sld [smem:$0x3FAD]  }
0x2f: {  	lr =	sadd.s32 s0, s3;
	s0 =	sld [smem:$0x3FA4]  }
0x30: {  	s3 =	sld [smem:$0x3FA7]  }
0x31: {  	[smem:$0x3FB0] =	sst s10  }
0x32: {  	s10 =	sld [smem:$0x3FAE];
	_ =	sdelay $0x3  }
0x33: {  	p0 =	seq.s32 s10, $0x1;
	s10 =	sld [smem:$0x3FB0];
	_ =	sdelay $0x3  }
0x34: {  	[smem:$0x3FB0] =	sst s10  }
0x35: {  	s10 =	sld [smem:$0x3FAF];
	_ =	sdelay $0x3  }
0x36: {  	p1 =	seq.s32 s10, $0x1;
	s10 =	sld [smem:$0x3FB0];
	_ =	sdelay $0x3  }
0x37: {  	[smem:$0x3FB0] =	sst s10  }
0x38: {  	s10 =	sld [smem:$0x3FB1]  }
0x39: {  	_ = 	snop;
	(pc) =	sbr.ind lr, $3  }
0x3a: {  	_ = 	snop  }
0x3b: {  	_ = 	snop  }
0x3c: {  	p2 =	seq.s32 s10, $0x1;
	s10 =	sld [smem:$0x3FB0]  }
0x3d: {  	_ =	shalt  }
0x3e: {  	_ =	shalt  }
0x3f: {  	_ =	shalt  }
0x40: {  	_ =	shalt  }
0x41: {  	_ =	shalt  }
0x42: {  	_ =	shalt  }
0x43: {  	_ =	shalt  }
0x44: {  	_ =	shalt  }
0x45: {  	_ =	shalt  }
0x46: {  	_ =	shalt  }
0x47: {  	_ =	shalt  }
0x48: {  	_ =	shalt  }
0x49: {  	_ =	shalt  }
0x4a: {  	_ =	shalt  }
0x4b: {  	_ =	shalt  }
0x4c: {  	_ =	shalt  }
0x4d: {  	_ =	shalt  }
0x4e: {  	_ =	shalt  }
0x4f: {  	_ =	shalt  }
0x50: {  	_ =	shalt  }
0x51: {  	_ =	shalt  }
0x52: {  	_ =	shalt  }
0x53: {  	_ =	shalt  }
0x54: {  	_ =	shalt  }
0x55: {  	_ =	shalt  }
0x56: {  	_ =	shalt  }
0x57: {  	_ =	shalt  }
0x58: {  	_ =	shalt  }
0x59: {  	_ =	shalt  }
0x5a: {  	_ =	shalt  }
0x5b: {  	_ =	shalt  }
0x5c: {  	_ =	shalt  }
0x5d: {  	_ =	shalt  }
0x5e: {  	_ =	shalt  }
0x5f: {  	_ =	shalt  }
0x60: {  	_ =	shalt  }
0x61: {  	_ =	shalt  }
0x62: {  	_ =	shalt  }
0x63: {  	_ =	shalt  }
0x64: {  	_ =	shalt  }
0x65: {  	_ =	shalt  }
0x66: {  	_ =	shalt  }
0x67: {  	_ =	shalt  }
0x68: {  	_ =	shalt  }
0x69: {  	_ =	shalt  }
0x6a: {  	_ =	shalt  }
0x6b: {  	_ =	shalt  }
0x6c: {  	_ =	shalt  }
0x6d: {  	_ =	shalt  }
0x6e: {  	_ =	shalt  }
0x6f: {  	_ =	shalt  }
0x70: {  	_ =	shalt  }
0x71: {  	_ =	shalt  }
0x72: {  	_ =	shalt  }
0x73: {  	_ =	shalt  }
0x74: {  	_ =	shalt  }
0x75: {  	_ =	shalt  }
0x76: {  	_ =	shalt  }
0x77: {  	_ =	shalt  }
0x78: {  	_ =	shalt  }
0x79: {  	_ =	shalt  }
0x7a: {  	_ =	shalt  }
0x7b: {  	_ =	shalt  }
0x7c: {  	_ =	shalt  }
0x7d: {  	_ =	shalt  }
0x7e: {  	_ =	shalt  }
0x7f: {  	_ =	shalt  }
0x80: {  	_ =	shalt  }
0x81: {  	_ =	shalt  }
0x82: {  	_ =	shalt  }
0x83: {  	_ =	shalt  }
0x84: {  	_ =	shalt  }
0x85: {  	_ =	shalt  }
0x86: {  	_ =	shalt  }
0x87: {  	_ =	shalt  }
.Lfunc_end0:
.L_simem_size_0:
called_computation.3_lowered:
.L_overlay_start_0:
0x88: {  	s2 =	sld [smem:$0x3FD9]  }
0x89: {  	s3 =	sld [smem:$0x3FFE];
	_ =	sdelay $0x1  }
0x8a: {  	s1 =	srdreg.scid  }
0x8b: {  	s0 =	sand.u32 $0x1, s1  }
0x8c: {  	s17 =	sshll.u32 s0, $0xA;
	s2 =	sadd.s32 s3, s2  }
0x8d: {  	s2 =	sadd.s32 s2, s17  }
0x8e: {  	[smem:$0x3FBC] =	sst s2  }
0x8f: {  	_ = 	snop  }
0x90: {  	s2 =	sld [smem:$0x3FD0];
	(tm) =	ssettm $0x1  }
0x91: {  	s18 =	sld [smem:$0x3FFB];
	_ =	sdelay $0x3  }
0x92: {  	_ =	strace s18  }
0x93: {  	s3 =	sld [smem:$0x3FFC];
	_ =	sdelay $0x3  }
0x94: {  	_ =	strace s3  }
0x95: {  	s3 =	sld [smem:$0x3FFD];
	_ =	sdelay $0x3  }
0x96: {  	_ =	strace s3  }
0x97: {  	_ =	strace $0x8FFFFFFF  }
0x98: {  	s19 =	sld [smem:$0x3FDB];
	_ =	sdelay $0x1  }
0x99: {  	s4 =	simm.s32 $_scs_section_size  }
0x9a: {  	s5 =	simm.s32 $_size__tile_overlayer_lowered;
	s6 =	simm.s32 $_tile_overlayer_lowered  }
0x9b: {  	s22 =	simm.s32 $0x1BFF;
	s21 =	sshll.u32 s6, $0x1;
	s3 =	sadd.s32 s4, s19  }
0x9c: {  	s7 =	simm.s32 $0x0;
	s20 =	sshll.u32 s5, $0x1;
	s5 =	sadd.s32 s21, s3  }
0x9d: {  	[timem:s7], [sflag:s22] =	dma.local [hbm:s5], s20  }
0x9e: {  	_ =	swait.ge [sflag:s22], s20  }
0x9f: {  	s4 =	ssub.s32 $0x0, s20;
	[sflag:s22] =	ssyncset.done $0x0  }
0xa0: {  	[sflag:s22] =	ssyncadd.s32 s4;
	_ =	sdelay $0x1  }
0xa1: {  	s23 =	simm.s32 $0x1B8B  }
0xa2: {  	_ =	swait.ge [sflag:s23], $0x1  }
0xa3: {  	[sflag:s23] =	ssyncset.done $0x0  }
0xa4: {  	s25 =	simm.s32 $0x1B8E;
	s24 =	sld [smem:$0x3FFE];
	[sflag:s23] =	ssyncadd.s32 $0xFFFFFFFF  }
0xa5: {  	s26 =	simm.s32 $execute0_lowered;
	[smem:$0x3FD2] =	sst s25  }
0xa6: {  	s5 =	sshll.u32 s26, $0x1;
	_ =	strace $0x8000004F;
	[dreg:$0x1] =	wrdreg $0xFFFFFFFF  }
0xa7: {  	s28 =	simm.s32 $_size_execute0_lowered;
	s3 =	sadd.s32 s3, s5;
	[dreg:$0x0] =	wrdreg $0x0  }
0xa8: {  	s5 =	sshll.u32 s28, $0x1;
	[dreg:$0x2] =	wrdreg s3  }
0xa9: {  	[dreg:$0x3] =	wrdreg s5  }
0xaa: {  	[dreg:$0x4] =	wrdreg $0xC0  }
0xab: {  	_ =	task [dreg:s7], $0x5FFFF  }
0xac: {  	[dreg:$0x1] =	wrdreg $0xFFFFFFFF  }
0xad: {  	[dreg:$0x0] =	wrdreg $0x60  }
0xae: {  	[dreg:$0x2] =	wrdreg s24  }
0xaf: {  	[dreg:$0x3] =	wrdreg s2  }
0xb0: {  	[dreg:$0x4] =	wrdreg $0xB0000  }
0xb1: {  	[dreg:$0x5] =	wrdreg $0x9  }
0xb2: {  	_ =	task.clear_ibuf [dreg:s7], $0x6FFFF;
	_ =	strace $0x9000004F  }
0xb3: {  	s29 =	simm.s32 $0x9;
	_ =	strace $0x80000051  }
0xb4: {  	_ =	swait.ge [sflag:s29], $0x1  }
0xb5: {  	[sflag:s29] =	ssyncadd.s32 $0xFFFFFFFF  }
0xb6: {  	_ =	strace $0x90000051  }
0xb7: {  	_ =	sfence  }
0xb8: {  	s30 =	sld [smem:$0x0];
	_ =	sdelay $0x2  }
0xb9: {  	s31 =	sshll.u32 s1, $0xD;
	s1 =	sshrl.u32 s1, $0x2  }
0xba: {  	s3 =	sand.u32 $0x4000, s31;
	s1 =	sadd.s32 s1, s30  }
0xbb: {  	s0 =	sor.u32 s3, s0;
	s1 =	sshll.u32 s1, $0x11  }
0xbc: {  	s0 =	sor.u32 s1, s0  }
0xbd: {  	s0 =	sadd.s32 $0x8F2B, s0  }
0xbe: {  	[sflag:s0] =	ssyncadd.remote.s32 $0x1  }
0xbf: {  	_ =	sfence.sel $0xFFFF  }
0xc0: {  	[dreg:$0x0] =	wrdreg $0xFFFFFFFF;
	(pc) =	sbr.abs _section_cstart, $3  }
0xc1: {  	[dreg:$0x1] =	wrdreg $0xFFFFFFFF  }
0xc2: {  	_ =	task.clear_ibuf [dreg:s7], $0x2FFFF;
	_ =	strace $0x9FFFFFFF  }
0xc3: {  	(tm) =	ssettm $0x7FFFFFFF  }
tec
execute0_lowered:
.L_overlay_start_1:
0x0: {  	(tag) =	ssettag $0x1  }
0x1: {  	s6 =	rddreg [dreg:$0x0]  }
0x2: {  	s9 =	rddreg [dreg:$0x1]  }
0x3: {  	s2 =	rddreg [dreg:$0x2];
	s1 =	stileid.u32  }
0x4: {  	s0 =	rddreg [dreg:$0x3];
	s10 =	smul.u32 $0x700, s1  }
0x5: {  	s4 =	srdreg.scid;
	s3 =	simm.s32 $0x0;
	s5 =	smul.u32 $0x300, s1  }
0x6: {  	s17 =	simm.s32 $0x1;
	s12 =	sand.u32 $0x1, s4;
	s8 =	smul.u32 $0x14000, s1  }
0x7: {  	[smem:$0x7FF] =	sst s3;
	s4 =	sadd.s32 $0x13600, s6;
	s15 =	smul.u32 $0x50000, s1  }
0x8: {  	s31 =	sshll.u32 s1, $0x6;
	s7 =	smul.u32 $0x140000, s12;
	_ =	strace $0x80000050  }
0x9: {  	s28 =	ssub.s32 $0x2, s12;
	p0 =	sne.s32 s12, $0x0;
	s12 =	sor.u32 $0x1C02, s31  }
0xa: {  	s11 =	sadd.s32 s10, s6;
	s13 =	sadd.s32 s5, s6;
	s5 =	sadd.s32 $0x10E00, s6  }
0xb: {  	s14 =	sshrl.u32 s28, $0x1;
	s29 =	sshrl.u32 s15, $0x2;
	s9 =	sadd.s32 s9, s10  }
.Ltmp0:
0xc: {  	s15 =	simm.s32 $0x80;
	s7 =	sadd.s32 s8, s7;
	(pc) =	sbr.rel .LBB2_1-.Ltmp0, $4  }
0xd: {  	s14 =	ssub.s32 s28, s14;
	s8 =	sadd.s32 $0x3E00, s11;
	s30 =	sadd.s32 s29, s2  }
0xe: {  	s7 =	sshrl.u32 s7, $0x3;
	s11 =	smax.u32 s14, $0x1;
	s14 =	simm.s32 $0x2  }
0xf: {  	s16 =	sadd.s32 s7, s6;
	s6 =	sadd.s32 $0xAE00, s13;
	s7 =	sadd.s32 $0xDE00, s13  }
0x10: {  	s13 =	sshrl.u32 s30, $0x3;
	s10 =	sadd.s32 $0x3B600, s16;
	s16 =	simm.s32 $0x7000  }
.LBB2_7:
0x11: {  	s18 =	sshra.s32 s18, $0x2;
	[sflag:s14] =	ssyncadd.s32 $0xFFFFC000  }
0x12: {  	[tilespmem:s16], [sflag:$0x1] =	stream.indirect.gather [hbm4b:s4+s15], $0x80, s18, s15, $0xb8;
	[tilespmem:$0x1F000] =	vst v63  }
0x13: {  	_ =	swait.ge [sflag:s17], $0x4000  }
0x14: {  	[sflag:s17] =	ssyncset.done $0x0  }
0x15: {  	s18 =	sadd.s32 $0x3800, s18;
	[sflag:s17] =	ssyncadd.s32 $0xFFFFC000  }
0x16: {  	[spmem:s2] =	stream.indirect.scatter.add.f32 [tilespmem:s16], [sflag:$0x2], $0x80, s18, s15, $0xb8;
	[tilespmem:$0x1F000] =	vst v63  }
0x17: {  	_ =	swait.ge [sflag:s14], $0x4000  }
0x18: {  	[sflag:s14] =	ssyncset.done $0x0  }
0x19: {  	[sflag:s14] =	ssyncadd.s32 $0xFFFFC000  }
.LBB2_8:
0x1a: {  	s3 =	sadd.s32 $0x1, s3  }
0x1b: {  	p1 =	sne.s32 s3, s11  }
.Ltmp1:
0x1c: {  	[bflag:$0x0] =	sbarrier.arrive $0xFFFF;
	(pc) =	sbr.rel @!p1 .LBB2_9-.Ltmp1, $4  }
0x1d: {  	[hbm:s10], [sflag:s12] =	dma.local [spmem:s13], $0x2800  }
0x1e: {  	_ =	swait.ge [sflag:s14], $0x2800  }
0x1f: {  	[sflag:s14] =	ssyncset.done $0x0  }
0x20: {  	[sflag:s14] =	ssyncadd.s32 $0xFFFFD800  }
.LBB2_1:
0x21: {  	s18 =	simm.s32 @p0 $0x0;
	s19 =	simm.s32 @p0 $0x2  }
0x22: {  	[tilespmem:s18], [sflag:$0x2] =	stream.linear.gather @p0 [hbm4b:s6+s18], $0x1700, $0x38;
	[tilespmem:$0x1F000] =	vst v63  }
0x23: {  	_ =	swait.ge @p0 [sflag:s19], $0x1700  }
0x24: {  	[sflag:s19] =	ssyncset.done @p0 $0x0  }
0x25: {  	s20 =	simm.s32 @p0 $0x3800;
	[sflag:s19] =	ssyncadd.s32 @p0 $0xFFFFE900  }
0x26: {  	[tilespmem:s20], [sflag:$0x2] =	stream.linear.gather @p0 [hbm4b:s7+s18], $0x1700, $0x38;
	[tilespmem:$0x1F000] =	vst v63  }
0x27: {  	_ =	swait.ge @p0 [sflag:s19], $0x1700  }
0x28: {  	[sflag:s19] =	ssyncset.done @p0 $0x0  }
0x29: {  	s18 =	simm.s32 @!p0 $0x0;
	[sflag:s19] =	ssyncadd.s32 @p0 $0xFFFFE900;
	s19 =	simm.s32 @!p0 $0x2  }
0x2a: {  	[tilespmem:s18], [sflag:$0x2] =	stream.linear.gather @!p0 [hbm4b:s8+s18], $0x3800, $0x38;
	[tilespmem:$0x1F000] =	vst v63  }
0x2b: {  	_ =	swait.ge @!p0 [sflag:s19], $0x3800  }
0x2c: {  	[sflag:s19] =	ssyncset.done @!p0 $0x0  }
0x2d: {  	s20 =	simm.s32 @!p0 $0x3800;
	[sflag:s19] =	ssyncadd.s32 @!p0 $0xFFFFC800  }
0x2e: {  	[tilespmem:s20], [sflag:$0x2] =	stream.linear.gather @!p0 [hbm4b:s9+s18], $0x3800, $0x38;
	[tilespmem:$0x1F000] =	vst v63  }
0x2f: {  	_ =	swait.ge @!p0 [sflag:s19], $0x3800  }
0x30: {  	[sflag:s19] =	ssyncset.done @!p0 $0x0  }
0x31: {  	[sflag:s19] =	ssyncadd.s32 @!p0 $0xFFFFC800  }
0x32: {  	[spmem:s13], [sflag:s12] =	dma.local [hbm:s5], $0x2800  }
.Ltmp2:
0x33: {  	_ =	swait.ge [sflag:s14], $0x2800;
	(pc) =	sbr.rel @p0 .LBB2_5-.Ltmp2, $4  }
0x34: {  	[sflag:s14] =	ssyncset.done $0x0  }
0x35: {  	[sflag:s14] =	ssyncadd.s32 $0xFFFFD800  }
0x36: {  	[bflag:$0x0] =	sbarrier.arrive $0xFFFF  }
0x37: {  	s18 =	simm.s32 $0x0  }
0x38: {  	[tilespmem:s16], [sflag:$0x1] =	stream.indirect.gather [hbm4b:s4+s15], $0x80, s18, s15, $0xb8;
	[tilespmem:$0x1F000] =	vst v63  }
0x39: {  	_ =	swait.ge [sflag:s17], $0x4000  }
0x3a: {  	[sflag:s17] =	ssyncset.done $0x0  }
0x3b: {  	s31 =	simm.s32 $0x3800;
	[sflag:s17] =	ssyncadd.s32 $0xFFFFC000  }
0x3c: {  	[spmem:s2] =	stream.indirect.scatter.add.f32 [tilespmem:s16], [sflag:$0x2], $0x80, s31, s15, $0xb8;
	[tilespmem:$0x1F000] =	vst v63  }
0x3d: {  	_ =	swait.ge [sflag:s14], $0x4000  }
0x3e: {  	s18 =	simm.s32 $0x200;
	s19 =	simm.s32 $0x400;
	[sflag:s14] =	ssyncset.done $0x0  }
.LBB2_3:
0x3f: {  	s20 =	sshra.s32 s18, $0x2  }
0x40: {  	[sflag:s14] =	ssyncadd.s32 $0xFFFFC000;
	s18 =	smov.u32 s19;
	s21 =	sadd.s32 $0x200, s19  }
0x41: {  	[tilespmem:s16], [sflag:$0x1] =	stream.indirect.gather [hbm4b:s4+s15], $0x80, s20, s15, $0xb8;
	[tilespmem:$0x1F000] =	vst v63  }
0x42: {  	p1 =	seq.s32 s19, $0xDE00;
	_ =	swait.ge [sflag:s17], $0x4000  }
.Ltmp3:
0x43: {  	[sflag:s17] =	ssyncset.done $0x0;
	(pc) =	sbr.rel @!p1 .LBB2_3-.Ltmp3, $4  }
0x44: {  	s19 =	sadd.s32 $0x3800, s20;
	[sflag:s17] =	ssyncadd.s32 $0xFFFFC000  }
0x45: {  	[spmem:s2] =	stream.indirect.scatter.add.f32 [tilespmem:s16], [sflag:$0x2], $0x80, s19, s15, $0xb8;
	[tilespmem:$0x1F000] =	vst v63  }
0x46: {  	_ =	swait.ge [sflag:s14], $0x4000  }
0x47: {  	s19 =	smov.u32 s21;
	[sflag:s14] =	ssyncset.done $0x0  }
0x48: {  	s18 =	sshra.s32 s18, $0x2;
	[sflag:s14] =	ssyncadd.s32 $0xFFFFC000  }
0x49: {  	[tilespmem:s16], [sflag:$0x1] =	stream.indirect.gather [hbm4b:s4+s15], $0x80, s18, s15, $0xb8;
	[tilespmem:$0x1F000] =	vst v63  }
0x4a: {  	_ =	swait.ge [sflag:s17], $0x4000  }
0x4b: {  	[sflag:s17] =	ssyncset.done $0x0  }
.Ltmp4:
0x4c: {  	s18 =	sadd.s32 $0x3800, s18;
	[sflag:s17] =	ssyncadd.s32 $0xFFFFC000;
	(pc) =	sbr.rel .LBB2_8-.Ltmp4, $4  }
0x4d: {  	[spmem:s2] =	stream.indirect.scatter.add.f32 [tilespmem:s16], [sflag:$0x2], $0x80, s18, s15, $0xb8;
	[tilespmem:$0x1F000] =	vst v63  }
0x4e: {  	_ =	swait.ge [sflag:s14], $0x4000  }
0x4f: {  	[sflag:s14] =	ssyncset.done $0x0  }
0x50: {  	[sflag:s14] =	ssyncadd.s32 $0xFFFFC000  }
.LBB2_5:
0x51: {  	[tilespmem:s16], [sflag:$0x1] =	stream.indirect.gather [hbm4b:s4+s15], $0x80, s18, s15, $0xb8;
	[tilespmem:$0x1F000] =	vst v63  }
0x52: {  	_ =	swait.ge [sflag:s17], $0x4000  }
0x53: {  	[sflag:s17] =	ssyncset.done $0x0  }
0x54: {  	s31 =	simm.s32 $0x3800;
	[sflag:s17] =	ssyncadd.s32 $0xFFFFC000  }
0x55: {  	[spmem:s2] =	stream.indirect.scatter.add.f32 [tilespmem:s16], [sflag:$0x2], $0x80, s31, s15, $0xb8;
	[tilespmem:$0x1F000] =	vst v63  }
0x56: {  	_ =	swait.ge [sflag:s14], $0x4000  }
0x57: {  	s18 =	simm.s32 $0x200;
	s19 =	simm.s32 $0x400;
	[sflag:s14] =	ssyncset.done $0x0  }
.LBB2_6:
0x58: {  	s20 =	sshra.s32 s18, $0x2  }
0x59: {  	[sflag:s14] =	ssyncadd.s32 $0xFFFFC000;
	s18 =	smov.u32 s19;
	s21 =	sadd.s32 $0x200, s19  }
0x5a: {  	[tilespmem:s16], [sflag:$0x1] =	stream.indirect.gather [hbm4b:s4+s15], $0x80, s20, s15, $0xb8;
	[tilespmem:$0x1F000] =	vst v63  }
0x5b: {  	p1 =	sne.s32 s19, $0x5A00;
	_ =	swait.ge [sflag:s17], $0x4000  }
.Ltmp5:
0x5c: {  	[sflag:s17] =	ssyncset.done $0x0;
	(pc) =	sbr.rel @p1 .LBB2_6-.Ltmp5, $4  }
0x5d: {  	s19 =	sadd.s32 $0x3800, s20;
	[sflag:s17] =	ssyncadd.s32 $0xFFFFC000  }
0x5e: {  	[spmem:s2] =	stream.indirect.scatter.add.f32 [tilespmem:s16], [sflag:$0x2], $0x80, s19, s15, $0xb8;
	[tilespmem:$0x1F000] =	vst v63  }
0x5f: {  	_ =	swait.ge [sflag:s14], $0x4000  }
0x60: {  	s19 =	smov.u32 s21;
	[sflag:s14] =	ssyncset.done $0x0  }
.Ltmp6:
0x61: {  	_ = 	snop;
	(pc) =	sbr.rel .LBB2_7-.Ltmp6, $1  }
0x62: {  	_ =	sdelay $0x3  }
.LBB2_9:
0x63: {  	_ =	sfence.sel $0x180000  }
0x64: {  	[bflag:$0x0] =	sbarrier.arrive $0xFFFF  }
0x65: {  	p0 =	sne.s32 s1, $0x0;
	_ =	strace $0x90000050  }
0x66: {  	s0 =	sadd.s32 @!p0 $0x100000, s0;
	[bflag:$0x2] =	sbarrier.arrive $0xFFFF  }
0x67: {  	[sflag:s0] =	ssyncadd.tile.s32 @!p0 $0x1;
	_ =	shalt  }
.Lfunc_end2:
_tile_overlayer_lowered:
.L_overlay_start_2:
0x68: {  	(tag) =	ssettag $0x2  }
0x69: {  	s0 =	rddreg [dreg:$0x0];
	s2 =	stileid.u32  }
0x6a: {  	s1 =	rddreg [dreg:$0x1];
	p0 =	sne.s32 s2, $0x0  }
0x6b: {  	s3 =	rddreg [dreg:$0x2];
	[bflag:$0x3] =	sbarrier.arrive $0xFFFF;
	s2 =	simm.s32 @!p0 $0x1C02  }
0x6c: {  	[timem:s3], [sflag:s2] =	dma.local @!p0 [hbm:s0], s1  }
0x6d: {  	s0 =	simm.s32 @!p0 $0x2  }
0x6e: {  	_ =	swait.ge @!p0 [sflag:s0], s1  }
0x6f: {  	s1 =	ssub.s32 @!p0 $0x0, s1;
	[sflag:s0] =	ssyncset.done @!p0 $0x0  }
0x70: {  	[sflag:s0] =	ssyncadd.s32 @!p0 s1  }
0x71: {  	[bflag:$0x3] =	sbarrier.arrive $0xFFFF  }
0x72: {  	_ =	shalt  }

// kernel: kernel.24.cloned.1.call-start
scs
__scs_entry_jumppad:
0x0: {  	(pc) =	sbr.rel $0x88, $3  }
0x1: {  	(tag) =	ssettag $0x0;
	lr =	simm.s32 $0x1  }
0x2: {  	[smem:$0x3F95] =	sst lr;
	_ =	strace $0xD0000000  }
0x3: {  	_ = 	snop  }
0x4: {  	_ = 	snop  }
0x5: {  	_ = 	snop  }
0x6: {  	_ = 	snop  }
0x7: {  	_ = 	snop  }
__scs_overlays_trampoline_lowered:
0x8: {  	[smem:$0x3FA4] =	sst s0  }
0x9: {  	[smem:$0x3FA5] =	sst s1  }
0xa: {  	[smem:$0x3FA6] =	sst s2  }
0xb: {  	[smem:$0x3FA7] =	sst s3  }
0xc: {  	[smem:$0x3FA8] =	sst s4  }
0xd: {  	[smem:$0x3FA9] =	sst s5  }
0xe: {  	[smem:$0x3FAA] =	sst s6  }
0xf: {  	[smem:$0x3FAB] =	sst s7  }
0x10: {  	[smem:$0x3FAC] =	sst s8  }
0x11: {  	[smem:$0x3FAD] =	sst s9;
	s0 =	simm.s32 @!p0 $0x0  }
0x12: {  	s1 =	sld [smem:$0x3F93];
	s0 =	simm.s32 @p0 $0x1  }
0x13: {  	[smem:$0x3FAE] =	sst s0;
	s0 =	simm.s32 @!p1 $0x0  }
0x14: {  	s2 =	sld [smem:$0x3F92];
	s0 =	simm.s32 @p1 $0x1  }
0x15: {  	[smem:$0x3FAF] =	sst s0;
	s0 =	simm.s32 @!p2 $0x0  }
0x16: {  	s3 =	sld [smem:$0x3FDB];
	s0 =	simm.s32 @p2 $0x1  }
0x17: {  	s4 =	simm.s32 $0x1BF5;
	[smem:$0x3FB1] =	sst s0  }
0x18: {  	s0 =	sld [smem:$0x3F94];
	_ =	swait.ge [sflag:s4], $0x0  }
0x19: {  	s7 =	sld [smem:$0x3F95]  }
0x1a: {  	s8 =	sadd.s32 $0xFFFFE003, lr  }
0x1b: {  	s9 =	sadd.s32 $0xFFFFFEF7, lr;
	s5 =	simm.s32 $0xFFFFFFFF;
	p2 =	slt.u32 s8, $0xFFFFF086  }
0x1c: {  	p1 =	slt.u32 s9, $0xF7A;
	s5 =	simm.s32 @!p2 $0x0  }
0x1d: {  	s5 =	simm.s32 @p1 $0x1;
	p0 =	seq.s32 s7, s2  }
0x1e: {  	s7 =	smul.u32 @!p0 $0xF7A, s2;
	p2 =	seq.s32 @!p0 s5, $0x0  }
0x1f: {  	s9 =	smul.u32 $0xF7A, s1;
	s8 =	simm.s32 @!p0 $0x1BF5;
	p2 =	por !p2, p0  }
0x20: {  	[sflag:s8] =	ssyncset.s32 @!p0 $0xFFFFF086;
	s6 =	sadd.s32 @!p0 s3, s7;
	s7 =	simm.s32 @!p0 $0x108  }
0x21: {  	s3 =	sadd.s32 s3, s9;
	s6 =	sadd.s32 @!p0 $0x88, s6;
	s7 =	simm.s32 @p2 $0x1082  }
0x22: {  	[simem:s7], [sflag:s8] =	dma.local @!p0 [hbm:s6], $0xF7A  }
0x23: {  	s9 =	sor.u32 $0xD0000000, s2;
	s6 =	simm.s32 $0x108;
	_ =	swait.ge @!p0 [sflag:s8], $0x0  }
0x24: {  	s3 =	sadd.s32 $0x88, s3;
	s6 =	simm.s32 @!p1 $0x1082;
	[sflag:s4] =	ssyncset.s32 $0xFFFFF086  }
0x25: {  	[simem:s6], [sflag:s4] =	dma.local [hbm:s3], $0xF7A  }
0x26: {  	[smem:$0x3F95] =	sst s1;
	(tag) =	ssettag s2;
	_ =	strace s9  }
0x27: {  	s1 =	sld [smem:$0x3FA5]  }
0x28: {  	s2 =	sld [smem:$0x3FA6]  }
0x29: {  	s4 =	sld [smem:$0x3FA8]  }
0x2a: {  	p0 =	seq.s32 s5, $0x0;
	s5 =	sld [smem:$0x3FA9]  }
0x2b: {  	s6 =	sld [smem:$0x3FAA]  }
0x2c: {  	s7 =	sld [smem:$0x3FAB]  }
0x2d: {  	s3 =	simm.s32 $0x108;
	s8 =	sld [smem:$0x3FAC]  }
0x2e: {  	s3 =	simm.s32 @!p0 $0x1082;
	s9 =	sld [smem:$0x3FAD]  }
0x2f: {  	lr =	sadd.s32 s0, s3;
	s0 =	sld [smem:$0x3FA4]  }
0x30: {  	s3 =	sld [smem:$0x3FA7]  }
0x31: {  	[smem:$0x3FB0] =	sst s10  }
0x32: {  	s10 =	sld [smem:$0x3FAE];
	_ =	sdelay $0x3  }
0x33: {  	p0 =	seq.s32 s10, $0x1;
	s10 =	sld [smem:$0x3FB0];
	_ =	sdelay $0x3  }
0x34: {  	[smem:$0x3FB0] =	sst s10  }
0x35: {  	s10 =	sld [smem:$0x3FAF];
	_ =	sdelay $0x3  }
0x36: {  	p1 =	seq.s32 s10, $0x1;
	s10 =	sld [smem:$0x3FB0];
	_ =	sdelay $0x3  }
0x37: {  	[smem:$0x3FB0] =	sst s10  }
0x38: {  	s10 =	sld [smem:$0x3FB1]  }
0x39: {  	_ = 	snop;
	(pc) =	sbr.ind lr, $3  }
0x3a: {  	_ = 	snop  }
0x3b: {  	_ = 	snop  }
0x3c: {  	p2 =	seq.s32 s10, $0x1;
	s10 =	sld [smem:$0x3FB0]  }
0x3d: {  	_ =	shalt  }
0x3e: {  	_ =	shalt  }
0x3f: {  	_ =	shalt  }
0x40: {  	_ =	shalt  }
0x41: {  	_ =	shalt  }
0x42: {  	_ =	shalt  }
0x43: {  	_ =	shalt  }
0x44: {  	_ =	shalt  }
0x45: {  	_ =	shalt  }
0x46: {  	_ =	shalt  }
0x47: {  	_ =	shalt  }
0x48: {  	_ =	shalt  }
0x49: {  	_ =	shalt  }
0x4a: {  	_ =	shalt  }
0x4b: {  	_ =	shalt  }
0x4c: {  	_ =	shalt  }
0x4d: {  	_ =	shalt  }
0x4e: {  	_ =	shalt  }
0x4f: {  	_ =	shalt  }
0x50: {  	_ =	shalt  }
0x51: {  	_ =	shalt  }
0x52: {  	_ =	shalt  }
0x53: {  	_ =	shalt  }
0x54: {  	_ =	shalt  }
0x55: {  	_ =	shalt  }
0x56: {  	_ =	shalt  }
0x57: {  	_ =	shalt  }
0x58: {  	_ =	shalt  }
0x59: {  	_ =	shalt  }
0x5a: {  	_ =	shalt  }
0x5b: {  	_ =	shalt  }
0x5c: {  	_ =	shalt  }
0x5d: {  	_ =	shalt  }
0x5e: {  	_ =	shalt  }
0x5f: {  	_ =	shalt  }
0x60: {  	_ =	shalt  }
0x61: {  	_ =	shalt  }
0x62: {  	_ =	shalt  }
0x63: {  	_ =	shalt  }
0x64: {  	_ =	shalt  }
0x65: {  	_ =	shalt  }
0x66: {  	_ =	shalt  }
0x67: {  	_ =	shalt  }
0x68: {  	_ =	shalt  }
0x69: {  	_ =	shalt  }
0x6a: {  	_ =	shalt  }
0x6b: {  	_ =	shalt  }
0x6c: {  	_ =	shalt  }
0x6d: {  	_ =	shalt  }
0x6e: {  	_ =	shalt  }
0x6f: {  	_ =	shalt  }
0x70: {  	_ =	shalt  }
0x71: {  	_ =	shalt  }
0x72: {  	_ =	shalt  }
0x73: {  	_ =	shalt  }
0x74: {  	_ =	shalt  }
0x75: {  	_ =	shalt  }
0x76: {  	_ =	shalt  }
0x77: {  	_ =	shalt  }
0x78: {  	_ =	shalt  }
0x79: {  	_ =	shalt  }
0x7a: {  	_ =	shalt  }
0x7b: {  	_ =	shalt  }
0x7c: {  	_ =	shalt  }
0x7d: {  	_ =	shalt  }
0x7e: {  	_ =	shalt  }
0x7f: {  	_ =	shalt  }
0x80: {  	_ =	shalt  }
0x81: {  	_ =	shalt  }
0x82: {  	_ =	shalt  }
0x83: {  	_ =	shalt  }
0x84: {  	_ =	shalt  }
0x85: {  	_ =	shalt  }
0x86: {  	_ =	shalt  }
0x87: {  	_ =	shalt  }
.Lfunc_end0:
.L_simem_size_0:
called_computation.4_lowered:
.L_overlay_start_0:
0x88: {  	s2 =	sld [smem:$0x3FD9]  }
0x89: {  	s3 =	sld [smem:$0x3FFE];
	_ =	sdelay $0x1  }
0x8a: {  	s1 =	srdreg.scid  }
0x8b: {  	s0 =	sand.u32 $0x1, s1  }
0x8c: {  	s17 =	sshll.u32 s0, $0xA;
	s2 =	sadd.s32 s3, s2  }
0x8d: {  	s2 =	sadd.s32 s2, s17  }
0x8e: {  	[smem:$0x3FBC] =	sst s2  }
0x8f: {  	_ = 	snop  }
0x90: {  	s2 =	sld [smem:$0x3FD0];
	(tm) =	ssettm $0x1  }
0x91: {  	s18 =	sld [smem:$0x3FFB];
	_ =	sdelay $0x3  }
0x92: {  	_ =	strace s18  }
0x93: {  	s3 =	sld [smem:$0x3FFC];
	_ =	sdelay $0x3  }
0x94: {  	_ =	strace s3  }
0x95: {  	s3 =	sld [smem:$0x3FFD];
	_ =	sdelay $0x3  }
0x96: {  	_ =	strace s3  }
0x97: {  	_ =	strace $0x8FFFFFFF  }
0x98: {  	s19 =	sld [smem:$0x3FDB];
	_ =	sdelay $0x1  }
0x99: {  	s4 =	simm.s32 $_scs_section_size  }
0x9a: {  	s5 =	simm.s32 $_size__tile_overlayer_lowered;
	s6 =	simm.s32 $_tile_overlayer_lowered  }
0x9b: {  	s22 =	simm.s32 $0x1BFF;
	s21 =	sshll.u32 s6, $0x1;
	s3 =	sadd.s32 s4, s19  }
0x9c: {  	s7 =	simm.s32 $0x0;
	s20 =	sshll.u32 s5, $0x1;
	s5 =	sadd.s32 s21, s3  }
0x9d: {  	[timem:s7], [sflag:s22] =	dma.local [hbm:s5], s20  }
0x9e: {  	_ =	swait.ge [sflag:s22], s20  }
0x9f: {  	s4 =	ssub.s32 $0x0, s20;
	[sflag:s22] =	ssyncset.done $0x0  }
0xa0: {  	[sflag:s22] =	ssyncadd.s32 s4;
	_ =	sdelay $0x1  }
0xa1: {  	s23 =	simm.s32 $0x1B8B  }
0xa2: {  	_ =	swait.ge [sflag:s23], $0x1  }
0xa3: {  	[sflag:s23] =	ssyncset.done $0x0  }
0xa4: {  	s25 =	simm.s32 $0x1B8E;
	s24 =	sld [smem:$0x3FFE];
	[sflag:s23] =	ssyncadd.s32 $0xFFFFFFFF  }
0xa5: {  	s26 =	simm.s32 $execute0_lowered;
	[smem:$0x3FD2] =	sst s25  }
0xa6: {  	s5 =	sshll.u32 s26, $0x1;
	_ =	strace $0x80000052;
	[dreg:$0x1] =	wrdreg $0xFFFFFFFF  }
0xa7: {  	s28 =	simm.s32 $_size_execute0_lowered;
	s3 =	sadd.s32 s3, s5;
	[dreg:$0x0] =	wrdreg $0x0  }
0xa8: {  	s5 =	sshll.u32 s28, $0x1;
	[dreg:$0x2] =	wrdreg s3  }
0xa9: {  	[dreg:$0x3] =	wrdreg s5  }
0xaa: {  	[dreg:$0x4] =	wrdreg $0xC0  }
0xab: {  	_ =	task [dreg:s7], $0x5FFFF  }
0xac: {  	[dreg:$0x1] =	wrdreg $0xFFFFFFFF  }
0xad: {  	[dreg:$0x0] =	wrdreg $0x60  }
0xae: {  	[dreg:$0x2] =	wrdreg s24  }
0xaf: {  	[dreg:$0x3] =	wrdreg s2  }
0xb0: {  	[dreg:$0x4] =	wrdreg $0xB0000  }
0xb1: {  	[dreg:$0x5] =	wrdreg $0x9  }
0xb2: {  	_ =	task.clear_ibuf [dreg:s7], $0x6FFFF;
	_ =	strace $0x90000052  }
0xb3: {  	s29 =	simm.s32 $0x9;
	_ =	strace $0x80000054  }
0xb4: {  	_ =	swait.ge [sflag:s29], $0x1  }
0xb5: {  	[sflag:s29] =	ssyncadd.s32 $0xFFFFFFFF  }
0xb6: {  	_ =	strace $0x90000054  }
0xb7: {  	_ =	sfence  }
0xb8: {  	s30 =	sld [smem:$0x0];
	_ =	sdelay $0x2  }
0xb9: {  	s31 =	sshll.u32 s1, $0xD;
	s1 =	sshrl.u32 s1, $0x2  }
0xba: {  	s3 =	sand.u32 $0x4000, s31;
	s1 =	sadd.s32 s1, s30  }
0xbb: {  	s0 =	sor.u32 s3, s0;
	s1 =	sshll.u32 s1, $0x11  }
0xbc: {  	s0 =	sor.u32 s1, s0  }
0xbd: {  	s0 =	sadd.s32 $0x8F2B, s0  }
0xbe: {  	[sflag:s0] =	ssyncadd.remote.s32 $0x1  }
0xbf: {  	_ =	sfence.sel $0xFFFF  }
0xc0: {  	[dreg:$0x0] =	wrdreg $0xFFFFFFFF;
	(pc) =	sbr.abs _section_cstart, $3  }
0xc1: {  	[dreg:$0x1] =	wrdreg $0xFFFFFFFF  }
0xc2: {  	_ =	task.clear_ibuf [dreg:s7], $0x2FFFF;
	_ =	strace $0x9FFFFFFF  }
0xc3: {  	(tm) =	ssettm $0x7FFFFFFF  }
tec
execute0_lowered:
.L_overlay_start_1:
0x0: {  	(tag) =	ssettag $0x1  }
0x1: {  	s6 =	rddreg [dreg:$0x0]  }
0x2: {  	s9 =	rddreg [dreg:$0x1]  }
0x3: {  	s2 =	rddreg [dreg:$0x2];
	s1 =	stileid.u32  }
0x4: {  	s0 =	rddreg [dreg:$0x3];
	s10 =	smul.u32 $0x700, s1  }
0x5: {  	s4 =	srdreg.scid;
	s3 =	simm.s32 $0x0;
	s5 =	smul.u32 $0x300, s1  }
0x6: {  	s17 =	simm.s32 $0x1;
	s12 =	sand.u32 $0x1, s4;
	s8 =	smul.u32 $0x14000, s1  }
0x7: {  	[smem:$0x7FF] =	sst s3;
	s4 =	sadd.s32 $0x13600, s6;
	s15 =	smul.u32 $0x50000, s1  }
0x8: {  	s31 =	sshll.u32 s1, $0x6;
	s7 =	smul.u32 $0x140000, s12;
	_ =	strace $0x80000053  }
0x9: {  	s28 =	ssub.s32 $0x2, s12;
	p0 =	sne.s32 s12, $0x0;
	s12 =	sor.u32 $0x1C02, s31  }
0xa: {  	s11 =	sadd.s32 s10, s6;
	s13 =	sadd.s32 s5, s6;
	s5 =	sadd.s32 $0x10E00, s6  }
0xb: {  	s14 =	sshrl.u32 s28, $0x1;
	s29 =	sshrl.u32 s15, $0x2;
	s9 =	sadd.s32 s9, s10  }
.Ltmp0:
0xc: {  	s15 =	simm.s32 $0x80;
	s7 =	sadd.s32 s8, s7;
	(pc) =	sbr.rel .LBB2_1-.Ltmp0, $4  }
0xd: {  	s14 =	ssub.s32 s28, s14;
	s8 =	sadd.s32 $0x3E00, s11;
	s30 =	sadd.s32 s29, s2  }
0xe: {  	s7 =	sshrl.u32 s7, $0x3;
	s11 =	smax.u32 s14, $0x1;
	s14 =	simm.s32 $0x2  }
0xf: {  	s16 =	sadd.s32 s7, s6;
	s6 =	sadd.s32 $0xAE00, s13;
	s7 =	sadd.s32 $0xDE00, s13  }
0x10: {  	s13 =	sshrl.u32 s30, $0x3;
	s10 =	sadd.s32 $0x3B600, s16;
	s16 =	simm.s32 $0x7000  }
.LBB2_7:
0x11: {  	s18 =	sshra.s32 s18, $0x2;
	[sflag:s14] =	ssyncadd.s32 $0xFFFFC000  }
0x12: {  	[tilespmem:s16], [sflag:$0x1] =	stream.indirect.gather [hbm4b:s4+s15], $0x80, s18, s15, $0xb8;
	[tilespmem:$0x1F000] =	vst v63  }
0x13: {  	_ =	swait.ge [sflag:s17], $0x4000  }
0x14: {  	[sflag:s17] =	ssyncset.done $0x0  }
0x15: {  	s18 =	sadd.s32 $0x3800, s18;
	[sflag:s17] =	ssyncadd.s32 $0xFFFFC000  }
0x16: {  	[spmem:s2] =	stream.indirect.scatter.add.f32 [tilespmem:s16], [sflag:$0x2], $0x80, s18, s15, $0xb8;
	[tilespmem:$0x1F000] =	vst v63  }
0x17: {  	_ =	swait.ge [sflag:s14], $0x4000  }
0x18: {  	[sflag:s14] =	ssyncset.done $0x0  }
0x19: {  	[sflag:s14] =	ssyncadd.s32 $0xFFFFC000  }
.LBB2_8:
0x1a: {  	s3 =	sadd.s32 $0x1, s3  }
0x1b: {  	p1 =	sne.s32 s3, s11  }
.Ltmp1:
0x1c: {  	[bflag:$0x0] =	sbarrier.arrive $0xFFFF;
	(pc) =	sbr.rel @!p1 .LBB2_9-.Ltmp1, $4  }
0x1d: {  	[hbm:s10], [sflag:s12] =	dma.local [spmem:s13], $0x2800  }
0x1e: {  	_ =	swait.ge [sflag:s14], $0x2800  }
0x1f: {  	[sflag:s14] =	ssyncset.done $0x0  }
0x20: {  	[sflag:s14] =	ssyncadd.s32 $0xFFFFD800  }
.LBB2_1:
0x21: {  	s18 =	simm.s32 @p0 $0x0;
	s19 =	simm.s32 @p0 $0x2  }
0x22: {  	[tilespmem:s18], [sflag:$0x2] =	stream.linear.gather @p0 [hbm4b:s6+s18], $0x1700, $0x38;
	[tilespmem:$0x1F000] =	vst v63  }
0x23: {  	_ =	swait.ge @p0 [sflag:s19], $0x1700  }
0x24: {  	[sflag:s19] =	ssyncset.done @p0 $0x0  }
0x25: {  	s20 =	simm.s32 @p0 $0x3800;
	[sflag:s19] =	ssyncadd.s32 @p0 $0xFFFFE900  }
0x26: {  	[tilespmem:s20], [sflag:$0x2] =	stream.linear.gather @p0 [hbm4b:s7+s18], $0x1700, $0x38;
	[tilespmem:$0x1F000] =	vst v63  }
0x27: {  	_ =	swait.ge @p0 [sflag:s19], $0x1700  }
0x28: {  	[sflag:s19] =	ssyncset.done @p0 $0x0  }
0x29: {  	s18 =	simm.s32 @!p0 $0x0;
	[sflag:s19] =	ssyncadd.s32 @p0 $0xFFFFE900;
	s19 =	simm.s32 @!p0 $0x2  }
0x2a: {  	[tilespmem:s18], [sflag:$0x2] =	stream.linear.gather @!p0 [hbm4b:s8+s18], $0x3800, $0x38;
	[tilespmem:$0x1F000] =	vst v63  }
0x2b: {  	_ =	swait.ge @!p0 [sflag:s19], $0x3800  }
0x2c: {  	[sflag:s19] =	ssyncset.done @!p0 $0x0  }
0x2d: {  	s20 =	simm.s32 @!p0 $0x3800;
	[sflag:s19] =	ssyncadd.s32 @!p0 $0xFFFFC800  }
0x2e: {  	[tilespmem:s20], [sflag:$0x2] =	stream.linear.gather @!p0 [hbm4b:s9+s18], $0x3800, $0x38;
	[tilespmem:$0x1F000] =	vst v63  }
0x2f: {  	_ =	swait.ge @!p0 [sflag:s19], $0x3800  }
0x30: {  	[sflag:s19] =	ssyncset.done @!p0 $0x0  }
0x31: {  	[sflag:s19] =	ssyncadd.s32 @!p0 $0xFFFFC800  }
0x32: {  	[spmem:s13], [sflag:s12] =	dma.local [hbm:s5], $0x2800  }
.Ltmp2:
0x33: {  	_ =	swait.ge [sflag:s14], $0x2800;
	(pc) =	sbr.rel @p0 .LBB2_5-.Ltmp2, $4  }
0x34: {  	[sflag:s14] =	ssyncset.done $0x0  }
0x35: {  	[sflag:s14] =	ssyncadd.s32 $0xFFFFD800  }
0x36: {  	[bflag:$0x0] =	sbarrier.arrive $0xFFFF  }
0x37: {  	s18 =	simm.s32 $0x0  }
0x38: {  	[tilespmem:s16], [sflag:$0x1] =	stream.indirect.gather [hbm4b:s4+s15], $0x80, s18, s15, $0xb8;
	[tilespmem:$0x1F000] =	vst v63  }
0x39: {  	_ =	swait.ge [sflag:s17], $0x4000  }
0x3a: {  	[sflag:s17] =	ssyncset.done $0x0  }
0x3b: {  	s31 =	simm.s32 $0x3800;
	[sflag:s17] =	ssyncadd.s32 $0xFFFFC000  }
0x3c: {  	[spmem:s2] =	stream.indirect.scatter.add.f32 [tilespmem:s16], [sflag:$0x2], $0x80, s31, s15, $0xb8;
	[tilespmem:$0x1F000] =	vst v63  }
0x3d: {  	_ =	swait.ge [sflag:s14], $0x4000  }
0x3e: {  	s18 =	simm.s32 $0x200;
	s19 =	simm.s32 $0x400;
	[sflag:s14] =	ssyncset.done $0x0  }
.LBB2_3:
0x3f: {  	s20 =	sshra.s32 s18, $0x2  }
0x40: {  	[sflag:s14] =	ssyncadd.s32 $0xFFFFC000;
	s18 =	smov.u32 s19;
	s21 =	sadd.s32 $0x200, s19  }
0x41: {  	[tilespmem:s16], [sflag:$0x1] =	stream.indirect.gather [hbm4b:s4+s15], $0x80, s20, s15, $0xb8;
	[tilespmem:$0x1F000] =	vst v63  }
0x42: {  	p1 =	seq.s32 s19, $0xDE00;
	_ =	swait.ge [sflag:s17], $0x4000  }
.Ltmp3:
0x43: {  	[sflag:s17] =	ssyncset.done $0x0;
	(pc) =	sbr.rel @!p1 .LBB2_3-.Ltmp3, $4  }
0x44: {  	s19 =	sadd.s32 $0x3800, s20;
	[sflag:s17] =	ssyncadd.s32 $0xFFFFC000  }
0x45: {  	[spmem:s2] =	stream.indirect.scatter.add.f32 [tilespmem:s16], [sflag:$0x2], $0x80, s19, s15, $0xb8;
	[tilespmem:$0x1F000] =	vst v63  }
0x46: {  	_ =	swait.ge [sflag:s14], $0x4000  }
0x47: {  	s19 =	smov.u32 s21;
	[sflag:s14] =	ssyncset.done $0x0  }
0x48: {  	s18 =	sshra.s32 s18, $0x2;
	[sflag:s14] =	ssyncadd.s32 $0xFFFFC000  }
0x49: {  	[tilespmem:s16], [sflag:$0x1] =	stream.indirect.gather [hbm4b:s4+s15], $0x80, s18, s15, $0xb8;
	[tilespmem:$0x1F000] =	vst v63  }
0x4a: {  	_ =	swait.ge [sflag:s17], $0x4000  }
0x4b: {  	[sflag:s17] =	ssyncset.done $0x0  }
.Ltmp4:
0x4c: {  	s18 =	sadd.s32 $0x3800, s18;
	[sflag:s17] =	ssyncadd.s32 $0xFFFFC000;
	(pc) =	sbr.rel .LBB2_8-.Ltmp4, $4  }
0x4d: {  	[spmem:s2] =	stream.indirect.scatter.add.f32 [tilespmem:s16], [sflag:$0x2], $0x80, s18, s15, $0xb8;
	[tilespmem:$0x1F000] =	vst v63  }
0x4e: {  	_ =	swait.ge [sflag:s14], $0x4000  }
0x4f: {  	[sflag:s14] =	ssyncset.done $0x0  }
0x50: {  	[sflag:s14] =	ssyncadd.s32 $0xFFFFC000  }
.LBB2_5:
0x51: {  	[tilespmem:s16], [sflag:$0x1] =	stream.indirect.gather [hbm4b:s4+s15], $0x80, s18, s15, $0xb8;
	[tilespmem:$0x1F000] =	vst v63  }
0x52: {  	_ =	swait.ge [sflag:s17], $0x4000  }
0x53: {  	[sflag:s17] =	ssyncset.done $0x0  }
0x54: {  	s31 =	simm.s32 $0x3800;
	[sflag:s17] =	ssyncadd.s32 $0xFFFFC000  }
0x55: {  	[spmem:s2] =	stream.indirect.scatter.add.f32 [tilespmem:s16], [sflag:$0x2], $0x80, s31, s15, $0xb8;
	[tilespmem:$0x1F000] =	vst v63  }
0x56: {  	_ =	swait.ge [sflag:s14], $0x4000  }
0x57: {  	s18 =	simm.s32 $0x200;
	s19 =	simm.s32 $0x400;
	[sflag:s14] =	ssyncset.done $0x0  }
.LBB2_6:
0x58: {  	s20 =	sshra.s32 s18, $0x2  }
0x59: {  	[sflag:s14] =	ssyncadd.s32 $0xFFFFC000;
	s18 =	smov.u32 s19;
	s21 =	sadd.s32 $0x200, s19  }
0x5a: {  	[tilespmem:s16], [sflag:$0x1] =	stream.indirect.gather [hbm4b:s4+s15], $0x80, s20, s15, $0xb8;
	[tilespmem:$0x1F000] =	vst v63  }
0x5b: {  	p1 =	sne.s32 s19, $0x5A00;
	_ =	swait.ge [sflag:s17], $0x4000  }
.Ltmp5:
0x5c: {  	[sflag:s17] =	ssyncset.done $0x0;
	(pc) =	sbr.rel @p1 .LBB2_6-.Ltmp5, $4  }
0x5d: {  	s19 =	sadd.s32 $0x3800, s20;
	[sflag:s17] =	ssyncadd.s32 $0xFFFFC000  }
0x5e: {  	[spmem:s2] =	stream.indirect.scatter.add.f32 [tilespmem:s16], [sflag:$0x2], $0x80, s19, s15, $0xb8;
	[tilespmem:$0x1F000] =	vst v63  }
0x5f: {  	_ =	swait.ge [sflag:s14], $0x4000  }
0x60: {  	s19 =	smov.u32 s21;
	[sflag:s14] =	ssyncset.done $0x0  }
.Ltmp6:
0x61: {  	_ = 	snop;
	(pc) =	sbr.rel .LBB2_7-.Ltmp6, $1  }
0x62: {  	_ =	sdelay $0x3  }
.LBB2_9:
0x63: {  	_ =	sfence.sel $0x180000  }
0x64: {  	[bflag:$0x0] =	sbarrier.arrive $0xFFFF  }
0x65: {  	p0 =	sne.s32 s1, $0x0;
	_ =	strace $0x90000053  }
0x66: {  	s0 =	sadd.s32 @!p0 $0x100000, s0;
	[bflag:$0x2] =	sbarrier.arrive $0xFFFF  }
0x67: {  	[sflag:s0] =	ssyncadd.tile.s32 @!p0 $0x1;
	_ =	shalt  }
.Lfunc_end2:
_tile_overlayer_lowered:
.L_overlay_start_2:
0x68: {  	(tag) =	ssettag $0x2  }
0x69: {  	s0 =	rddreg [dreg:$0x0];
	s2 =	stileid.u32  }
0x6a: {  	s1 =	rddreg [dreg:$0x1];
	p0 =	sne.s32 s2, $0x0  }
0x6b: {  	s3 =	rddreg [dreg:$0x2];
	[bflag:$0x3] =	sbarrier.arrive $0xFFFF;
	s2 =	simm.s32 @!p0 $0x1C02  }
0x6c: {  	[timem:s3], [sflag:s2] =	dma.local @!p0 [hbm:s0], s1  }
0x6d: {  	s0 =	simm.s32 @!p0 $0x2  }
0x6e: {  	_ =	swait.ge @!p0 [sflag:s0], s1  }
0x6f: {  	s1 =	ssub.s32 @!p0 $0x0, s1;
	[sflag:s0] =	ssyncset.done @!p0 $0x0  }
0x70: {  	[sflag:s0] =	ssyncadd.s32 @!p0 s1  }
0x71: {  	[bflag:$0x3] =	sbarrier.arrive $0xFFFF  }
0x72: {  	_ =	shalt  }

</sc_bundles>
